<compile_context>
chip_gen: v7x
topology: tpu7x:2x2x1
jax: 0.10.2.dev20260603
libtpu: 0.0.44.dev20260713+nightly
codegen_flags: <defaults>
</compile_context>

<pallas_src>
import functools

import jax
import jax.numpy as jnp
from jax import lax
from jax.experimental import pallas as pl
from jax.experimental.pallas import tpu as pltpu
from jax.experimental.pallas import tpu_sc as plsc

B = 16384
SEQ = 10
EMB = 32
HID = 128
N_ACT = 32
NPAT = 1 << SEQ

NC = 2
NS = 16
L = 16
NW = NC * NS
RPW = B // NW
NG = RPW // L


def _lut_body(tok_ref, pos_ref, wb_ref, bb_ref, wa_ref, ba_ref, wc_ref,
              bc_ref, lut_ref, cvec_ref):
    e = tok_ref[1:2, :] + pos_ref[...]
    h = jnp.maximum(
        jnp.dot(e, wb_ref[...], preferred_element_type=jnp.float32)
        + bb_ref[...], 0.0)
    a1 = jnp.dot(h, wa_ref[...], preferred_element_type=jnp.float32)
    c1 = jnp.dot(h, wc_ref[...], preferred_element_type=jnp.float32)
    p_io = lax.broadcasted_iota(jnp.int32, (NPAT, SEQ), 0)
    s_io = lax.broadcasted_iota(jnp.int32, (NPAT, SEQ), 1)
    bits = ((p_io >> s_io) & 1).astype(jnp.float32)
    cnt = bits.sum(axis=1, keepdims=True)
    scale = 1.0 / (cnt + 1e-6)
    lut_ref[...] = (jnp.dot(bits, a1, preferred_element_type=jnp.float32)
                    * scale + ba_ref[...])
    cvec_ref[...] = jnp.concatenate(
        [c1, bc_ref[...], jnp.zeros((L - SEQ - 1, 1), jnp.float32)], axis=0)


_lut_call = pl.pallas_call(
    _lut_body,
    out_shape=[
        jax.ShapeDtypeStruct((NPAT, N_ACT), jnp.float32),
        jax.ShapeDtypeStruct((L, 1), jnp.float32),
    ],
)


def _sc_body(inpt_hbm, maskw_hbm, lut_hbm, cvec_hbm, actor_hbm, critic_hbm,
             inp_v, lut_v, out_v, maskw_v, cvec_v, crit_v, pat_v, lut_sem,
             mask_sem):
    wid = lax.axis_index("s") * NC + lax.axis_index("c")
    base = wid * RPW
    with jax.named_scope("in_copies"):
        lut_cp = pltpu.async_copy(lut_hbm, lut_v, lut_sem)
        mask_cp = pltpu.async_copy(
            maskw_hbm.at[pl.ds(base, RPW)], maskw_v, mask_sem)
        pltpu.sync_copy(inpt_hbm.at[pl.ds(wid * SEQ * RPW, SEQ * RPW)], inp_v)
        pltpu.sync_copy(cvec_hbm, cvec_v)

    cv = cvec_v[pl.ds(0, L)]
    c1 = [cv[s] for s in range(SEQ)]
    bc = cv[SEQ]
    iota = lax.iota(jnp.int32, L)
    neg = jnp.full((L,), -1e9, jnp.float32)

    def _pat(g):
        r0 = g * L
        p = jnp.zeros((L,), jnp.int32)
        acc = jnp.zeros((L,), jnp.float32)
        cnt = jnp.zeros((L,), jnp.float32)
        one = jnp.full((L,), 1.0, jnp.float32)
        zero = jnp.zeros((L,), jnp.float32)
        for s in range(SEQ):
            v = inp_v[pl.ds(s * RPW + r0, L)]
            m = v == 1
            p = p | jnp.where(m, jnp.int32(1 << s), jnp.int32(0))
            ind = jnp.where(m, one, zero)
            acc = acc + ind * c1[s]
            cnt = cnt + ind
        crit_v[pl.ds(r0, L)] = acc / (cnt + 1e-6) + bc
        pat_v[pl.ds(r0, L)] = p * N_ACT
    with jax.named_scope("pattern_pass"):
        plsc.parallel_loop(0, NG)(_pat)

    with jax.named_scope("lut_wait"):
        lut_cp.wait()
        mask_cp.wait()

    def _gth(g):
        r0 = g * L
        rvec = r0 + iota
        mw = maskw_v[pl.ds(r0, L)]
        pbase = pat_v[pl.ds(r0, L)]
        for j in range(N_ACT):
            cids = (iota + j) & (N_ACT - 1)
            lg = plsc.load_gather(lut_v, [pbase + cids])
            mk = (mw >> cids) & 1
            out = jnp.where(mk != 0, lg, neg)
            plsc.store_scatter(out_v, [rvec, cids], out)
    with jax.named_scope("gather_pass"):
        plsc.parallel_loop(0, NG)(_gth)

    with jax.named_scope("out_copies"):
        pltpu.sync_copy(out_v, actor_hbm.at[pl.ds(base, RPW), :])
        pltpu.sync_copy(crit_v, critic_hbm.at[pl.ds(base, RPW)])


@functools.lru_cache(maxsize=1)
def _get_sc_call():
    mesh = plsc.VectorSubcoreMesh(core_axis_name="c", subcore_axis_name="s")
    return pl.kernel(
        _sc_body,
        mesh=mesh,
        compiler_params=pltpu.CompilerParams(needs_layout_passes=False),
        out_type=[
            jax.ShapeDtypeStruct((B, N_ACT), jnp.float32),
            jax.ShapeDtypeStruct((B,), jnp.float32),
        ],
        scratch_types=[
            pltpu.VMEM((SEQ * RPW,), jnp.int32),
            pltpu.VMEM((NPAT * N_ACT,), jnp.float32),
            pltpu.VMEM((RPW, N_ACT), jnp.float32),
            pltpu.VMEM((RPW,), jnp.int32),
            pltpu.VMEM((L,), jnp.float32),
            pltpu.VMEM((RPW,), jnp.float32),
            pltpu.VMEM((RPW,), jnp.int32),
            pltpu.SemaphoreType.DMA,
            pltpu.SemaphoreType.DMA,
        ],
    )


def kernel(inputs, action_mask, token_table, pos_table, W_body, b_body,
           W_actor, b_actor, W_critic, b_critic):
    lut, cvec = _lut_call(
        token_table, pos_table, W_body, b_body.reshape(1, HID),
        W_actor, b_actor.reshape(1, N_ACT), W_critic, b_critic.reshape(1, 1))
    maskw = jnp.sum(
        action_mask.astype(jnp.int32)
        << jnp.arange(N_ACT, dtype=jnp.int32)[None, :], axis=1)
    inpt = inputs.reshape(NW, RPW, SEQ).transpose(0, 2, 1).reshape(-1)
    actor, critic = _get_sc_call()(
        inpt, maskw, lut.reshape(-1), cvec.reshape(L))
    return actor, critic.reshape(B, 1)

# --- scband reference (transcript-rebuilt; emitter-appended) ---
"""Pipeline reference for scband-actor-critic-model-81716047773794 (READ-ONLY COPY).

The authoritative reference and input builder live on the scoring server;
editing this copy changes nothing except your own understanding.
"""

import jax, jax.numpy as jnp
import numpy as np

B = 16384
SEQ = 10
VOCAB = 5
POS = 10
EMB = 32
HID = 128
N_ACT = 32


def setup_inputs(seed: int = 0) -> dict:
    key = jax.random.key(seed)
    ks = jax.random.split(key, 8)
    inputs = jax.random.randint(ks[0], (B, SEQ), 0, VOCAB, dtype=jnp.int32)
    action_mask = jax.random.randint(ks[1], (B, N_ACT), 0, 2, dtype=jnp.int32) == 1
    # embedding tables (variance_scaling with scale=features**-0.5, fan_in, normal)
    token_table = jax.random.normal(ks[2], (VOCAB, EMB), dtype=jnp.float32) * (EMB ** -0.5)
    pos_table = jax.random.normal(ks[3], (POS, EMB), dtype=jnp.float32) * (EMB ** -0.5)
    # body / heads parameters
    W_body = jax.random.normal(ks[4], (EMB, HID), dtype=jnp.float32) * (1.0 / np.sqrt(EMB))
    b_body = jnp.zeros((HID,), dtype=jnp.float32)
    W_actor = jax.random.normal(ks[5], (HID, N_ACT), dtype=jnp.float32) * (1.0 / np.sqrt(HID))
    b_actor = jnp.zeros((N_ACT,), dtype=jnp.float32)
    W_critic = jax.random.normal(ks[6], (HID, 1), dtype=jnp.float32) * (1.0 / np.sqrt(HID))
    b_critic = jnp.zeros((1,), dtype=jnp.float32)
    return {
        'inputs': inputs,
        'action_mask': action_mask,
        'token_table': token_table,
        'pos_table': pos_table,
        'W_body': W_body,
        'b_body': b_body,
        'W_actor': W_actor,
        'b_actor': b_actor,
        'W_critic': W_critic,
        'b_critic': b_critic,
    }


def reference(inputs, action_mask, token_table, pos_table, W_body, b_body, W_actor, b_actor, W_critic, b_critic):
    input_mask = (inputs == 1)
    # embedding lookups (gather)
    token_embeds = jnp.take(token_table, inputs, axis=0)              # [B, SEQ, EMB]
    position_embeds = jnp.take(pos_table, jnp.arange(0, POS), axis=0) # [SEQ, EMB]
    embeds = token_embeds + position_embeds[None, :, :]
    # body: Dense + ReLU + masked mean pool over sequence
    h = jax.nn.relu(embeds @ W_body + b_body)                          # [B, SEQ, HID]
    m = input_mask.astype(h.dtype)[..., None]
    x = (h * m).sum(axis=1) / (m.sum(axis=1) + 1e-6)                   # [B, HID]
    # actor head with action mask
    logits = x @ W_actor + b_actor                                     # [B, N_ACT]
    actor_logits = jnp.where(action_mask, logits, jnp.full_like(logits, -1e9))
    # critic head
    critic_value = x @ W_critic + b_critic                             # [B, 1]
    return (actor_logits, critic_value)

if __name__ == "__main__":
    import jax
    _d = setup_inputs()
    print(jax.jit(kernel)(*tuple(_d.values())))

</pallas_src>

<mosaic_0001>
#map = affine_map<(d0, d1) -> (0)>
#map1 = affine_map<(d0, d1) -> (0, 0)>
module attributes {stable_mosaic.version = 14 : i64} {
  func.func @_sc_body(%arg0: i32, %arg1: i32, %arg2: memref<163840xi32, #tpu.memory_space<hbm>>, %arg3: memref<16384xi32, #tpu.memory_space<hbm>>, %arg4: memref<32768xf32, #tpu.memory_space<hbm>>, %arg5: memref<16xf32, #tpu.memory_space<hbm>>, %arg6: memref<16384x32xf32, #tpu.memory_space<hbm>>, %arg7: memref<16384xf32, #tpu.memory_space<hbm>>, %arg8: memref<5120xi32, #tpu.memory_space<vmem>>, %arg9: memref<32768xf32, #tpu.memory_space<vmem>>, %arg10: memref<512x32xf32, #tpu.memory_space<vmem>>, %arg11: memref<512xi32, #tpu.memory_space<vmem>>, %arg12: memref<16xf32, #tpu.memory_space<vmem>>, %arg13: memref<512xf32, #tpu.memory_space<vmem>>, %arg14: memref<512xi32, #tpu.memory_space<vmem>>, %arg15: memref<!tpu.dma_semaphore, #tpu.memory_space<semaphore_mem>>, %arg16: memref<!tpu.dma_semaphore, #tpu.memory_space<semaphore_mem>>) attributes {dimension_semantics = [#tpu.dimension_semantics<core_parallel>, #tpu.dimension_semantics<subcore_parallel>], iteration_bounds = array<i64: 2, 16>, scalar_prefetch = 0 : i64, scratch_operands = 9 : i64, tpu.core_type = #tpu.core_type<sc_vector_subcore>, window_params = [{transform_indices = #map}, {transform_indices = #map}, {transform_indices = #map}, {transform_indices = #map}, {transform_indices = #map1}, {transform_indices = #map}]} {
    %mul3A = arith.constant 2 : i32
    %mul3A_0 = arith.muli %arg1, %mul3A : i32
    %add3A = arith.addi %mul3A_0, %arg0 : i32
    %mul3A_1 = arith.constant 512 : i32
    %mul3A_2 = arith.muli %add3A, %mul3A_1 : i32
    "tpu.trace_start"() <{level = 10 : i32, message = "in_copies"}> : () -> ()
    tpu.enqueue_dma source(%arg4 : memref<32768xf32, #tpu.memory_space<hbm>>) target(%arg9 : memref<32768xf32, #tpu.memory_space<vmem>>) target_semaphore(%arg15 : memref<!tpu.dma_semaphore, #tpu.memory_space<semaphore_mem>>)
    %dma_start3A = tpu.memref_slice %arg3[%mul3A_2] : memref<16384xi32, #tpu.memory_space<hbm>> -> memref<512xi32, #tpu.memory_space<hbm>>
    %dma_start3A_3 = tpu.memref_slice %arg3[%mul3A_2] : memref<16384xi32, #tpu.memory_space<hbm>> -> memref<512xi32, #tpu.memory_space<hbm>>
    tpu.enqueue_dma source(%dma_start3A_3 : memref<512xi32, #tpu.memory_space<hbm>>) target(%arg11 : memref<512xi32, #tpu.memory_space<vmem>>) target_semaphore(%arg16 : memref<!tpu.dma_semaphore, #tpu.memory_space<semaphore_mem>>)
    %mul3A_4 = arith.constant 10 : i32
    %mul3A_5 = arith.muli %add3A, %mul3A_4 : i32
    %mul3A_6 = arith.constant 512 : i32
    %mul3A_7 = arith.muli %mul3A_5, %mul3A_6 : i32
    "tpu.region"() ({
      %run_scoped3A = tpu.sem_alloc : memref<!tpu.dma_semaphore, #tpu.memory_space<semaphore_mem>>
      %dma_start3A_36 = tpu.memref_slice %arg2[%mul3A_7] : memref<163840xi32, #tpu.memory_space<hbm>> -> memref<5120xi32, #tpu.memory_space<hbm>>
      %dma_start3A_37 = tpu.memref_slice %arg2[%mul3A_7] : memref<163840xi32, #tpu.memory_space<hbm>> -> memref<5120xi32, #tpu.memory_space<hbm>>
      tpu.enqueue_dma source(%dma_start3A_37 : memref<5120xi32, #tpu.memory_space<hbm>>) target(%arg8 : memref<5120xi32, #tpu.memory_space<vmem>>) target_semaphore(%run_scoped3A : memref<!tpu.dma_semaphore, #tpu.memory_space<semaphore_mem>>)
      %dma_wait3A_38 = tpu.memref_slice %arg2[%mul3A_7] : memref<163840xi32, #tpu.memory_space<hbm>> -> memref<5120xi32, #tpu.memory_space<hbm>>
      %dma_wait3A_39 = tpu.memref_slice %arg2[%mul3A_7] : memref<163840xi32, #tpu.memory_space<hbm>> -> memref<5120xi32, #tpu.memory_space<hbm>>
      tpu.wait_dma2 semaphore(%run_scoped3A : memref<!tpu.dma_semaphore, #tpu.memory_space<semaphore_mem>>) src(%dma_wait3A_39 : memref<5120xi32, #tpu.memory_space<hbm>>) dst(%arg8 : memref<5120xi32, #tpu.memory_space<vmem>>)
      tpu.yield
    }) : () -> ()
    "tpu.region"() ({
      %run_scoped3A = tpu.sem_alloc : memref<!tpu.dma_semaphore, #tpu.memory_space<semaphore_mem>>
      tpu.enqueue_dma source(%arg5 : memref<16xf32, #tpu.memory_space<hbm>>) target(%arg12 : memref<16xf32, #tpu.memory_space<vmem>>) target_semaphore(%run_scoped3A : memref<!tpu.dma_semaphore, #tpu.memory_space<semaphore_mem>>)
      tpu.wait_dma2 semaphore(%run_scoped3A : memref<!tpu.dma_semaphore, #tpu.memory_space<semaphore_mem>>) src(%arg5 : memref<16xf32, #tpu.memory_space<hbm>>) dst(%arg12 : memref<16xf32, #tpu.memory_space<vmem>>)
      tpu.yield
    }) : () -> ()
    "tpu.trace_stop"() : () -> ()
    %get3A = arith.constant 0 : index
    %get3A_8 = tpu.vector_load %arg12[%get3A] {strides = array<i32>} : memref<16xf32, #tpu.memory_space<vmem>>, vector<16xf32>,
    %slice3A = vector.extract_strided_slice %get3A_8 {offsets = [0], sizes = [1], strides = [1]} : vector<16xf32> to vector<1xf32>
    %squeeze3A = vector.extract %slice3A[0] : f32 from vector<1xf32>
    %slice3A_9 = vector.extract_strided_slice %get3A_8 {offsets = [1], sizes = [1], strides = [1]} : vector<16xf32> to vector<1xf32>
    %squeeze3A_10 = vector.extract %slice3A_9[0] : f32 from vector<1xf32>
    %slice3A_11 = vector.extract_strided_slice %get3A_8 {offsets = [2], sizes = [1], strides = [1]} : vector<16xf32> to vector<1xf32>
    %squeeze3A_12 = vector.extract %slice3A_11[0] : f32 from vector<1xf32>
    %slice3A_13 = vector.extract_strided_slice %get3A_8 {offsets = [3], sizes = [1], strides = [1]} : vector<16xf32> to vector<1xf32>
    %squeeze3A_14 = vector.extract %slice3A_13[0] : f32 from vector<1xf32>
    %slice3A_15 = vector.extract_strided_slice %get3A_8 {offsets = [4], sizes = [1], strides = [1]} : vector<16xf32> to vector<1xf32>
    %squeeze3A_16 = vector.extract %slice3A_15[0] : f32 from vector<1xf32>
    %slice3A_17 = vector.extract_strided_slice %get3A_8 {offsets = [5], sizes = [1], strides = [1]} : vector<16xf32> to vector<1xf32>
    %squeeze3A_18 = vector.extract %slice3A_17[0] : f32 from vector<1xf32>
    %slice3A_19 = vector.extract_strided_slice %get3A_8 {offsets = [6], sizes = [1], strides = [1]} : vector<16xf32> to vector<1xf32>
    %squeeze3A_20 = vector.extract %slice3A_19[0] : f32 from vector<1xf32>
    %slice3A_21 = vector.extract_strided_slice %get3A_8 {offsets = [7], sizes = [1], strides = [1]} : vector<16xf32> to vector<1xf32>
    %squeeze3A_22 = vector.extract %slice3A_21[0] : f32 from vector<1xf32>
    %slice3A_23 = vector.extract_strided_slice %get3A_8 {offsets = [8], sizes = [1], strides = [1]} : vector<16xf32> to vector<1xf32>
    %squeeze3A_24 = vector.extract %slice3A_23[0] : f32 from vector<1xf32>
    %slice3A_25 = vector.extract_strided_slice %get3A_8 {offsets = [9], sizes = [1], strides = [1]} : vector<16xf32> to vector<1xf32>
    %squeeze3A_26 = vector.extract %slice3A_25[0] : f32 from vector<1xf32>
    %slice3A_27 = vector.extract_strided_slice %get3A_8 {offsets = [10], sizes = [1], strides = [1]} : vector<16xf32> to vector<1xf32>
    %squeeze3A_28 = vector.extract %slice3A_27[0] : f32 from vector<1xf32>
    %iota3A = tpu.iota {dimensions = array<i32: 0>} : vector<16xi32>
    %broadcast_in_dim3A = arith.constant -1.000000e+09 : f32
    %broadcast_in_dim3A_29 = vector.broadcast %broadcast_in_dim3A : f32 to vector<16xf32>
    %parallel_loop3A = arith.constant 0 : i32
    %parallel_loop3A_30 = arith.constant 32 : i32
    %parallel_loop3A_31 = arith.constant 1 : i32
    "tpu.trace_start"() <{level = 10 : i32, message = "pattern_pass"}> : () -> ()
    scf.for %parallel_loop3A_36 = %parallel_loop3A to %parallel_loop3A_30 step %parallel_loop3A_31  : i32 {
      %parallel_loop3A_37 = arith.constant 16 : i32
      %parallel_loop3A_38 = arith.muli %parallel_loop3A_36, %parallel_loop3A_37 : i32
      %parallel_loop3A_39 = arith.constant 0 : i32
      %parallel_loop3A_40 = vector.broadcast %parallel_loop3A_39 : i32 to vector<16xi32>
      %parallel_loop3A_41 = arith.constant 0.000000e+00 : f32
      %parallel_loop3A_42 = vector.broadcast %parallel_loop3A_41 : f32 to vector<16xf32>
      %parallel_loop3A_43 = arith.constant 0.000000e+00 : f32
      %parallel_loop3A_44 = vector.broadcast %parallel_loop3A_43 : f32 to vector<16xf32>
      %parallel_loop3A_45 = arith.constant 1.000000e+00 : f32
      %parallel_loop3A_46 = vector.broadcast %parallel_loop3A_45 : f32 to vector<16xf32>
      %parallel_loop3A_47 = arith.constant 0.000000e+00 : f32
      %parallel_loop3A_48 = vector.broadcast %parallel_loop3A_47 : f32 to vector<16xf32>
      %parallel_loop3A_49 = arith.constant 0 : i32
      %parallel_loop3A_50 = arith.addi %parallel_loop3A_49, %parallel_loop3A_38 : i32
      %parallel_loop3A_51 = arith.index_cast %parallel_loop3A_50 : i32 to index
      %parallel_loop3A_52 = tpu.vector_load %arg8[%parallel_loop3A_51] {strides = array<i32>} : memref<5120xi32, #tpu.memory_space<vmem>>, vector<16xi32>,
      %parallel_loop3A_53 = arith.constant 1 : i32
      %parallel_loop3A_54 = vector.broadcast %parallel_loop3A_53 : i32 to vector<16xi32>
      %parallel_loop3A_55 = arith.cmpi eq, %parallel_loop3A_52, %parallel_loop3A_54 : vector<16xi32>
      %parallel_loop3A_56 = arith.constant 1 : i32
      %parallel_loop3A_57 = arith.constant 0 : i32
      %parallel_loop3A_58 = vector.broadcast %parallel_loop3A_56 : i32 to vector<16xi32>
      %parallel_loop3A_59 = vector.broadcast %parallel_loop3A_57 : i32 to vector<16xi32>
      %parallel_loop3A_60 = arith.select %parallel_loop3A_55, %parallel_loop3A_58, %parallel_loop3A_59 : vector<16xi1>, vector<16xi32>
      %parallel_loop3A_61 = arith.ori %parallel_loop3A_40, %parallel_loop3A_60 : vector<16xi32>
      %parallel_loop3A_62 = arith.select %parallel_loop3A_55, %parallel_loop3A_46, %parallel_loop3A_48 : vector<16xi1>, vector<16xf32>
      %parallel_loop3A_63 = vector.broadcast %squeeze3A : f32 to vector<16xf32>
      %parallel_loop3A_64 = arith.mulf %parallel_loop3A_62, %parallel_loop3A_63 : vector<16xf32>
      %parallel_loop3A_65 = arith.addf %parallel_loop3A_42, %parallel_loop3A_64 : vector<16xf32>
      %parallel_loop3A_66 = arith.addf %parallel_loop3A_44, %parallel_loop3A_62 : vector<16xf32>
      %parallel_loop3A_67 = arith.constant 512 : i32
      %parallel_loop3A_68 = arith.addi %parallel_loop3A_67, %parallel_loop3A_38 : i32
      %parallel_loop3A_69 = arith.index_cast %parallel_loop3A_68 : i32 to index
      %parallel_loop3A_70 = tpu.vector_load %arg8[%parallel_loop3A_69] {strides = array<i32>} : memref<5120xi32, #tpu.memory_space<vmem>>, vector<16xi32>,
      %parallel_loop3A_71 = arith.constant 1 : i32
      %parallel_loop3A_72 = vector.broadcast %parallel_loop3A_71 : i32 to vector<16xi32>
      %parallel_loop3A_73 = arith.cmpi eq, %parallel_loop3A_70, %parallel_loop3A_72 : vector<16xi32>
      %parallel_loop3A_74 = arith.constant 2 : i32
      %parallel_loop3A_75 = arith.constant 0 : i32
      %parallel_loop3A_76 = vector.broadcast %parallel_loop3A_74 : i32 to vector<16xi32>
      %parallel_loop3A_77 = vector.broadcast %parallel_loop3A_75 : i32 to vector<16xi32>
      %parallel_loop3A_78 = arith.select %parallel_loop3A_73, %parallel_loop3A_76, %parallel_loop3A_77 : vector<16xi1>, vector<16xi32>
      %parallel_loop3A_79 = arith.ori %parallel_loop3A_61, %parallel_loop3A_78 : vector<16xi32>
      %parallel_loop3A_80 = arith.select %parallel_loop3A_73, %parallel_loop3A_46, %parallel_loop3A_48 : vector<16xi1>, vector<16xf32>
      %parallel_loop3A_81 = vector.broadcast %squeeze3A_10 : f32 to vector<16xf32>
      %parallel_loop3A_82 = arith.mulf %parallel_loop3A_80, %parallel_loop3A_81 : vector<16xf32>
      %parallel_loop3A_83 = arith.addf %parallel_loop3A_65, %parallel_loop3A_82 : vector<16xf32>
      %parallel_loop3A_84 = arith.addf %parallel_loop3A_66, %parallel_loop3A_80 : vector<16xf32>
      %parallel_loop3A_85 = arith.constant 1024 : i32
      %parallel_loop3A_86 = arith.addi %parallel_loop3A_85, %parallel_loop3A_38 : i32
      %parallel_loop3A_87 = arith.index_cast %parallel_loop3A_86 : i32 to index
      %parallel_loop3A_88 = tpu.vector_load %arg8[%parallel_loop3A_87] {strides = array<i32>} : memref<5120xi32, #tpu.memory_space<vmem>>, vector<16xi32>,
      %parallel_loop3A_89 = arith.constant 1 : i32
      %parallel_loop3A_90 = vector.broadcast %parallel_loop3A_89 : i32 to vector<16xi32>
      %parallel_loop3A_91 = arith.cmpi eq, %parallel_loop3A_88, %parallel_loop3A_90 : vector<16xi32>
      %parallel_loop3A_92 = arith.constant 4 : i32
      %parallel_loop3A_93 = arith.constant 0 : i32
      %parallel_loop3A_94 = vector.broadcast %parallel_loop3A_92 : i32 to vector<16xi32>
      %parallel_loop3A_95 = vector.broadcast %parallel_loop3A_93 : i32 to vector<16xi32>
      %parallel_loop3A_96 = arith.select %parallel_loop3A_91, %parallel_loop3A_94, %parallel_loop3A_95 : vector<16xi1>, vector<16xi32>
      %parallel_loop3A_97 = arith.ori %parallel_loop3A_79, %parallel_loop3A_96 : vector<16xi32>
      %parallel_loop3A_98 = arith.select %parallel_loop3A_91, %parallel_loop3A_46, %parallel_loop3A_48 : vector<16xi1>, vector<16xf32>
      %parallel_loop3A_99 = vector.broadcast %squeeze3A_12 : f32 to vector<16xf32>
      %parallel_loop3A_100 = arith.mulf %parallel_loop3A_98, %parallel_loop3A_99 : vector<16xf32>
      %parallel_loop3A_101 = arith.addf %parallel_loop3A_83, %parallel_loop3A_100 : vector<16xf32>
      %parallel_loop3A_102 = arith.addf %parallel_loop3A_84, %parallel_loop3A_98 : vector<16xf32>
      %parallel_loop3A_103 = arith.constant 1536 : i32
      %parallel_loop3A_104 = arith.addi %parallel_loop3A_103, %parallel_loop3A_38 : i32
      %parallel_loop3A_105 = arith.index_cast %parallel_loop3A_104 : i32 to index
      %parallel_loop3A_106 = tpu.vector_load %arg8[%parallel_loop3A_105] {strides = array<i32>} : memref<5120xi32, #tpu.memory_space<vmem>>, vector<16xi32>,
      %parallel_loop3A_107 = arith.constant 1 : i32
      %parallel_loop3A_108 = vector.broadcast %parallel_loop3A_107 : i32 to vector<16xi32>
      %parallel_loop3A_109 = arith.cmpi eq, %parallel_loop3A_106, %parallel_loop3A_108 : vector<16xi32>
      %parallel_loop3A_110 = arith.constant 8 : i32
      %parallel_loop3A_111 = arith.constant 0 : i32
      %parallel_loop3A_112 = vector.broadcast %parallel_loop3A_110 : i32 to vector<16xi32>
      %parallel_loop3A_113 = vector.broadcast %parallel_loop3A_111 : i32 to vector<16xi32>
      %parallel_loop3A_114 = arith.select %parallel_loop3A_109, %parallel_loop3A_112, %parallel_loop3A_113 : vector<16xi1>, vector<16xi32>
      %parallel_loop3A_115 = arith.ori %parallel_loop3A_97, %parallel_loop3A_114 : vector<16xi32>
      %parallel_loop3A_116 = arith.select %parallel_loop3A_109, %parallel_loop3A_46, %parallel_loop3A_48 : vector<16xi1>, vector<16xf32>
      %parallel_loop3A_117 = vector.broadcast %squeeze3A_14 : f32 to vector<16xf32>
      %parallel_loop3A_118 = arith.mulf %parallel_loop3A_116, %parallel_loop3A_117 : vector<16xf32>
      %parallel_loop3A_119 = arith.addf %parallel_loop3A_101, %parallel_loop3A_118 : vector<16xf32>
      %parallel_loop3A_120 = arith.addf %parallel_loop3A_102, %parallel_loop3A_116 : vector<16xf32>
      %parallel_loop3A_121 = arith.constant 2048 : i32
      %parallel_loop3A_122 = arith.addi %parallel_loop3A_121, %parallel_loop3A_38 : i32
      %parallel_loop3A_123 = arith.index_cast %parallel_loop3A_122 : i32 to index
      %parallel_loop3A_124 = tpu.vector_load %arg8[%parallel_loop3A_123] {strides = array<i32>} : memref<5120xi32, #tpu.memory_space<vmem>>, vector<16xi32>,
      %parallel_loop3A_125 = arith.constant 1 : i32
      %parallel_loop3A_126 = vector.broadcast %parallel_loop3A_125 : i32 to vector<16xi32>
      %parallel_loop3A_127 = arith.cmpi eq, %parallel_loop3A_124, %parallel_loop3A_126 : vector<16xi32>
      %parallel_loop3A_128 = arith.constant 16 : i32
      %parallel_loop3A_129 = arith.constant 0 : i32
      %parallel_loop3A_130 = vector.broadcast %parallel_loop3A_128 : i32 to vector<16xi32>
      %parallel_loop3A_131 = vector.broadcast %parallel_loop3A_129 : i32 to vector<16xi32>
      %parallel_loop3A_132 = arith.select %parallel_loop3A_127, %parallel_loop3A_130, %parallel_loop3A_131 : vector<16xi1>, vector<16xi32>
      %parallel_loop3A_133 = arith.ori %parallel_loop3A_115, %parallel_loop3A_132 : vector<16xi32>
      %parallel_loop3A_134 = arith.select %parallel_loop3A_127, %parallel_loop3A_46, %parallel_loop3A_48 : vector<16xi1>, vector<16xf32>
      %parallel_loop3A_135 = vector.broadcast %squeeze3A_16 : f32 to vector<16xf32>
      %parallel_loop3A_136 = arith.mulf %parallel_loop3A_134, %parallel_loop3A_135 : vector<16xf32>
      %parallel_loop3A_137 = arith.addf %parallel_loop3A_119, %parallel_loop3A_136 : vector<16xf32>
      %parallel_loop3A_138 = arith.addf %parallel_loop3A_120, %parallel_loop3A_134 : vector<16xf32>
      %parallel_loop3A_139 = arith.constant 2560 : i32
      %parallel_loop3A_140 = arith.addi %parallel_loop3A_139, %parallel_loop3A_38 : i32
      %parallel_loop3A_141 = arith.index_cast %parallel_loop3A_140 : i32 to index
      %parallel_loop3A_142 = tpu.vector_load %arg8[%parallel_loop3A_141] {strides = array<i32>} : memref<5120xi32, #tpu.memory_space<vmem>>, vector<16xi32>,
      %parallel_loop3A_143 = arith.constant 1 : i32
      %parallel_loop3A_144 = vector.broadcast %parallel_loop3A_143 : i32 to vector<16xi32>
      %parallel_loop3A_145 = arith.cmpi eq, %parallel_loop3A_142, %parallel_loop3A_144 : vector<16xi32>
      %parallel_loop3A_146 = arith.constant 32 : i32
      %parallel_loop3A_147 = arith.constant 0 : i32
      %parallel_loop3A_148 = vector.broadcast %parallel_loop3A_146 : i32 to vector<16xi32>
      %parallel_loop3A_149 = vector.broadcast %parallel_loop3A_147 : i32 to vector<16xi32>
      %parallel_loop3A_150 = arith.select %parallel_loop3A_145, %parallel_loop3A_148, %parallel_loop3A_149 : vector<16xi1>, vector<16xi32>
      %parallel_loop3A_151 = arith.ori %parallel_loop3A_133, %parallel_loop3A_150 : vector<16xi32>
      %parallel_loop3A_152 = arith.select %parallel_loop3A_145, %parallel_loop3A_46, %parallel_loop3A_48 : vector<16xi1>, vector<16xf32>
      %parallel_loop3A_153 = vector.broadcast %squeeze3A_18 : f32 to vector<16xf32>
      %parallel_loop3A_154 = arith.mulf %parallel_loop3A_152, %parallel_loop3A_153 : vector<16xf32>
      %parallel_loop3A_155 = arith.addf %parallel_loop3A_137, %parallel_loop3A_154 : vector<16xf32>
      %parallel_loop3A_156 = arith.addf %parallel_loop3A_138, %parallel_loop3A_152 : vector<16xf32>
      %parallel_loop3A_157 = arith.constant 3072 : i32
      %parallel_loop3A_158 = arith.addi %parallel_loop3A_157, %parallel_loop3A_38 : i32
      %parallel_loop3A_159 = arith.index_cast %parallel_loop3A_158 : i32 to index
      %parallel_loop3A_160 = tpu.vector_load %arg8[%parallel_loop3A_159] {strides = array<i32>} : memref<5120xi32, #tpu.memory_space<vmem>>, vector<16xi32>,
      %parallel_loop3A_161 = arith.constant 1 : i32
      %parallel_loop3A_162 = vector.broadcast %parallel_loop3A_161 : i32 to vector<16xi32>
      %parallel_loop3A_163 = arith.cmpi eq, %parallel_loop3A_160, %parallel_loop3A_162 : vector<16xi32>
      %parallel_loop3A_164 = arith.constant 64 : i32
      %parallel_loop3A_165 = arith.constant 0 : i32
      %parallel_loop3A_166 = vector.broadcast %parallel_loop3A_164 : i32 to vector<16xi32>
      %parallel_loop3A_167 = vector.broadcast %parallel_loop3A_165 : i32 to vector<16xi32>
      %parallel_loop3A_168 = arith.select %parallel_loop3A_163, %parallel_loop3A_166, %parallel_loop3A_167 : vector<16xi1>, vector<16xi32>
      %parallel_loop3A_169 = arith.ori %parallel_loop3A_151, %parallel_loop3A_168 : vector<16xi32>
      %parallel_loop3A_170 = arith.select %parallel_loop3A_163, %parallel_loop3A_46, %parallel_loop3A_48 : vector<16xi1>, vector<16xf32>
      %parallel_loop3A_171 = vector.broadcast %squeeze3A_20 : f32 to vector<16xf32>
      %parallel_loop3A_172 = arith.mulf %parallel_loop3A_170, %parallel_loop3A_171 : vector<16xf32>
      %parallel_loop3A_173 = arith.addf %parallel_loop3A_155, %parallel_loop3A_172 : vector<16xf32>
      %parallel_loop3A_174 = arith.addf %parallel_loop3A_156, %parallel_loop3A_170 : vector<16xf32>
      %parallel_loop3A_175 = arith.constant 3584 : i32
      %parallel_loop3A_176 = arith.addi %parallel_loop3A_175, %parallel_loop3A_38 : i32
      %parallel_loop3A_177 = arith.index_cast %parallel_loop3A_176 : i32 to index
      %parallel_loop3A_178 = tpu.vector_load %arg8[%parallel_loop3A_177] {strides = array<i32>} : memref<5120xi32, #tpu.memory_space<vmem>>, vector<16xi32>,
      %parallel_loop3A_179 = arith.constant 1 : i32
      %parallel_loop3A_180 = vector.broadcast %parallel_loop3A_179 : i32 to vector<16xi32>
      %parallel_loop3A_181 = arith.cmpi eq, %parallel_loop3A_178, %parallel_loop3A_180 : vector<16xi32>
      %parallel_loop3A_182 = arith.constant 128 : i32
      %parallel_loop3A_183 = arith.constant 0 : i32
      %parallel_loop3A_184 = vector.broadcast %parallel_loop3A_182 : i32 to vector<16xi32>
      %parallel_loop3A_185 = vector.broadcast %parallel_loop3A_183 : i32 to vector<16xi32>
      %parallel_loop3A_186 = arith.select %parallel_loop3A_181, %parallel_loop3A_184, %parallel_loop3A_185 : vector<16xi1>, vector<16xi32>
      %parallel_loop3A_187 = arith.ori %parallel_loop3A_169, %parallel_loop3A_186 : vector<16xi32>
      %parallel_loop3A_188 = arith.select %parallel_loop3A_181, %parallel_loop3A_46, %parallel_loop3A_48 : vector<16xi1>, vector<16xf32>
      %parallel_loop3A_189 = vector.broadcast %squeeze3A_22 : f32 to vector<16xf32>
      %parallel_loop3A_190 = arith.mulf %parallel_loop3A_188, %parallel_loop3A_189 : vector<16xf32>
      %parallel_loop3A_191 = arith.addf %parallel_loop3A_173, %parallel_loop3A_190 : vector<16xf32>
      %parallel_loop3A_192 = arith.addf %parallel_loop3A_174, %parallel_loop3A_188 : vector<16xf32>
      %parallel_loop3A_193 = arith.constant 4096 : i32
      %parallel_loop3A_194 = arith.addi %parallel_loop3A_193, %parallel_loop3A_38 : i32
      %parallel_loop3A_195 = arith.index_cast %parallel_loop3A_194 : i32 to index
      %parallel_loop3A_196 = tpu.vector_load %arg8[%parallel_loop3A_195] {strides = array<i32>} : memref<5120xi32, #tpu.memory_space<vmem>>, vector<16xi32>,
      %parallel_loop3A_197 = arith.constant 1 : i32
      %parallel_loop3A_198 = vector.broadcast %parallel_loop3A_197 : i32 to vector<16xi32>
      %parallel_loop3A_199 = arith.cmpi eq, %parallel_loop3A_196, %parallel_loop3A_198 : vector<16xi32>
      %parallel_loop3A_200 = arith.constant 256 : i32
      %parallel_loop3A_201 = arith.constant 0 : i32
      %parallel_loop3A_202 = vector.broadcast %parallel_loop3A_200 : i32 to vector<16xi32>
      %parallel_loop3A_203 = vector.broadcast %parallel_loop3A_201 : i32 to vector<16xi32>
      %parallel_loop3A_204 = arith.select %parallel_loop3A_199, %parallel_loop3A_202, %parallel_loop3A_203 : vector<16xi1>, vector<16xi32>
      %parallel_loop3A_205 = arith.ori %parallel_loop3A_187, %parallel_loop3A_204 : vector<16xi32>
      %parallel_loop3A_206 = arith.select %parallel_loop3A_199, %parallel_loop3A_46, %parallel_loop3A_48 : vector<16xi1>, vector<16xf32>
      %parallel_loop3A_207 = vector.broadcast %squeeze3A_24 : f32 to vector<16xf32>
      %parallel_loop3A_208 = arith.mulf %parallel_loop3A_206, %parallel_loop3A_207 : vector<16xf32>
      %parallel_loop3A_209 = arith.addf %parallel_loop3A_191, %parallel_loop3A_208 : vector<16xf32>
      %parallel_loop3A_210 = arith.addf %parallel_loop3A_192, %parallel_loop3A_206 : vector<16xf32>
      %parallel_loop3A_211 = arith.constant 4608 : i32
      %parallel_loop3A_212 = arith.addi %parallel_loop3A_211, %parallel_loop3A_38 : i32
      %parallel_loop3A_213 = arith.index_cast %parallel_loop3A_212 : i32 to index
      %parallel_loop3A_214 = tpu.vector_load %arg8[%parallel_loop3A_213] {strides = array<i32>} : memref<5120xi32, #tpu.memory_space<vmem>>, vector<16xi32>,
      %parallel_loop3A_215 = arith.constant 1 : i32
      %parallel_loop3A_216 = vector.broadcast %parallel_loop3A_215 : i32 to vector<16xi32>
      %parallel_loop3A_217 = arith.cmpi eq, %parallel_loop3A_214, %parallel_loop3A_216 : vector<16xi32>
      %parallel_loop3A_218 = arith.constant 512 : i32
      %parallel_loop3A_219 = arith.constant 0 : i32
      %parallel_loop3A_220 = vector.broadcast %parallel_loop3A_218 : i32 to vector<16xi32>
      %parallel_loop3A_221 = vector.broadcast %parallel_loop3A_219 : i32 to vector<16xi32>
      %parallel_loop3A_222 = arith.select %parallel_loop3A_217, %parallel_loop3A_220, %parallel_loop3A_221 : vector<16xi1>, vector<16xi32>
      %parallel_loop3A_223 = arith.ori %parallel_loop3A_205, %parallel_loop3A_222 : vector<16xi32>
      %parallel_loop3A_224 = arith.select %parallel_loop3A_217, %parallel_loop3A_46, %parallel_loop3A_48 : vector<16xi1>, vector<16xf32>
      %parallel_loop3A_225 = vector.broadcast %squeeze3A_26 : f32 to vector<16xf32>
      %parallel_loop3A_226 = arith.mulf %parallel_loop3A_224, %parallel_loop3A_225 : vector<16xf32>
      %parallel_loop3A_227 = arith.addf %parallel_loop3A_209, %parallel_loop3A_226 : vector<16xf32>
      %parallel_loop3A_228 = arith.addf %parallel_loop3A_210, %parallel_loop3A_224 : vector<16xf32>
      %parallel_loop3A_229 = arith.constant 9.99999997E-7 : f32
      %parallel_loop3A_230 = vector.broadcast %parallel_loop3A_229 : f32 to vector<16xf32>
      %parallel_loop3A_231 = arith.addf %parallel_loop3A_228, %parallel_loop3A_230 : vector<16xf32>
      %parallel_loop3A_232 = arith.divf %parallel_loop3A_227, %parallel_loop3A_231 : vector<16xf32>
      %parallel_loop3A_233 = vector.broadcast %squeeze3A_28 : f32 to vector<16xf32>
      %parallel_loop3A_234 = arith.addf %parallel_loop3A_232, %parallel_loop3A_233 : vector<16xf32>
      %parallel_loop3A_235 = arith.index_cast %parallel_loop3A_38 : i32 to index
      %parallel_loop3A_236 = tpu.vector_load %arg13[%parallel_loop3A_235] {strides = array<i32>} : memref<512xf32, #tpu.memory_space<vmem>>, vector<16xf32>,
      tpu.vector_store %arg13[%parallel_loop3A_235], %parallel_loop3A_234 {strides = array<i32>} : memref<512xf32, #tpu.memory_space<vmem>>, vector<16xf32>,
      %parallel_loop3A_237 = arith.constant 32 : i32
      %parallel_loop3A_238 = vector.broadcast %parallel_loop3A_237 : i32 to vector<16xi32>
      %parallel_loop3A_239 = arith.muli %parallel_loop3A_223, %parallel_loop3A_238 : vector<16xi32>
      %parallel_loop3A_240 = arith.index_cast %parallel_loop3A_38 : i32 to index
      %parallel_loop3A_241 = tpu.vector_load %arg14[%parallel_loop3A_240] {strides = array<i32>} : memref<512xi32, #tpu.memory_space<vmem>>, vector<16xi32>,
      tpu.vector_store %arg14[%parallel_loop3A_240], %parallel_loop3A_239 {strides = array<i32>} : memref<512xi32, #tpu.memory_space<vmem>>, vector<16xi32>,
    } {sc.loop_unroll_factor = 1 : i64, sc.parallel_access}
    "tpu.trace_stop"() : () -> ()
    "tpu.trace_start"() <{level = 10 : i32, message = "lut_wait"}> : () -> ()
    tpu.wait_dma2 semaphore(%arg15 : memref<!tpu.dma_semaphore, #tpu.memory_space<semaphore_mem>>) src(%arg4 : memref<32768xf32, #tpu.memory_space<hbm>>) dst(%arg9 : memref<32768xf32, #tpu.memory_space<vmem>>)
    %dma_wait3A = tpu.memref_slice %arg3[%mul3A_2] : memref<16384xi32, #tpu.memory_space<hbm>> -> memref<512xi32, #tpu.memory_space<hbm>>
    %dma_wait3A_32 = tpu.memref_slice %arg3[%mul3A_2] : memref<16384xi32, #tpu.memory_space<hbm>> -> memref<512xi32, #tpu.memory_space<hbm>>
    tpu.wait_dma2 semaphore(%arg16 : memref<!tpu.dma_semaphore, #tpu.memory_space<semaphore_mem>>) src(%dma_wait3A_32 : memref<512xi32, #tpu.memory_space<hbm>>) dst(%arg11 : memref<512xi32, #tpu.memory_space<vmem>>)
    %parallel_loop3A_33 = arith.constant 0 : i32
    %parallel_loop3A_34 = arith.constant 32 : i32
    %parallel_loop3A_35 = arith.constant 1 : i32
    "tpu.trace_stop"() : () -> ()
    "tpu.trace_start"() <{level = 10 : i32, message = "gather_pass"}> : () -> ()
    scf.for %parallel_loop3A_36 = %parallel_loop3A_33 to %parallel_loop3A_34 step %parallel_loop3A_35  : i32 {
      %parallel_loop3A_37 = arith.constant 16 : i32
      %parallel_loop3A_38 = arith.muli %parallel_loop3A_36, %parallel_loop3A_37 : i32
      %parallel_loop3A_39 = vector.broadcast %parallel_loop3A_38 : i32 to vector<16xi32>
      %parallel_loop3A_40 = arith.addi %parallel_loop3A_39, %iota3A : vector<16xi32>
      %parallel_loop3A_41 = arith.index_cast %parallel_loop3A_38 : i32 to index
      %parallel_loop3A_42 = tpu.vector_load %arg11[%parallel_loop3A_41] {strides = array<i32>} : memref<512xi32, #tpu.memory_space<vmem>>, vector<16xi32>,
      %parallel_loop3A_43 = arith.index_cast %parallel_loop3A_38 : i32 to index
      %parallel_loop3A_44 = tpu.vector_load %arg14[%parallel_loop3A_43] {strides = array<i32>} : memref<512xi32, #tpu.memory_space<vmem>>, vector<16xi32>,
      %parallel_loop3A_45 = arith.constant 0 : i32
      %parallel_loop3A_46 = vector.broadcast %parallel_loop3A_45 : i32 to vector<16xi32>
      %parallel_loop3A_47 = arith.addi %iota3A, %parallel_loop3A_46 : vector<16xi32>
      %parallel_loop3A_48 = arith.constant 31 : i32
      %parallel_loop3A_49 = vector.broadcast %parallel_loop3A_48 : i32 to vector<16xi32>
      %parallel_loop3A_50 = arith.andi %parallel_loop3A_47, %parallel_loop3A_49 : vector<16xi32>
      %parallel_loop3A_51 = arith.addi %parallel_loop3A_44, %parallel_loop3A_50 : vector<16xi32>
      %parallel_loop3A_52 = tpu.vector_load_idx %arg9[%parallel_loop3A_51] : memref<32768xf32, #tpu.memory_space<vmem>>[vector<16xi32>], vector<16xf32>,
      %parallel_loop3A_53 = arith.shrsi %parallel_loop3A_42, %parallel_loop3A_50 : vector<16xi32>
      %parallel_loop3A_54 = arith.constant 1 : i32
      %parallel_loop3A_55 = vector.broadcast %parallel_loop3A_54 : i32 to vector<16xi32>
      %parallel_loop3A_56 = arith.andi %parallel_loop3A_53, %parallel_loop3A_55 : vector<16xi32>
      %parallel_loop3A_57 = arith.constant 0 : i32
      %parallel_loop3A_58 = vector.broadcast %parallel_loop3A_57 : i32 to vector<16xi32>
      %parallel_loop3A_59 = arith.cmpi ne, %parallel_loop3A_56, %parallel_loop3A_58 : vector<16xi32>
      %parallel_loop3A_60 = arith.select %parallel_loop3A_59, %parallel_loop3A_52, %broadcast_in_dim3A_29 : vector<16xi1>, vector<16xf32>
      tpu.vector_store_idx %arg10[%parallel_loop3A_40, %parallel_loop3A_50], %parallel_loop3A_60 : memref<512x32xf32, #tpu.memory_space<vmem>>[vector<16xi32>, vector<16xi32>], vector<16xf32>,
      %parallel_loop3A_61 = arith.constant 1 : i32
      %parallel_loop3A_62 = vector.broadcast %parallel_loop3A_61 : i32 to vector<16xi32>
      %parallel_loop3A_63 = arith.addi %iota3A, %parallel_loop3A_62 : vector<16xi32>
      %parallel_loop3A_64 = arith.constant 31 : i32
      %parallel_loop3A_65 = vector.broadcast %parallel_loop3A_64 : i32 to vector<16xi32>
      %parallel_loop3A_66 = arith.andi %parallel_loop3A_63, %parallel_loop3A_65 : vector<16xi32>
      %parallel_loop3A_67 = arith.addi %parallel_loop3A_44, %parallel_loop3A_66 : vector<16xi32>
      %parallel_loop3A_68 = tpu.vector_load_idx %arg9[%parallel_loop3A_67] : memref<32768xf32, #tpu.memory_space<vmem>>[vector<16xi32>], vector<16xf32>,
      %parallel_loop3A_69 = arith.shrsi %parallel_loop3A_42, %parallel_loop3A_66 : vector<16xi32>
      %parallel_loop3A_70 = arith.constant 1 : i32
      %parallel_loop3A_71 = vector.broadcast %parallel_loop3A_70 : i32 to vector<16xi32>
      %parallel_loop3A_72 = arith.andi %parallel_loop3A_69, %parallel_loop3A_71 : vector<16xi32>
      %parallel_loop3A_73 = arith.constant 0 : i32
      %parallel_loop3A_74 = vector.broadcast %parallel_loop3A_73 : i32 to vector<16xi32>
      %parallel_loop3A_75 = arith.cmpi ne, %parallel_loop3A_72, %parallel_loop3A_74 : vector<16xi32>
      %parallel_loop3A_76 = arith.select %parallel_loop3A_75, %parallel_loop3A_68, %broadcast_in_dim3A_29 : vector<16xi1>, vector<16xf32>
      tpu.vector_store_idx %arg10[%parallel_loop3A_40, %parallel_loop3A_66], %parallel_loop3A_76 : memref<512x32xf32, #tpu.memory_space<vmem>>[vector<16xi32>, vector<16xi32>], vector<16xf32>,
      %parallel_loop3A_77 = arith.constant 2 : i32
      %parallel_loop3A_78 = vector.broadcast %parallel_loop3A_77 : i32 to vector<16xi32>
      %parallel_loop3A_79 = arith.addi %iota3A, %parallel_loop3A_78 : vector<16xi32>
      %parallel_loop3A_80 = arith.constant 31 : i32
      %parallel_loop3A_81 = vector.broadcast %parallel_loop3A_80 : i32 to vector<16xi32>
      %parallel_loop3A_82 = arith.andi %parallel_loop3A_79, %parallel_loop3A_81 : vector<16xi32>
      %parallel_loop3A_83 = arith.addi %parallel_loop3A_44, %parallel_loop3A_82 : vector<16xi32>
      %parallel_loop3A_84 = tpu.vector_load_idx %arg9[%parallel_loop3A_83] : memref<32768xf32, #tpu.memory_space<vmem>>[vector<16xi32>], vector<16xf32>,
      %parallel_loop3A_85 = arith.shrsi %parallel_loop3A_42, %parallel_loop3A_82 : vector<16xi32>
      %parallel_loop3A_86 = arith.constant 1 : i32
      %parallel_loop3A_87 = vector.broadcast %parallel_loop3A_86 : i32 to vector<16xi32>
      %parallel_loop3A_88 = arith.andi %parallel_loop3A_85, %parallel_loop3A_87 : vector<16xi32>
      %parallel_loop3A_89 = arith.constant 0 : i32
      %parallel_loop3A_90 = vector.broadcast %parallel_loop3A_89 : i32 to vector<16xi32>
      %parallel_loop3A_91 = arith.cmpi ne, %parallel_loop3A_88, %parallel_loop3A_90 : vector<16xi32>
      %parallel_loop3A_92 = arith.select %parallel_loop3A_91, %parallel_loop3A_84, %broadcast_in_dim3A_29 : vector<16xi1>, vector<16xf32>
      tpu.vector_store_idx %arg10[%parallel_loop3A_40, %parallel_loop3A_82], %parallel_loop3A_92 : memref<512x32xf32, #tpu.memory_space<vmem>>[vector<16xi32>, vector<16xi32>], vector<16xf32>,
      %parallel_loop3A_93 = arith.constant 3 : i32
      %parallel_loop3A_94 = vector.broadcast %parallel_loop3A_93 : i32 to vector<16xi32>
      %parallel_loop3A_95 = arith.addi %iota3A, %parallel_loop3A_94 : vector<16xi32>
      %parallel_loop3A_96 = arith.constant 31 : i32
      %parallel_loop3A_97 = vector.broadcast %parallel_loop3A_96 : i32 to vector<16xi32>
      %parallel_loop3A_98 = arith.andi %parallel_loop3A_95, %parallel_loop3A_97 : vector<16xi32>
      %parallel_loop3A_99 = arith.addi %parallel_loop3A_44, %parallel_loop3A_98 : vector<16xi32>
      %parallel_loop3A_100 = tpu.vector_load_idx %arg9[%parallel_loop3A_99] : memref<32768xf32, #tpu.memory_space<vmem>>[vector<16xi32>], vector<16xf32>,
      %parallel_loop3A_101 = arith.shrsi %parallel_loop3A_42, %parallel_loop3A_98 : vector<16xi32>
      %parallel_loop3A_102 = arith.constant 1 : i32
      %parallel_loop3A_103 = vector.broadcast %parallel_loop3A_102 : i32 to vector<16xi32>
      %parallel_loop3A_104 = arith.andi %parallel_loop3A_101, %parallel_loop3A_103 : vector<16xi32>
      %parallel_loop3A_105 = arith.constant 0 : i32
      %parallel_loop3A_106 = vector.broadcast %parallel_loop3A_105 : i32 to vector<16xi32>
      %parallel_loop3A_107 = arith.cmpi ne, %parallel_loop3A_104, %parallel_loop3A_106 : vector<16xi32>
      %parallel_loop3A_108 = arith.select %parallel_loop3A_107, %parallel_loop3A_100, %broadcast_in_dim3A_29 : vector<16xi1>, vector<16xf32>
      tpu.vector_store_idx %arg10[%parallel_loop3A_40, %parallel_loop3A_98], %parallel_loop3A_108 : memref<512x32xf32, #tpu.memory_space<vmem>>[vector<16xi32>, vector<16xi32>], vector<16xf32>,
      %parallel_loop3A_109 = arith.constant 4 : i32
      %parallel_loop3A_110 = vector.broadcast %parallel_loop3A_109 : i32 to vector<16xi32>
      %parallel_loop3A_111 = arith.addi %iota3A, %parallel_loop3A_110 : vector<16xi32>
      %parallel_loop3A_112 = arith.constant 31 : i32
      %parallel_loop3A_113 = vector.broadcast %parallel_loop3A_112 : i32 to vector<16xi32>
      %parallel_loop3A_114 = arith.andi %parallel_loop3A_111, %parallel_loop3A_113 : vector<16xi32>
      %parallel_loop3A_115 = arith.addi %parallel_loop3A_44, %parallel_loop3A_114 : vector<16xi32>
      %parallel_loop3A_116 = tpu.vector_load_idx %arg9[%parallel_loop3A_115] : memref<32768xf32, #tpu.memory_space<vmem>>[vector<16xi32>], vector<16xf32>,
      %parallel_loop3A_117 = arith.shrsi %parallel_loop3A_42, %parallel_loop3A_114 : vector<16xi32>
      %parallel_loop3A_118 = arith.constant 1 : i32
      %parallel_loop3A_119 = vector.broadcast %parallel_loop3A_118 : i32 to vector<16xi32>
      %parallel_loop3A_120 = arith.andi %parallel_loop3A_117, %parallel_loop3A_119 : vector<16xi32>
      %parallel_loop3A_121 = arith.constant 0 : i32
      %parallel_loop3A_122 = vector.broadcast %parallel_loop3A_121 : i32 to vector<16xi32>
      %parallel_loop3A_123 = arith.cmpi ne, %parallel_loop3A_120, %parallel_loop3A_122 : vector<16xi32>
      %parallel_loop3A_124 = arith.select %parallel_loop3A_123, %parallel_loop3A_116, %broadcast_in_dim3A_29 : vector<16xi1>, vector<16xf32>
      tpu.vector_store_idx %arg10[%parallel_loop3A_40, %parallel_loop3A_114], %parallel_loop3A_124 : memref<512x32xf32, #tpu.memory_space<vmem>>[vector<16xi32>, vector<16xi32>], vector<16xf32>,
      %parallel_loop3A_125 = arith.constant 5 : i32
      %parallel_loop3A_126 = vector.broadcast %parallel_loop3A_125 : i32 to vector<16xi32>
      %parallel_loop3A_127 = arith.addi %iota3A, %parallel_loop3A_126 : vector<16xi32>
      %parallel_loop3A_128 = arith.constant 31 : i32
      %parallel_loop3A_129 = vector.broadcast %parallel_loop3A_128 : i32 to vector<16xi32>
      %parallel_loop3A_130 = arith.andi %parallel_loop3A_127, %parallel_loop3A_129 : vector<16xi32>
      %parallel_loop3A_131 = arith.addi %parallel_loop3A_44, %parallel_loop3A_130 : vector<16xi32>
      %parallel_loop3A_132 = tpu.vector_load_idx %arg9[%parallel_loop3A_131] : memref<32768xf32, #tpu.memory_space<vmem>>[vector<16xi32>], vector<16xf32>,
      %parallel_loop3A_133 = arith.shrsi %parallel_loop3A_42, %parallel_loop3A_130 : vector<16xi32>
      %parallel_loop3A_134 = arith.constant 1 : i32
      %parallel_loop3A_135 = vector.broadcast %parallel_loop3A_134 : i32 to vector<16xi32>
      %parallel_loop3A_136 = arith.andi %parallel_loop3A_133, %parallel_loop3A_135 : vector<16xi32>
      %parallel_loop3A_137 = arith.constant 0 : i32
      %parallel_loop3A_138 = vector.broadcast %parallel_loop3A_137 : i32 to vector<16xi32>
      %parallel_loop3A_139 = arith.cmpi ne, %parallel_loop3A_136, %parallel_loop3A_138 : vector<16xi32>
      %parallel_loop3A_140 = arith.select %parallel_loop3A_139, %parallel_loop3A_132, %broadcast_in_dim3A_29 : vector<16xi1>, vector<16xf32>
      tpu.vector_store_idx %arg10[%parallel_loop3A_40, %parallel_loop3A_130], %parallel_loop3A_140 : memref<512x32xf32, #tpu.memory_space<vmem>>[vector<16xi32>, vector<16xi32>], vector<16xf32>,
      %parallel_loop3A_141 = arith.constant 6 : i32
      %parallel_loop3A_142 = vector.broadcast %parallel_loop3A_141 : i32 to vector<16xi32>
      %parallel_loop3A_143 = arith.addi %iota3A, %parallel_loop3A_142 : vector<16xi32>
      %parallel_loop3A_144 = arith.constant 31 : i32
      %parallel_loop3A_145 = vector.broadcast %parallel_loop3A_144 : i32 to vector<16xi32>
      %parallel_loop3A_146 = arith.andi %parallel_loop3A_143, %parallel_loop3A_145 : vector<16xi32>
      %parallel_loop3A_147 = arith.addi %parallel_loop3A_44, %parallel_loop3A_146 : vector<16xi32>
      %parallel_loop3A_148 = tpu.vector_load_idx %arg9[%parallel_loop3A_147] : memref<32768xf32, #tpu.memory_space<vmem>>[vector<16xi32>], vector<16xf32>,
      %parallel_loop3A_149 = arith.shrsi %parallel_loop3A_42, %parallel_loop3A_146 : vector<16xi32>
      %parallel_loop3A_150 = arith.constant 1 : i32
      %parallel_loop3A_151 = vector.broadcast %parallel_loop3A_150 : i32 to vector<16xi32>
      %parallel_loop3A_152 = arith.andi %parallel_loop3A_149, %parallel_loop3A_151 : vector<16xi32>
      %parallel_loop3A_153 = arith.constant 0 : i32
      %parallel_loop3A_154 = vector.broadcast %parallel_loop3A_153 : i32 to vector<16xi32>
      %parallel_loop3A_155 = arith.cmpi ne, %parallel_loop3A_152, %parallel_loop3A_154 : vector<16xi32>
      %parallel_loop3A_156 = arith.select %parallel_loop3A_155, %parallel_loop3A_148, %broadcast_in_dim3A_29 : vector<16xi1>, vector<16xf32>
      tpu.vector_store_idx %arg10[%parallel_loop3A_40, %parallel_loop3A_146], %parallel_loop3A_156 : memref<512x32xf32, #tpu.memory_space<vmem>>[vector<16xi32>, vector<16xi32>], vector<16xf32>,
      %parallel_loop3A_157 = arith.constant 7 : i32
      %parallel_loop3A_158 = vector.broadcast %parallel_loop3A_157 : i32 to vector<16xi32>
      %parallel_loop3A_159 = arith.addi %iota3A, %parallel_loop3A_158 : vector<16xi32>
      %parallel_loop3A_160 = arith.constant 31 : i32
      %parallel_loop3A_161 = vector.broadcast %parallel_loop3A_160 : i32 to vector<16xi32>
      %parallel_loop3A_162 = arith.andi %parallel_loop3A_159, %parallel_loop3A_161 : vector<16xi32>
      %parallel_loop3A_163 = arith.addi %parallel_loop3A_44, %parallel_loop3A_162 : vector<16xi32>
      %parallel_loop3A_164 = tpu.vector_load_idx %arg9[%parallel_loop3A_163] : memref<32768xf32, #tpu.memory_space<vmem>>[vector<16xi32>], vector<16xf32>,
      %parallel_loop3A_165 = arith.shrsi %parallel_loop3A_42, %parallel_loop3A_162 : vector<16xi32>
      %parallel_loop3A_166 = arith.constant 1 : i32
      %parallel_loop3A_167 = vector.broadcast %parallel_loop3A_166 : i32 to vector<16xi32>
      %parallel_loop3A_168 = arith.andi %parallel_loop3A_165, %parallel_loop3A_167 : vector<16xi32>
      %parallel_loop3A_169 = arith.constant 0 : i32
      %parallel_loop3A_170 = vector.broadcast %parallel_loop3A_169 : i32 to vector<16xi32>
      %parallel_loop3A_171 = arith.cmpi ne, %parallel_loop3A_168, %parallel_loop3A_170 : vector<16xi32>
      %parallel_loop3A_172 = arith.select %parallel_loop3A_171, %parallel_loop3A_164, %broadcast_in_dim3A_29 : vector<16xi1>, vector<16xf32>
      tpu.vector_store_idx %arg10[%parallel_loop3A_40, %parallel_loop3A_162], %parallel_loop3A_172 : memref<512x32xf32, #tpu.memory_space<vmem>>[vector<16xi32>, vector<16xi32>], vector<16xf32>,
      %parallel_loop3A_173 = arith.constant 8 : i32
      %parallel_loop3A_174 = vector.broadcast %parallel_loop3A_173 : i32 to vector<16xi32>
      %parallel_loop3A_175 = arith.addi %iota3A, %parallel_loop3A_174 : vector<16xi32>
      %parallel_loop3A_176 = arith.constant 31 : i32
      %parallel_loop3A_177 = vector.broadcast %parallel_loop3A_176 : i32 to vector<16xi32>
      %parallel_loop3A_178 = arith.andi %parallel_loop3A_175, %parallel_loop3A_177 : vector<16xi32>
      %parallel_loop3A_179 = arith.addi %parallel_loop3A_44, %parallel_loop3A_178 : vector<16xi32>
      %parallel_loop3A_180 = tpu.vector_load_idx %arg9[%parallel_loop3A_179] : memref<32768xf32, #tpu.memory_space<vmem>>[vector<16xi32>], vector<16xf32>,
      %parallel_loop3A_181 = arith.shrsi %parallel_loop3A_42, %parallel_loop3A_178 : vector<16xi32>
      %parallel_loop3A_182 = arith.constant 1 : i32
      %parallel_loop3A_183 = vector.broadcast %parallel_loop3A_182 : i32 to vector<16xi32>
      %parallel_loop3A_184 = arith.andi %parallel_loop3A_181, %parallel_loop3A_183 : vector<16xi32>
      %parallel_loop3A_185 = arith.constant 0 : i32
      %parallel_loop3A_186 = vector.broadcast %parallel_loop3A_185 : i32 to vector<16xi32>
      %parallel_loop3A_187 = arith.cmpi ne, %parallel_loop3A_184, %parallel_loop3A_186 : vector<16xi32>
      %parallel_loop3A_188 = arith.select %parallel_loop3A_187, %parallel_loop3A_180, %broadcast_in_dim3A_29 : vector<16xi1>, vector<16xf32>
      tpu.vector_store_idx %arg10[%parallel_loop3A_40, %parallel_loop3A_178], %parallel_loop3A_188 : memref<512x32xf32, #tpu.memory_space<vmem>>[vector<16xi32>, vector<16xi32>], vector<16xf32>,
      %parallel_loop3A_189 = arith.constant 9 : i32
      %parallel_loop3A_190 = vector.broadcast %parallel_loop3A_189 : i32 to vector<16xi32>
      %parallel_loop3A_191 = arith.addi %iota3A, %parallel_loop3A_190 : vector<16xi32>
      %parallel_loop3A_192 = arith.constant 31 : i32
      %parallel_loop3A_193 = vector.broadcast %parallel_loop3A_192 : i32 to vector<16xi32>
      %parallel_loop3A_194 = arith.andi %parallel_loop3A_191, %parallel_loop3A_193 : vector<16xi32>
      %parallel_loop3A_195 = arith.addi %parallel_loop3A_44, %parallel_loop3A_194 : vector<16xi32>
      %parallel_loop3A_196 = tpu.vector_load_idx %arg9[%parallel_loop3A_195] : memref<32768xf32, #tpu.memory_space<vmem>>[vector<16xi32>], vector<16xf32>,
      %parallel_loop3A_197 = arith.shrsi %parallel_loop3A_42, %parallel_loop3A_194 : vector<16xi32>
      %parallel_loop3A_198 = arith.constant 1 : i32
      %parallel_loop3A_199 = vector.broadcast %parallel_loop3A_198 : i32 to vector<16xi32>
      %parallel_loop3A_200 = arith.andi %parallel_loop3A_197, %parallel_loop3A_199 : vector<16xi32>
      %parallel_loop3A_201 = arith.constant 0 : i32
      %parallel_loop3A_202 = vector.broadcast %parallel_loop3A_201 : i32 to vector<16xi32>
      %parallel_loop3A_203 = arith.cmpi ne, %parallel_loop3A_200, %parallel_loop3A_202 : vector<16xi32>
      %parallel_loop3A_204 = arith.select %parallel_loop3A_203, %parallel_loop3A_196, %broadcast_in_dim3A_29 : vector<16xi1>, vector<16xf32>
      tpu.vector_store_idx %arg10[%parallel_loop3A_40, %parallel_loop3A_194], %parallel_loop3A_204 : memref<512x32xf32, #tpu.memory_space<vmem>>[vector<16xi32>, vector<16xi32>], vector<16xf32>,
      %parallel_loop3A_205 = arith.constant 10 : i32
      %parallel_loop3A_206 = vector.broadcast %parallel_loop3A_205 : i32 to vector<16xi32>
      %parallel_loop3A_207 = arith.addi %iota3A, %parallel_loop3A_206 : vector<16xi32>
      %parallel_loop3A_208 = arith.constant 31 : i32
      %parallel_loop3A_209 = vector.broadcast %parallel_loop3A_208 : i32 to vector<16xi32>
      %parallel_loop3A_210 = arith.andi %parallel_loop3A_207, %parallel_loop3A_209 : vector<16xi32>
      %parallel_loop3A_211 = arith.addi %parallel_loop3A_44, %parallel_loop3A_210 : vector<16xi32>
      %parallel_loop3A_212 = tpu.vector_load_idx %arg9[%parallel_loop3A_211] : memref<32768xf32, #tpu.memory_space<vmem>>[vector<16xi32>], vector<16xf32>,
      %parallel_loop3A_213 = arith.shrsi %parallel_loop3A_42, %parallel_loop3A_210 : vector<16xi32>
      %parallel_loop3A_214 = arith.constant 1 : i32
      %parallel_loop3A_215 = vector.broadcast %parallel_loop3A_214 : i32 to vector<16xi32>
      %parallel_loop3A_216 = arith.andi %parallel_loop3A_213, %parallel_loop3A_215 : vector<16xi32>
      %parallel_loop3A_217 = arith.constant 0 : i32
      %parallel_loop3A_218 = vector.broadcast %parallel_loop3A_217 : i32 to vector<16xi32>
      %parallel_loop3A_219 = arith.cmpi ne, %parallel_loop3A_216, %parallel_loop3A_218 : vector<16xi32>
      %parallel_loop3A_220 = arith.select %parallel_loop3A_219, %parallel_loop3A_212, %broadcast_in_dim3A_29 : vector<16xi1>, vector<16xf32>
      tpu.vector_store_idx %arg10[%parallel_loop3A_40, %parallel_loop3A_210], %parallel_loop3A_220 : memref<512x32xf32, #tpu.memory_space<vmem>>[vector<16xi32>, vector<16xi32>], vector<16xf32>,
      %parallel_loop3A_221 = arith.constant 11 : i32
      %parallel_loop3A_222 = vector.broadcast %parallel_loop3A_221 : i32 to vector<16xi32>
      %parallel_loop3A_223 = arith.addi %iota3A, %parallel_loop3A_222 : vector<16xi32>
      %parallel_loop3A_224 = arith.constant 31 : i32
      %parallel_loop3A_225 = vector.broadcast %parallel_loop3A_224 : i32 to vector<16xi32>
      %parallel_loop3A_226 = arith.andi %parallel_loop3A_223, %parallel_loop3A_225 : vector<16xi32>
      %parallel_loop3A_227 = arith.addi %parallel_loop3A_44, %parallel_loop3A_226 : vector<16xi32>
      %parallel_loop3A_228 = tpu.vector_load_idx %arg9[%parallel_loop3A_227] : memref<32768xf32, #tpu.memory_space<vmem>>[vector<16xi32>], vector<16xf32>,
      %parallel_loop3A_229 = arith.shrsi %parallel_loop3A_42, %parallel_loop3A_226 : vector<16xi32>
      %parallel_loop3A_230 = arith.constant 1 : i32
      %parallel_loop3A_231 = vector.broadcast %parallel_loop3A_230 : i32 to vector<16xi32>
      %parallel_loop3A_232 = arith.andi %parallel_loop3A_229, %parallel_loop3A_231 : vector<16xi32>
      %parallel_loop3A_233 = arith.constant 0 : i32
      %parallel_loop3A_234 = vector.broadcast %parallel_loop3A_233 : i32 to vector<16xi32>
      %parallel_loop3A_235 = arith.cmpi ne, %parallel_loop3A_232, %parallel_loop3A_234 : vector<16xi32>
      %parallel_loop3A_236 = arith.select %parallel_loop3A_235, %parallel_loop3A_228, %broadcast_in_dim3A_29 : vector<16xi1>, vector<16xf32>
      tpu.vector_store_idx %arg10[%parallel_loop3A_40, %parallel_loop3A_226], %parallel_loop3A_236 : memref<512x32xf32, #tpu.memory_space<vmem>>[vector<16xi32>, vector<16xi32>], vector<16xf32>,
      %parallel_loop3A_237 = arith.constant 12 : i32
      %parallel_loop3A_238 = vector.broadcast %parallel_loop3A_237 : i32 to vector<16xi32>
      %parallel_loop3A_239 = arith.addi %iota3A, %parallel_loop3A_238 : vector<16xi32>
      %parallel_loop3A_240 = arith.constant 31 : i32
      %parallel_loop3A_241 = vector.broadcast %parallel_loop3A_240 : i32 to vector<16xi32>
      %parallel_loop3A_242 = arith.andi %parallel_loop3A_239, %parallel_loop3A_241 : vector<16xi32>
      %parallel_loop3A_243 = arith.addi %parallel_loop3A_44, %parallel_loop3A_242 : vector<16xi32>
      %parallel_loop3A_244 = tpu.vector_load_idx %arg9[%parallel_loop3A_243] : memref<32768xf32, #tpu.memory_space<vmem>>[vector<16xi32>], vector<16xf32>,
      %parallel_loop3A_245 = arith.shrsi %parallel_loop3A_42, %parallel_loop3A_242 : vector<16xi32>
      %parallel_loop3A_246 = arith.constant 1 : i32
      %parallel_loop3A_247 = vector.broadcast %parallel_loop3A_246 : i32 to vector<16xi32>
      %parallel_loop3A_248 = arith.andi %parallel_loop3A_245, %parallel_loop3A_247 : vector<16xi32>
      %parallel_loop3A_249 = arith.constant 0 : i32
      %parallel_loop3A_250 = vector.broadcast %parallel_loop3A_249 : i32 to vector<16xi32>
      %parallel_loop3A_251 = arith.cmpi ne, %parallel_loop3A_248, %parallel_loop3A_250 : vector<16xi32>
      %parallel_loop3A_252 = arith.select %parallel_loop3A_251, %parallel_loop3A_244, %broadcast_in_dim3A_29 : vector<16xi1>, vector<16xf32>
      tpu.vector_store_idx %arg10[%parallel_loop3A_40, %parallel_loop3A_242], %parallel_loop3A_252 : memref<512x32xf32, #tpu.memory_space<vmem>>[vector<16xi32>, vector<16xi32>], vector<16xf32>,
      %parallel_loop3A_253 = arith.constant 13 : i32
      %parallel_loop3A_254 = vector.broadcast %parallel_loop3A_253 : i32 to vector<16xi32>
      %parallel_loop3A_255 = arith.addi %iota3A, %parallel_loop3A_254 : vector<16xi32>
      %parallel_loop3A_256 = arith.constant 31 : i32
      %parallel_loop3A_257 = vector.broadcast %parallel_loop3A_256 : i32 to vector<16xi32>
      %parallel_loop3A_258 = arith.andi %parallel_loop3A_255, %parallel_loop3A_257 : vector<16xi32>
      %parallel_loop3A_259 = arith.addi %parallel_loop3A_44, %parallel_loop3A_258 : vector<16xi32>
      %parallel_loop3A_260 = tpu.vector_load_idx %arg9[%parallel_loop3A_259] : memref<32768xf32, #tpu.memory_space<vmem>>[vector<16xi32>], vector<16xf32>,
      %parallel_loop3A_261 = arith.shrsi %parallel_loop3A_42, %parallel_loop3A_258 : vector<16xi32>
      %parallel_loop3A_262 = arith.constant 1 : i32
      %parallel_loop3A_263 = vector.broadcast %parallel_loop3A_262 : i32 to vector<16xi32>
      %parallel_loop3A_264 = arith.andi %parallel_loop3A_261, %parallel_loop3A_263 : vector<16xi32>
      %parallel_loop3A_265 = arith.constant 0 : i32
      %parallel_loop3A_266 = vector.broadcast %parallel_loop3A_265 : i32 to vector<16xi32>
      %parallel_loop3A_267 = arith.cmpi ne, %parallel_loop3A_264, %parallel_loop3A_266 : vector<16xi32>
      %parallel_loop3A_268 = arith.select %parallel_loop3A_267, %parallel_loop3A_260, %broadcast_in_dim3A_29 : vector<16xi1>, vector<16xf32>
      tpu.vector_store_idx %arg10[%parallel_loop3A_40, %parallel_loop3A_258], %parallel_loop3A_268 : memref<512x32xf32, #tpu.memory_space<vmem>>[vector<16xi32>, vector<16xi32>], vector<16xf32>,
      %parallel_loop3A_269 = arith.constant 14 : i32
      %parallel_loop3A_270 = vector.broadcast %parallel_loop3A_269 : i32 to vector<16xi32>
      %parallel_loop3A_271 = arith.addi %iota3A, %parallel_loop3A_270 : vector<16xi32>
      %parallel_loop3A_272 = arith.constant 31 : i32
      %parallel_loop3A_273 = vector.broadcast %parallel_loop3A_272 : i32 to vector<16xi32>
      %parallel_loop3A_274 = arith.andi %parallel_loop3A_271, %parallel_loop3A_273 : vector<16xi32>
      %parallel_loop3A_275 = arith.addi %parallel_loop3A_44, %parallel_loop3A_274 : vector<16xi32>
      %parallel_loop3A_276 = tpu.vector_load_idx %arg9[%parallel_loop3A_275] : memref<32768xf32, #tpu.memory_space<vmem>>[vector<16xi32>], vector<16xf32>,
      %parallel_loop3A_277 = arith.shrsi %parallel_loop3A_42, %parallel_loop3A_274 : vector<16xi32>
      %parallel_loop3A_278 = arith.constant 1 : i32
      %parallel_loop3A_279 = vector.broadcast %parallel_loop3A_278 : i32 to vector<16xi32>
      %parallel_loop3A_280 = arith.andi %parallel_loop3A_277, %parallel_loop3A_279 : vector<16xi32>
      %parallel_loop3A_281 = arith.constant 0 : i32
      %parallel_loop3A_282 = vector.broadcast %parallel_loop3A_281 : i32 to vector<16xi32>
      %parallel_loop3A_283 = arith.cmpi ne, %parallel_loop3A_280, %parallel_loop3A_282 : vector<16xi32>
      %parallel_loop3A_284 = arith.select %parallel_loop3A_283, %parallel_loop3A_276, %broadcast_in_dim3A_29 : vector<16xi1>, vector<16xf32>
      tpu.vector_store_idx %arg10[%parallel_loop3A_40, %parallel_loop3A_274], %parallel_loop3A_284 : memref<512x32xf32, #tpu.memory_space<vmem>>[vector<16xi32>, vector<16xi32>], vector<16xf32>,
      %parallel_loop3A_285 = arith.constant 15 : i32
      %parallel_loop3A_286 = vector.broadcast %parallel_loop3A_285 : i32 to vector<16xi32>
      %parallel_loop3A_287 = arith.addi %iota3A, %parallel_loop3A_286 : vector<16xi32>
      %parallel_loop3A_288 = arith.constant 31 : i32
      %parallel_loop3A_289 = vector.broadcast %parallel_loop3A_288 : i32 to vector<16xi32>
      %parallel_loop3A_290 = arith.andi %parallel_loop3A_287, %parallel_loop3A_289 : vector<16xi32>
      %parallel_loop3A_291 = arith.addi %parallel_loop3A_44, %parallel_loop3A_290 : vector<16xi32>
      %parallel_loop3A_292 = tpu.vector_load_idx %arg9[%parallel_loop3A_291] : memref<32768xf32, #tpu.memory_space<vmem>>[vector<16xi32>], vector<16xf32>,
      %parallel_loop3A_293 = arith.shrsi %parallel_loop3A_42, %parallel_loop3A_290 : vector<16xi32>
      %parallel_loop3A_294 = arith.constant 1 : i32
      %parallel_loop3A_295 = vector.broadcast %parallel_loop3A_294 : i32 to vector<16xi32>
      %parallel_loop3A_296 = arith.andi %parallel_loop3A_293, %parallel_loop3A_295 : vector<16xi32>
      %parallel_loop3A_297 = arith.constant 0 : i32
      %parallel_loop3A_298 = vector.broadcast %parallel_loop3A_297 : i32 to vector<16xi32>
      %parallel_loop3A_299 = arith.cmpi ne, %parallel_loop3A_296, %parallel_loop3A_298 : vector<16xi32>
      %parallel_loop3A_300 = arith.select %parallel_loop3A_299, %parallel_loop3A_292, %broadcast_in_dim3A_29 : vector<16xi1>, vector<16xf32>
      tpu.vector_store_idx %arg10[%parallel_loop3A_40, %parallel_loop3A_290], %parallel_loop3A_300 : memref<512x32xf32, #tpu.memory_space<vmem>>[vector<16xi32>, vector<16xi32>], vector<16xf32>,
      %parallel_loop3A_301 = arith.constant 16 : i32
      %parallel_loop3A_302 = vector.broadcast %parallel_loop3A_301 : i32 to vector<16xi32>
      %parallel_loop3A_303 = arith.addi %iota3A, %parallel_loop3A_302 : vector<16xi32>
      %parallel_loop3A_304 = arith.constant 31 : i32
      %parallel_loop3A_305 = vector.broadcast %parallel_loop3A_304 : i32 to vector<16xi32>
      %parallel_loop3A_306 = arith.andi %parallel_loop3A_303, %parallel_loop3A_305 : vector<16xi32>
      %parallel_loop3A_307 = arith.addi %parallel_loop3A_44, %parallel_loop3A_306 : vector<16xi32>
      %parallel_loop3A_308 = tpu.vector_load_idx %arg9[%parallel_loop3A_307] : memref<32768xf32, #tpu.memory_space<vmem>>[vector<16xi32>], vector<16xf32>,
      %parallel_loop3A_309 = arith.shrsi %parallel_loop3A_42, %parallel_loop3A_306 : vector<16xi32>
      %parallel_loop3A_310 = arith.constant 1 : i32
      %parallel_loop3A_311 = vector.broadcast %parallel_loop3A_310 : i32 to vector<16xi32>
      %parallel_loop3A_312 = arith.andi %parallel_loop3A_309, %parallel_loop3A_311 : vector<16xi32>
      %parallel_loop3A_313 = arith.constant 0 : i32
      %parallel_loop3A_314 = vector.broadcast %parallel_loop3A_313 : i32 to vector<16xi32>
      %parallel_loop3A_315 = arith.cmpi ne, %parallel_loop3A_312, %parallel_loop3A_314 : vector<16xi32>
      %parallel_loop3A_316 = arith.select %parallel_loop3A_315, %parallel_loop3A_308, %broadcast_in_dim3A_29 : vector<16xi1>, vector<16xf32>
      tpu.vector_store_idx %arg10[%parallel_loop3A_40, %parallel_loop3A_306], %parallel_loop3A_316 : memref<512x32xf32, #tpu.memory_space<vmem>>[vector<16xi32>, vector<16xi32>], vector<16xf32>,
      %parallel_loop3A_317 = arith.constant 17 : i32
      %parallel_loop3A_318 = vector.broadcast %parallel_loop3A_317 : i32 to vector<16xi32>
      %parallel_loop3A_319 = arith.addi %iota3A, %parallel_loop3A_318 : vector<16xi32>
      %parallel_loop3A_320 = arith.constant 31 : i32
      %parallel_loop3A_321 = vector.broadcast %parallel_loop3A_320 : i32 to vector<16xi32>
      %parallel_loop3A_322 = arith.andi %parallel_loop3A_319, %parallel_loop3A_321 : vector<16xi32>
      %parallel_loop3A_323 = arith.addi %parallel_loop3A_44, %parallel_loop3A_322 : vector<16xi32>
      %parallel_loop3A_324 = tpu.vector_load_idx %arg9[%parallel_loop3A_323] : memref<32768xf32, #tpu.memory_space<vmem>>[vector<16xi32>], vector<16xf32>,
      %parallel_loop3A_325 = arith.shrsi %parallel_loop3A_42, %parallel_loop3A_322 : vector<16xi32>
      %parallel_loop3A_326 = arith.constant 1 : i32
      %parallel_loop3A_327 = vector.broadcast %parallel_loop3A_326 : i32 to vector<16xi32>
      %parallel_loop3A_328 = arith.andi %parallel_loop3A_325, %parallel_loop3A_327 : vector<16xi32>
      %parallel_loop3A_329 = arith.constant 0 : i32
      %parallel_loop3A_330 = vector.broadcast %parallel_loop3A_329 : i32 to vector<16xi32>
      %parallel_loop3A_331 = arith.cmpi ne, %parallel_loop3A_328, %parallel_loop3A_330 : vector<16xi32>
      %parallel_loop3A_332 = arith.select %parallel_loop3A_331, %parallel_loop3A_324, %broadcast_in_dim3A_29 : vector<16xi1>, vector<16xf32>
      tpu.vector_store_idx %arg10[%parallel_loop3A_40, %parallel_loop3A_322], %parallel_loop3A_332 : memref<512x32xf32, #tpu.memory_space<vmem>>[vector<16xi32>, vector<16xi32>], vector<16xf32>,
      %parallel_loop3A_333 = arith.constant 18 : i32
      %parallel_loop3A_334 = vector.broadcast %parallel_loop3A_333 : i32 to vector<16xi32>
      %parallel_loop3A_335 = arith.addi %iota3A, %parallel_loop3A_334 : vector<16xi32>
      %parallel_loop3A_336 = arith.constant 31 : i32
      %parallel_loop3A_337 = vector.broadcast %parallel_loop3A_336 : i32 to vector<16xi32>
      %parallel_loop3A_338 = arith.andi %parallel_loop3A_335, %parallel_loop3A_337 : vector<16xi32>
      %parallel_loop3A_339 = arith.addi %parallel_loop3A_44, %parallel_loop3A_338 : vector<16xi32>
      %parallel_loop3A_340 = tpu.vector_load_idx %arg9[%parallel_loop3A_339] : memref<32768xf32, #tpu.memory_space<vmem>>[vector<16xi32>], vector<16xf32>,
      %parallel_loop3A_341 = arith.shrsi %parallel_loop3A_42, %parallel_loop3A_338 : vector<16xi32>
      %parallel_loop3A_342 = arith.constant 1 : i32
      %parallel_loop3A_343 = vector.broadcast %parallel_loop3A_342 : i32 to vector<16xi32>
      %parallel_loop3A_344 = arith.andi %parallel_loop3A_341, %parallel_loop3A_343 : vector<16xi32>
      %parallel_loop3A_345 = arith.constant 0 : i32
      %parallel_loop3A_346 = vector.broadcast %parallel_loop3A_345 : i32 to vector<16xi32>
      %parallel_loop3A_347 = arith.cmpi ne, %parallel_loop3A_344, %parallel_loop3A_346 : vector<16xi32>
      %parallel_loop3A_348 = arith.select %parallel_loop3A_347, %parallel_loop3A_340, %broadcast_in_dim3A_29 : vector<16xi1>, vector<16xf32>
      tpu.vector_store_idx %arg10[%parallel_loop3A_40, %parallel_loop3A_338], %parallel_loop3A_348 : memref<512x32xf32, #tpu.memory_space<vmem>>[vector<16xi32>, vector<16xi32>], vector<16xf32>,
      %parallel_loop3A_349 = arith.constant 19 : i32
      %parallel_loop3A_350 = vector.broadcast %parallel_loop3A_349 : i32 to vector<16xi32>
      %parallel_loop3A_351 = arith.addi %iota3A, %parallel_loop3A_350 : vector<16xi32>
      %parallel_loop3A_352 = arith.constant 31 : i32
      %parallel_loop3A_353 = vector.broadcast %parallel_loop3A_352 : i32 to vector<16xi32>
      %parallel_loop3A_354 = arith.andi %parallel_loop3A_351, %parallel_loop3A_353 : vector<16xi32>
      %parallel_loop3A_355 = arith.addi %parallel_loop3A_44, %parallel_loop3A_354 : vector<16xi32>
      %parallel_loop3A_356 = tpu.vector_load_idx %arg9[%parallel_loop3A_355] : memref<32768xf32, #tpu.memory_space<vmem>>[vector<16xi32>], vector<16xf32>,
      %parallel_loop3A_357 = arith.shrsi %parallel_loop3A_42, %parallel_loop3A_354 : vector<16xi32>
      %parallel_loop3A_358 = arith.constant 1 : i32
      %parallel_loop3A_359 = vector.broadcast %parallel_loop3A_358 : i32 to vector<16xi32>
      %parallel_loop3A_360 = arith.andi %parallel_loop3A_357, %parallel_loop3A_359 : vector<16xi32>
      %parallel_loop3A_361 = arith.constant 0 : i32
      %parallel_loop3A_362 = vector.broadcast %parallel_loop3A_361 : i32 to vector<16xi32>
      %parallel_loop3A_363 = arith.cmpi ne, %parallel_loop3A_360, %parallel_loop3A_362 : vector<16xi32>
      %parallel_loop3A_364 = arith.select %parallel_loop3A_363, %parallel_loop3A_356, %broadcast_in_dim3A_29 : vector<16xi1>, vector<16xf32>
      tpu.vector_store_idx %arg10[%parallel_loop3A_40, %parallel_loop3A_354], %parallel_loop3A_364 : memref<512x32xf32, #tpu.memory_space<vmem>>[vector<16xi32>, vector<16xi32>], vector<16xf32>,
      %parallel_loop3A_365 = arith.constant 20 : i32
      %parallel_loop3A_366 = vector.broadcast %parallel_loop3A_365 : i32 to vector<16xi32>
      %parallel_loop3A_367 = arith.addi %iota3A, %parallel_loop3A_366 : vector<16xi32>
      %parallel_loop3A_368 = arith.constant 31 : i32
      %parallel_loop3A_369 = vector.broadcast %parallel_loop3A_368 : i32 to vector<16xi32>
      %parallel_loop3A_370 = arith.andi %parallel_loop3A_367, %parallel_loop3A_369 : vector<16xi32>
      %parallel_loop3A_371 = arith.addi %parallel_loop3A_44, %parallel_loop3A_370 : vector<16xi32>
      %parallel_loop3A_372 = tpu.vector_load_idx %arg9[%parallel_loop3A_371] : memref<32768xf32, #tpu.memory_space<vmem>>[vector<16xi32>], vector<16xf32>,
      %parallel_loop3A_373 = arith.shrsi %parallel_loop3A_42, %parallel_loop3A_370 : vector<16xi32>
      %parallel_loop3A_374 = arith.constant 1 : i32
      %parallel_loop3A_375 = vector.broadcast %parallel_loop3A_374 : i32 to vector<16xi32>
      %parallel_loop3A_376 = arith.andi %parallel_loop3A_373, %parallel_loop3A_375 : vector<16xi32>
      %parallel_loop3A_377 = arith.constant 0 : i32
      %parallel_loop3A_378 = vector.broadcast %parallel_loop3A_377 : i32 to vector<16xi32>
      %parallel_loop3A_379 = arith.cmpi ne, %parallel_loop3A_376, %parallel_loop3A_378 : vector<16xi32>
      %parallel_loop3A_380 = arith.select %parallel_loop3A_379, %parallel_loop3A_372, %broadcast_in_dim3A_29 : vector<16xi1>, vector<16xf32>
      tpu.vector_store_idx %arg10[%parallel_loop3A_40, %parallel_loop3A_370], %parallel_loop3A_380 : memref<512x32xf32, #tpu.memory_space<vmem>>[vector<16xi32>, vector<16xi32>], vector<16xf32>,
      %parallel_loop3A_381 = arith.constant 21 : i32
      %parallel_loop3A_382 = vector.broadcast %parallel_loop3A_381 : i32 to vector<16xi32>
      %parallel_loop3A_383 = arith.addi %iota3A, %parallel_loop3A_382 : vector<16xi32>
      %parallel_loop3A_384 = arith.constant 31 : i32
      %parallel_loop3A_385 = vector.broadcast %parallel_loop3A_384 : i32 to vector<16xi32>
      %parallel_loop3A_386 = arith.andi %parallel_loop3A_383, %parallel_loop3A_385 : vector<16xi32>
      %parallel_loop3A_387 = arith.addi %parallel_loop3A_44, %parallel_loop3A_386 : vector<16xi32>
      %parallel_loop3A_388 = tpu.vector_load_idx %arg9[%parallel_loop3A_387] : memref<32768xf32, #tpu.memory_space<vmem>>[vector<16xi32>], vector<16xf32>,
      %parallel_loop3A_389 = arith.shrsi %parallel_loop3A_42, %parallel_loop3A_386 : vector<16xi32>
      %parallel_loop3A_390 = arith.constant 1 : i32
      %parallel_loop3A_391 = vector.broadcast %parallel_loop3A_390 : i32 to vector<16xi32>
      %parallel_loop3A_392 = arith.andi %parallel_loop3A_389, %parallel_loop3A_391 : vector<16xi32>
      %parallel_loop3A_393 = arith.constant 0 : i32
      %parallel_loop3A_394 = vector.broadcast %parallel_loop3A_393 : i32 to vector<16xi32>
      %parallel_loop3A_395 = arith.cmpi ne, %parallel_loop3A_392, %parallel_loop3A_394 : vector<16xi32>
      %parallel_loop3A_396 = arith.select %parallel_loop3A_395, %parallel_loop3A_388, %broadcast_in_dim3A_29 : vector<16xi1>, vector<16xf32>
      tpu.vector_store_idx %arg10[%parallel_loop3A_40, %parallel_loop3A_386], %parallel_loop3A_396 : memref<512x32xf32, #tpu.memory_space<vmem>>[vector<16xi32>, vector<16xi32>], vector<16xf32>,
      %parallel_loop3A_397 = arith.constant 22 : i32
      %parallel_loop3A_398 = vector.broadcast %parallel_loop3A_397 : i32 to vector<16xi32>
      %parallel_loop3A_399 = arith.addi %iota3A, %parallel_loop3A_398 : vector<16xi32>
      %parallel_loop3A_400 = arith.constant 31 : i32
      %parallel_loop3A_401 = vector.broadcast %parallel_loop3A_400 : i32 to vector<16xi32>
      %parallel_loop3A_402 = arith.andi %parallel_loop3A_399, %parallel_loop3A_401 : vector<16xi32>
      %parallel_loop3A_403 = arith.addi %parallel_loop3A_44, %parallel_loop3A_402 : vector<16xi32>
      %parallel_loop3A_404 = tpu.vector_load_idx %arg9[%parallel_loop3A_403] : memref<32768xf32, #tpu.memory_space<vmem>>[vector<16xi32>], vector<16xf32>,
      %parallel_loop3A_405 = arith.shrsi %parallel_loop3A_42, %parallel_loop3A_402 : vector<16xi32>
      %parallel_loop3A_406 = arith.constant 1 : i32
      %parallel_loop3A_407 = vector.broadcast %parallel_loop3A_406 : i32 to vector<16xi32>
      %parallel_loop3A_408 = arith.andi %parallel_loop3A_405, %parallel_loop3A_407 : vector<16xi32>
      %parallel_loop3A_409 = arith.constant 0 : i32
      %parallel_loop3A_410 = vector.broadcast %parallel_loop3A_409 : i32 to vector<16xi32>
      %parallel_loop3A_411 = arith.cmpi ne, %parallel_loop3A_408, %parallel_loop3A_410 : vector<16xi32>
      %parallel_loop3A_412 = arith.select %parallel_loop3A_411, %parallel_loop3A_404, %broadcast_in_dim3A_29 : vector<16xi1>, vector<16xf32>
      tpu.vector_store_idx %arg10[%parallel_loop3A_40, %parallel_loop3A_402], %parallel_loop3A_412 : memref<512x32xf32, #tpu.memory_space<vmem>>[vector<16xi32>, vector<16xi32>], vector<16xf32>,
      %parallel_loop3A_413 = arith.constant 23 : i32
      %parallel_loop3A_414 = vector.broadcast %parallel_loop3A_413 : i32 to vector<16xi32>
      %parallel_loop3A_415 = arith.addi %iota3A, %parallel_loop3A_414 : vector<16xi32>
      %parallel_loop3A_416 = arith.constant 31 : i32
      %parallel_loop3A_417 = vector.broadcast %parallel_loop3A_416 : i32 to vector<16xi32>
      %parallel_loop3A_418 = arith.andi %parallel_loop3A_415, %parallel_loop3A_417 : vector<16xi32>
      %parallel_loop3A_419 = arith.addi %parallel_loop3A_44, %parallel_loop3A_418 : vector<16xi32>
      %parallel_loop3A_420 = tpu.vector_load_idx %arg9[%parallel_loop3A_419] : memref<32768xf32, #tpu.memory_space<vmem>>[vector<16xi32>], vector<16xf32>,
      %parallel_loop3A_421 = arith.shrsi %parallel_loop3A_42, %parallel_loop3A_418 : vector<16xi32>
      %parallel_loop3A_422 = arith.constant 1 : i32
      %parallel_loop3A_423 = vector.broadcast %parallel_loop3A_422 : i32 to vector<16xi32>
      %parallel_loop3A_424 = arith.andi %parallel_loop3A_421, %parallel_loop3A_423 : vector<16xi32>
      %parallel_loop3A_425 = arith.constant 0 : i32
      %parallel_loop3A_426 = vector.broadcast %parallel_loop3A_425 : i32 to vector<16xi32>
      %parallel_loop3A_427 = arith.cmpi ne, %parallel_loop3A_424, %parallel_loop3A_426 : vector<16xi32>
      %parallel_loop3A_428 = arith.select %parallel_loop3A_427, %parallel_loop3A_420, %broadcast_in_dim3A_29 : vector<16xi1>, vector<16xf32>
      tpu.vector_store_idx %arg10[%parallel_loop3A_40, %parallel_loop3A_418], %parallel_loop3A_428 : memref<512x32xf32, #tpu.memory_space<vmem>>[vector<16xi32>, vector<16xi32>], vector<16xf32>,
      %parallel_loop3A_429 = arith.constant 24 : i32
      %parallel_loop3A_430 = vector.broadcast %parallel_loop3A_429 : i32 to vector<16xi32>
      %parallel_loop3A_431 = arith.addi %iota3A, %parallel_loop3A_430 : vector<16xi32>
      %parallel_loop3A_432 = arith.constant 31 : i32
      %parallel_loop3A_433 = vector.broadcast %parallel_loop3A_432 : i32 to vector<16xi32>
      %parallel_loop3A_434 = arith.andi %parallel_loop3A_431, %parallel_loop3A_433 : vector<16xi32>
      %parallel_loop3A_435 = arith.addi %parallel_loop3A_44, %parallel_loop3A_434 : vector<16xi32>
      %parallel_loop3A_436 = tpu.vector_load_idx %arg9[%parallel_loop3A_435] : memref<32768xf32, #tpu.memory_space<vmem>>[vector<16xi32>], vector<16xf32>,
      %parallel_loop3A_437 = arith.shrsi %parallel_loop3A_42, %parallel_loop3A_434 : vector<16xi32>
      %parallel_loop3A_438 = arith.constant 1 : i32
      %parallel_loop3A_439 = vector.broadcast %parallel_loop3A_438 : i32 to vector<16xi32>
      %parallel_loop3A_440 = arith.andi %parallel_loop3A_437, %parallel_loop3A_439 : vector<16xi32>
      %parallel_loop3A_441 = arith.constant 0 : i32
      %parallel_loop3A_442 = vector.broadcast %parallel_loop3A_441 : i32 to vector<16xi32>
      %parallel_loop3A_443 = arith.cmpi ne, %parallel_loop3A_440, %parallel_loop3A_442 : vector<16xi32>
      %parallel_loop3A_444 = arith.select %parallel_loop3A_443, %parallel_loop3A_436, %broadcast_in_dim3A_29 : vector<16xi1>, vector<16xf32>
      tpu.vector_store_idx %arg10[%parallel_loop3A_40, %parallel_loop3A_434], %parallel_loop3A_444 : memref<512x32xf32, #tpu.memory_space<vmem>>[vector<16xi32>, vector<16xi32>], vector<16xf32>,
      %parallel_loop3A_445 = arith.constant 25 : i32
      %parallel_loop3A_446 = vector.broadcast %parallel_loop3A_445 : i32 to vector<16xi32>
      %parallel_loop3A_447 = arith.addi %iota3A, %parallel_loop3A_446 : vector<16xi32>
      %parallel_loop3A_448 = arith.constant 31 : i32
      %parallel_loop3A_449 = vector.broadcast %parallel_loop3A_448 : i32 to vector<16xi32>
      %parallel_loop3A_450 = arith.andi %parallel_loop3A_447, %parallel_loop3A_449 : vector<16xi32>
      %parallel_loop3A_451 = arith.addi %parallel_loop3A_44, %parallel_loop3A_450 : vector<16xi32>
      %parallel_loop3A_452 = tpu.vector_load_idx %arg9[%parallel_loop3A_451] : memref<32768xf32, #tpu.memory_space<vmem>>[vector<16xi32>], vector<16xf32>,
      %parallel_loop3A_453 = arith.shrsi %parallel_loop3A_42, %parallel_loop3A_450 : vector<16xi32>
      %parallel_loop3A_454 = arith.constant 1 : i32
      %parallel_loop3A_455 = vector.broadcast %parallel_loop3A_454 : i32 to vector<16xi32>
      %parallel_loop3A_456 = arith.andi %parallel_loop3A_453, %parallel_loop3A_455 : vector<16xi32>
      %parallel_loop3A_457 = arith.constant 0 : i32
      %parallel_loop3A_458 = vector.broadcast %parallel_loop3A_457 : i32 to vector<16xi32>
      %parallel_loop3A_459 = arith.cmpi ne, %parallel_loop3A_456, %parallel_loop3A_458 : vector<16xi32>
      %parallel_loop3A_460 = arith.select %parallel_loop3A_459, %parallel_loop3A_452, %broadcast_in_dim3A_29 : vector<16xi1>, vector<16xf32>
      tpu.vector_store_idx %arg10[%parallel_loop3A_40, %parallel_loop3A_450], %parallel_loop3A_460 : memref<512x32xf32, #tpu.memory_space<vmem>>[vector<16xi32>, vector<16xi32>], vector<16xf32>,
      %parallel_loop3A_461 = arith.constant 26 : i32
      %parallel_loop3A_462 = vector.broadcast %parallel_loop3A_461 : i32 to vector<16xi32>
      %parallel_loop3A_463 = arith.addi %iota3A, %parallel_loop3A_462 : vector<16xi32>
      %parallel_loop3A_464 = arith.constant 31 : i32
      %parallel_loop3A_465 = vector.broadcast %parallel_loop3A_464 : i32 to vector<16xi32>
      %parallel_loop3A_466 = arith.andi %parallel_loop3A_463, %parallel_loop3A_465 : vector<16xi32>
      %parallel_loop3A_467 = arith.addi %parallel_loop3A_44, %parallel_loop3A_466 : vector<16xi32>
      %parallel_loop3A_468 = tpu.vector_load_idx %arg9[%parallel_loop3A_467] : memref<32768xf32, #tpu.memory_space<vmem>>[vector<16xi32>], vector<16xf32>,
      %parallel_loop3A_469 = arith.shrsi %parallel_loop3A_42, %parallel_loop3A_466 : vector<16xi32>
      %parallel_loop3A_470 = arith.constant 1 : i32
      %parallel_loop3A_471 = vector.broadcast %parallel_loop3A_470 : i32 to vector<16xi32>
      %parallel_loop3A_472 = arith.andi %parallel_loop3A_469, %parallel_loop3A_471 : vector<16xi32>
      %parallel_loop3A_473 = arith.constant 0 : i32
      %parallel_loop3A_474 = vector.broadcast %parallel_loop3A_473 : i32 to vector<16xi32>
      %parallel_loop3A_475 = arith.cmpi ne, %parallel_loop3A_472, %parallel_loop3A_474 : vector<16xi32>
      %parallel_loop3A_476 = arith.select %parallel_loop3A_475, %parallel_loop3A_468, %broadcast_in_dim3A_29 : vector<16xi1>, vector<16xf32>
      tpu.vector_store_idx %arg10[%parallel_loop3A_40, %parallel_loop3A_466], %parallel_loop3A_476 : memref<512x32xf32, #tpu.memory_space<vmem>>[vector<16xi32>, vector<16xi32>], vector<16xf32>,
      %parallel_loop3A_477 = arith.constant 27 : i32
      %parallel_loop3A_478 = vector.broadcast %parallel_loop3A_477 : i32 to vector<16xi32>
      %parallel_loop3A_479 = arith.addi %iota3A, %parallel_loop3A_478 : vector<16xi32>
      %parallel_loop3A_480 = arith.constant 31 : i32
      %parallel_loop3A_481 = vector.broadcast %parallel_loop3A_480 : i32 to vector<16xi32>
      %parallel_loop3A_482 = arith.andi %parallel_loop3A_479, %parallel_loop3A_481 : vector<16xi32>
      %parallel_loop3A_483 = arith.addi %parallel_loop3A_44, %parallel_loop3A_482 : vector<16xi32>
      %parallel_loop3A_484 = tpu.vector_load_idx %arg9[%parallel_loop3A_483] : memref<32768xf32, #tpu.memory_space<vmem>>[vector<16xi32>], vector<16xf32>,
      %parallel_loop3A_485 = arith.shrsi %parallel_loop3A_42, %parallel_loop3A_482 : vector<16xi32>
      %parallel_loop3A_486 = arith.constant 1 : i32
      %parallel_loop3A_487 = vector.broadcast %parallel_loop3A_486 : i32 to vector<16xi32>
      %parallel_loop3A_488 = arith.andi %parallel_loop3A_485, %parallel_loop3A_487 : vector<16xi32>
      %parallel_loop3A_489 = arith.constant 0 : i32
      %parallel_loop3A_490 = vector.broadcast %parallel_loop3A_489 : i32 to vector<16xi32>
      %parallel_loop3A_491 = arith.cmpi ne, %parallel_loop3A_488, %parallel_loop3A_490 : vector<16xi32>
      %parallel_loop3A_492 = arith.select %parallel_loop3A_491, %parallel_loop3A_484, %broadcast_in_dim3A_29 : vector<16xi1>, vector<16xf32>
      tpu.vector_store_idx %arg10[%parallel_loop3A_40, %parallel_loop3A_482], %parallel_loop3A_492 : memref<512x32xf32, #tpu.memory_space<vmem>>[vector<16xi32>, vector<16xi32>], vector<16xf32>,
      %parallel_loop3A_493 = arith.constant 28 : i32
      %parallel_loop3A_494 = vector.broadcast %parallel_loop3A_493 : i32 to vector<16xi32>
      %parallel_loop3A_495 = arith.addi %iota3A, %parallel_loop3A_494 : vector<16xi32>
      %parallel_loop3A_496 = arith.constant 31 : i32
      %parallel_loop3A_497 = vector.broadcast %parallel_loop3A_496 : i32 to vector<16xi32>
      %parallel_loop3A_498 = arith.andi %parallel_loop3A_495, %parallel_loop3A_497 : vector<16xi32>
      %parallel_loop3A_499 = arith.addi %parallel_loop3A_44, %parallel_loop3A_498 : vector<16xi32>
      %parallel_loop3A_500 = tpu.vector_load_idx %arg9[%parallel_loop3A_499] : memref<32768xf32, #tpu.memory_space<vmem>>[vector<16xi32>], vector<16xf32>,
      %parallel_loop3A_501 = arith.shrsi %parallel_loop3A_42, %parallel_loop3A_498 : vector<16xi32>
      %parallel_loop3A_502 = arith.constant 1 : i32
      %parallel_loop3A_503 = vector.broadcast %parallel_loop3A_502 : i32 to vector<16xi32>
      %parallel_loop3A_504 = arith.andi %parallel_loop3A_501, %parallel_loop3A_503 : vector<16xi32>
      %parallel_loop3A_505 = arith.constant 0 : i32
      %parallel_loop3A_506 = vector.broadcast %parallel_loop3A_505 : i32 to vector<16xi32>
      %parallel_loop3A_507 = arith.cmpi ne, %parallel_loop3A_504, %parallel_loop3A_506 : vector<16xi32>
      %parallel_loop3A_508 = arith.select %parallel_loop3A_507, %parallel_loop3A_500, %broadcast_in_dim3A_29 : vector<16xi1>, vector<16xf32>
      tpu.vector_store_idx %arg10[%parallel_loop3A_40, %parallel_loop3A_498], %parallel_loop3A_508 : memref<512x32xf32, #tpu.memory_space<vmem>>[vector<16xi32>, vector<16xi32>], vector<16xf32>,
      %parallel_loop3A_509 = arith.constant 29 : i32
      %parallel_loop3A_510 = vector.broadcast %parallel_loop3A_509 : i32 to vector<16xi32>
      %parallel_loop3A_511 = arith.addi %iota3A, %parallel_loop3A_510 : vector<16xi32>
      %parallel_loop3A_512 = arith.constant 31 : i32
      %parallel_loop3A_513 = vector.broadcast %parallel_loop3A_512 : i32 to vector<16xi32>
      %parallel_loop3A_514 = arith.andi %parallel_loop3A_511, %parallel_loop3A_513 : vector<16xi32>
      %parallel_loop3A_515 = arith.addi %parallel_loop3A_44, %parallel_loop3A_514 : vector<16xi32>
      %parallel_loop3A_516 = tpu.vector_load_idx %arg9[%parallel_loop3A_515] : memref<32768xf32, #tpu.memory_space<vmem>>[vector<16xi32>], vector<16xf32>,
      %parallel_loop3A_517 = arith.shrsi %parallel_loop3A_42, %parallel_loop3A_514 : vector<16xi32>
      %parallel_loop3A_518 = arith.constant 1 : i32
      %parallel_loop3A_519 = vector.broadcast %parallel_loop3A_518 : i32 to vector<16xi32>
      %parallel_loop3A_520 = arith.andi %parallel_loop3A_517, %parallel_loop3A_519 : vector<16xi32>
      %parallel_loop3A_521 = arith.constant 0 : i32
      %parallel_loop3A_522 = vector.broadcast %parallel_loop3A_521 : i32 to vector<16xi32>
      %parallel_loop3A_523 = arith.cmpi ne, %parallel_loop3A_520, %parallel_loop3A_522 : vector<16xi32>
      %parallel_loop3A_524 = arith.select %parallel_loop3A_523, %parallel_loop3A_516, %broadcast_in_dim3A_29 : vector<16xi1>, vector<16xf32>
      tpu.vector_store_idx %arg10[%parallel_loop3A_40, %parallel_loop3A_514], %parallel_loop3A_524 : memref<512x32xf32, #tpu.memory_space<vmem>>[vector<16xi32>, vector<16xi32>], vector<16xf32>,
      %parallel_loop3A_525 = arith.constant 30 : i32
      %parallel_loop3A_526 = vector.broadcast %parallel_loop3A_525 : i32 to vector<16xi32>
      %parallel_loop3A_527 = arith.addi %iota3A, %parallel_loop3A_526 : vector<16xi32>
      %parallel_loop3A_528 = arith.constant 31 : i32
      %parallel_loop3A_529 = vector.broadcast %parallel_loop3A_528 : i32 to vector<16xi32>
      %parallel_loop3A_530 = arith.andi %parallel_loop3A_527, %parallel_loop3A_529 : vector<16xi32>
      %parallel_loop3A_531 = arith.addi %parallel_loop3A_44, %parallel_loop3A_530 : vector<16xi32>
      %parallel_loop3A_532 = tpu.vector_load_idx %arg9[%parallel_loop3A_531] : memref<32768xf32, #tpu.memory_space<vmem>>[vector<16xi32>], vector<16xf32>,
      %parallel_loop3A_533 = arith.shrsi %parallel_loop3A_42, %parallel_loop3A_530 : vector<16xi32>
      %parallel_loop3A_534 = arith.constant 1 : i32
      %parallel_loop3A_535 = vector.broadcast %parallel_loop3A_534 : i32 to vector<16xi32>
      %parallel_loop3A_536 = arith.andi %parallel_loop3A_533, %parallel_loop3A_535 : vector<16xi32>
      %parallel_loop3A_537 = arith.constant 0 : i32
      %parallel_loop3A_538 = vector.broadcast %parallel_loop3A_537 : i32 to vector<16xi32>
      %parallel_loop3A_539 = arith.cmpi ne, %parallel_loop3A_536, %parallel_loop3A_538 : vector<16xi32>
      %parallel_loop3A_540 = arith.select %parallel_loop3A_539, %parallel_loop3A_532, %broadcast_in_dim3A_29 : vector<16xi1>, vector<16xf32>
      tpu.vector_store_idx %arg10[%parallel_loop3A_40, %parallel_loop3A_530], %parallel_loop3A_540 : memref<512x32xf32, #tpu.memory_space<vmem>>[vector<16xi32>, vector<16xi32>], vector<16xf32>,
      %parallel_loop3A_541 = arith.constant 31 : i32
      %parallel_loop3A_542 = vector.broadcast %parallel_loop3A_541 : i32 to vector<16xi32>
      %parallel_loop3A_543 = arith.addi %iota3A, %parallel_loop3A_542 : vector<16xi32>
      %parallel_loop3A_544 = arith.constant 31 : i32
      %parallel_loop3A_545 = vector.broadcast %parallel_loop3A_544 : i32 to vector<16xi32>
      %parallel_loop3A_546 = arith.andi %parallel_loop3A_543, %parallel_loop3A_545 : vector<16xi32>
      %parallel_loop3A_547 = arith.addi %parallel_loop3A_44, %parallel_loop3A_546 : vector<16xi32>
      %parallel_loop3A_548 = tpu.vector_load_idx %arg9[%parallel_loop3A_547] : memref<32768xf32, #tpu.memory_space<vmem>>[vector<16xi32>], vector<16xf32>,
      %parallel_loop3A_549 = arith.shrsi %parallel_loop3A_42, %parallel_loop3A_546 : vector<16xi32>
      %parallel_loop3A_550 = arith.constant 1 : i32
      %parallel_loop3A_551 = vector.broadcast %parallel_loop3A_550 : i32 to vector<16xi32>
      %parallel_loop3A_552 = arith.andi %parallel_loop3A_549, %parallel_loop3A_551 : vector<16xi32>
      %parallel_loop3A_553 = arith.constant 0 : i32
      %parallel_loop3A_554 = vector.broadcast %parallel_loop3A_553 : i32 to vector<16xi32>
      %parallel_loop3A_555 = arith.cmpi ne, %parallel_loop3A_552, %parallel_loop3A_554 : vector<16xi32>
      %parallel_loop3A_556 = arith.select %parallel_loop3A_555, %parallel_loop3A_548, %broadcast_in_dim3A_29 : vector<16xi1>, vector<16xf32>
      tpu.vector_store_idx %arg10[%parallel_loop3A_40, %parallel_loop3A_546], %parallel_loop3A_556 : memref<512x32xf32, #tpu.memory_space<vmem>>[vector<16xi32>, vector<16xi32>], vector<16xf32>,
    } {sc.loop_unroll_factor = 1 : i64, sc.parallel_access}
    "tpu.trace_stop"() : () -> ()
    "tpu.trace_start"() <{level = 10 : i32, message = "out_copies"}> : () -> ()
    "tpu.region"() ({
      %run_scoped3A = tpu.sem_alloc : memref<!tpu.dma_semaphore, #tpu.memory_space<semaphore_mem>>
      %dma_start3A_36 = arith.constant 0 : i32
      %dma_start3A_37 = tpu.memref_slice %arg6[%mul3A_2, %dma_start3A_36] : memref<16384x32xf32, #tpu.memory_space<hbm>> -> memref<512x32xf32, #tpu.memory_space<hbm>>
      %dma_start3A_38 = arith.constant 0 : i32
      %dma_start3A_39 = tpu.memref_slice %arg6[%mul3A_2, %dma_start3A_38] : memref<16384x32xf32, #tpu.memory_space<hbm>> -> memref<512x32xf32, #tpu.memory_space<hbm>>
      tpu.enqueue_dma source(%arg10 : memref<512x32xf32, #tpu.memory_space<vmem>>) target(%dma_start3A_39 : memref<512x32xf32, #tpu.memory_space<hbm>>) target_semaphore(%run_scoped3A : memref<!tpu.dma_semaphore, #tpu.memory_space<semaphore_mem>>)
      %dma_wait3A_40 = arith.constant 0 : i32
      %dma_wait3A_41 = tpu.memref_slice %arg6[%mul3A_2, %dma_wait3A_40] : memref<16384x32xf32, #tpu.memory_space<hbm>> -> memref<512x32xf32, #tpu.memory_space<hbm>>
      %dma_wait3A_42 = arith.constant 0 : i32
      %dma_wait3A_43 = tpu.memref_slice %arg6[%mul3A_2, %dma_wait3A_42] : memref<16384x32xf32, #tpu.memory_space<hbm>> -> memref<512x32xf32, #tpu.memory_space<hbm>>
      tpu.wait_dma2 semaphore(%run_scoped3A : memref<!tpu.dma_semaphore, #tpu.memory_space<semaphore_mem>>) src(%arg10 : memref<512x32xf32, #tpu.memory_space<vmem>>) dst(%dma_wait3A_43 : memref<512x32xf32, #tpu.memory_space<hbm>>)
      tpu.yield
    }) : () -> ()
    "tpu.region"() ({
      %run_scoped3A = tpu.sem_alloc : memref<!tpu.dma_semaphore, #tpu.memory_space<semaphore_mem>>
      %dma_start3A_36 = tpu.memref_slice %arg7[%mul3A_2] : memref<16384xf32, #tpu.memory_space<hbm>> -> memref<512xf32, #tpu.memory_space<hbm>>
      %dma_start3A_37 = tpu.memref_slice %arg7[%mul3A_2] : memref<16384xf32, #tpu.memory_space<hbm>> -> memref<512xf32, #tpu.memory_space<hbm>>
      tpu.enqueue_dma source(%arg13 : memref<512xf32, #tpu.memory_space<vmem>>) target(%dma_start3A_37 : memref<512xf32, #tpu.memory_space<hbm>>) target_semaphore(%run_scoped3A : memref<!tpu.dma_semaphore, #tpu.memory_space<semaphore_mem>>)
      %dma_wait3A_38 = tpu.memref_slice %arg7[%mul3A_2] : memref<16384xf32, #tpu.memory_space<hbm>> -> memref<512xf32, #tpu.memory_space<hbm>>
      %dma_wait3A_39 = tpu.memref_slice %arg7[%mul3A_2] : memref<16384xf32, #tpu.memory_space<hbm>> -> memref<512xf32, #tpu.memory_space<hbm>>
      tpu.wait_dma2 semaphore(%run_scoped3A : memref<!tpu.dma_semaphore, #tpu.memory_space<semaphore_mem>>) src(%arg13 : memref<512xf32, #tpu.memory_space<vmem>>) dst(%dma_wait3A_39 : memref<512xf32, #tpu.memory_space<hbm>>)
      tpu.yield
    }) : () -> ()
    "tpu.trace_stop"() : () -> ()
    return
  }
}

module attributes {stable_mosaic.version = 14 : i64} {
  func.func @_lut_body(%arg0: memref<5x32xf32, #tpu.memory_space<vmem>>, %arg1: memref<10x32xf32, #tpu.memory_space<vmem>>, %arg2: memref<32x128xf32, #tpu.memory_space<vmem>>, %arg3: memref<1x128xf32, #tpu.memory_space<vmem>>, %arg4: memref<128x32xf32, #tpu.memory_space<vmem>>, %arg5: memref<1x32xf32, #tpu.memory_space<vmem>>, %arg6: memref<128x1xf32, #tpu.memory_space<vmem>>, %arg7: memref<1x1xf32, #tpu.memory_space<vmem>>, %arg8: memref<1024x32xf32, #tpu.memory_space<vmem>>, %arg9: memref<16x1xf32, #tpu.memory_space<vmem>>) attributes {dimension_semantics = [], scalar_prefetch = 0 : i64, scratch_operands = 0 : i64, tpu.core_type = #tpu.core_type<tc>} {
    %get3A = arith.constant 1 : index
    %get3A_0 = arith.constant 0 : index
    %get3A_1 = vector.load %arg0[%get3A, %get3A_0] : memref<5x32xf32, #tpu.memory_space<vmem>>, vector<1x32xf32>
    %get3A_2 = arith.constant 0 : index
    %get3A_3 = arith.constant 0 : index
    %get3A_4 = vector.load %arg1[%get3A_2, %get3A_3] : memref<10x32xf32, #tpu.memory_space<vmem>>, vector<10x32xf32>
    %add3A = vector.broadcast %get3A_1 : vector<1x32xf32> to vector<10x32xf32>
    %add3A_5 = arith.addf %add3A, %get3A_4 : vector<10x32xf32>
    %get3A_6 = arith.constant 0 : index
    %get3A_7 = arith.constant 0 : index
    %get3A_8 = vector.load %arg2[%get3A_6, %get3A_7] : memref<32x128xf32, #tpu.memory_space<vmem>>, vector<32x128xf32>
    %dot_general3A = arith.constant dense<0.000000e+00> : vector<10x128xf32>
    %dot_general3A_9 = tpu.matmul %add3A_5, %get3A_8, %dot_general3A {dimension_numbers = #tpu.dot_dimension_numbers<[1], [0], [0], [1], [0, 0, 1, 1], [], []>, transpose_lhs_hint = false} : vector<10x32xf32>, vector<32x128xf32>, vector<10x128xf32> -> vector<10x128xf32>
    %get3A_10 = arith.constant 0 : index
    %get3A_11 = arith.constant 0 : index
    %get3A_12 = vector.load %arg3[%get3A_10, %get3A_11] : memref<1x128xf32, #tpu.memory_space<vmem>>, vector<1x128xf32>
    %add3A_13 = vector.broadcast %get3A_12 : vector<1x128xf32> to vector<10x128xf32>
    %add3A_14 = arith.addf %dot_general3A_9, %add3A_13 : vector<10x128xf32>
    %max3A = arith.constant 0.000000e+00 : f32
    %max3A_15 = vector.broadcast %max3A : f32 to vector<10x128xf32>
    %max3A_16 = arith.maximumf %add3A_14, %max3A_15 : vector<10x128xf32>
    %get3A_17 = arith.constant 0 : index
    %get3A_18 = arith.constant 0 : index
    %get3A_19 = vector.load %arg4[%get3A_17, %get3A_18] : memref<128x32xf32, #tpu.memory_space<vmem>>, vector<128x32xf32>
    %dot_general3A_20 = arith.constant dense<0.000000e+00> : vector<10x32xf32>
    %dot_general3A_21 = tpu.matmul %max3A_16, %get3A_19, %dot_general3A_20 {dimension_numbers = #tpu.dot_dimension_numbers<[1], [0], [0], [1], [0, 0, 1, 1], [], []>, transpose_lhs_hint = false} : vector<10x128xf32>, vector<128x32xf32>, vector<10x32xf32> -> vector<10x32xf32>
    %get3A_22 = arith.constant 0 : index
    %get3A_23 = arith.constant 0 : index
    %get3A_24 = vector.load %arg6[%get3A_22, %get3A_23] : memref<128x1xf32, #tpu.memory_space<vmem>>, vector<128x1xf32>
    %dot_general3A_25 = arith.constant dense<0.000000e+00> : vector<10x1xf32>
    %dot_general3A_26 = tpu.matmul %max3A_16, %get3A_24, %dot_general3A_25 {dimension_numbers = #tpu.dot_dimension_numbers<[1], [0], [0], [1], [0, 0, 1, 1], [], []>, transpose_lhs_hint = false} : vector<10x128xf32>, vector<128x1xf32>, vector<10x1xf32> -> vector<10x1xf32>
    %iota3A = tpu.iota {dimensions = array<i32: 0>} : vector<1024x10xi32>
    %iota3A_27 = tpu.iota {dimensions = array<i32: 1>} : vector<1024x10xi32>
    %shift_right_arithmetic3A = arith.shrsi %iota3A, %iota3A_27 : vector<1024x10xi32>
    %and3A = arith.constant 1 : i32
    %and3A_28 = vector.broadcast %and3A : i32 to vector<1024x10xi32>
    %and3A_29 = arith.andi %shift_right_arithmetic3A, %and3A_28 : vector<1024x10xi32>
    %convert_element_type3A = arith.sitofp %and3A_29 : vector<1024x10xi32> to vector<1024x10xf32>
    %reduce_sum3A = arith.constant dense<0.000000e+00> : vector<1024xf32>
    %reduce_sum3A_30 = vector.multi_reduction <add>, %convert_element_type3A, %reduce_sum3A [1] : vector<1024x10xf32> to vector<1024xf32>
    %broadcast_in_dim3A = vector.shape_cast %reduce_sum3A_30 : vector<1024xf32> to vector<1024x1xf32>
    %add3A_31 = arith.constant 9.99999997E-7 : f32
    %add3A_32 = vector.broadcast %add3A_31 : f32 to vector<1024x1xf32>
    %add3A_33 = arith.addf %broadcast_in_dim3A, %add3A_32 : vector<1024x1xf32>
    %div3A = arith.constant 1.000000e+00 : f32
    %div3A_34 = vector.broadcast %div3A : f32 to vector<1024x1xf32>
    %div3A_35 = arith.divf %div3A_34, %add3A_33 : vector<1024x1xf32>
    %dot_general3A_36 = arith.constant dense<0.000000e+00> : vector<1024x32xf32>
    %dot_general3A_37 = tpu.matmul %convert_element_type3A, %dot_general3A_21, %dot_general3A_36 {dimension_numbers = #tpu.dot_dimension_numbers<[1], [0], [0], [1], [0, 0, 1, 1], [], []>, transpose_lhs_hint = false} : vector<1024x10xf32>, vector<10x32xf32>, vector<1024x32xf32> -> vector<1024x32xf32>
    %mul3A = vector.broadcast %div3A_35 : vector<1024x1xf32> to vector<1024x32xf32>
    %mul3A_38 = arith.mulf %dot_general3A_37, %mul3A : vector<1024x32xf32>
    %get3A_39 = arith.constant 0 : index
    %get3A_40 = arith.constant 0 : index
    %get3A_41 = vector.load %arg5[%get3A_39, %get3A_40] : memref<1x32xf32, #tpu.memory_space<vmem>>, vector<1x32xf32>
    %add3A_42 = vector.broadcast %get3A_41 : vector<1x32xf32> to vector<1024x32xf32>
    %add3A_43 = arith.addf %mul3A_38, %add3A_42 : vector<1024x32xf32>
    %swap3A = arith.constant 0 : index
    %swap3A_44 = arith.constant 0 : index
    %swap3A_45 = vector.load %arg8[%swap3A, %swap3A_44] : memref<1024x32xf32, #tpu.memory_space<vmem>>, vector<1024x32xf32>
    tpu.vector_store %arg8[%swap3A, %swap3A_44], %add3A_43 {strides = array<i32>} : memref<1024x32xf32, #tpu.memory_space<vmem>>, vector<1024x32xf32>,
    %get3A_46 = arith.constant 0 : index
    %get3A_47 = arith.constant 0 : index
    %get3A_48 = vector.load %arg7[%get3A_46, %get3A_47] : memref<1x1xf32, #tpu.memory_space<vmem>>, vector<1x1xf32>
    %broadcast_in_dim3A_49 = arith.constant 0.000000e+00 : f32
    %broadcast_in_dim3A_50 = vector.broadcast %broadcast_in_dim3A_49 : f32 to vector<5x1xf32>
    %concatenate3A = tpu.concatenate %dot_general3A_26, %get3A_48, %broadcast_in_dim3A_50 in 0 : vector<10x1xf32>, vector<1x1xf32>, vector<5x1xf32> -> vector<16x1xf32>
    %swap3A_51 = arith.constant 0 : index
    %swap3A_52 = arith.constant 0 : index
    %swap3A_53 = vector.load %arg9[%swap3A_51, %swap3A_52] : memref<16x1xf32, #tpu.memory_space<vmem>>, vector<16x1xf32>
    tpu.vector_store %arg9[%swap3A_51, %swap3A_52], %concatenate3A {strides = array<i32>} : memref<16x1xf32, #tpu.memory_space<vmem>>, vector<16x1xf32>,
    return
  }
}

</mosaic_0001>

<sc_bundles>
// kernel: kernel.4.cloned.1.call-start
scs
__scs_entry_jumppad:
0x0: {  	(pc) =	sbr.rel $0x88, $3  }
0x1: {  	(tag) =	ssettag $0x0;
	lr =	simm.s32 $0x1  }
0x2: {  	[smem:$0x3F97] =	sst lr;
	_ =	strace $0xD0000000  }
0x3: {  	_ = 	snop  }
0x4: {  	_ = 	snop  }
0x5: {  	_ = 	snop  }
0x6: {  	_ = 	snop  }
0x7: {  	_ = 	snop  }
__scs_overlays_trampoline_lowered:
0x8: {  	[smem:$0x3FA6] =	sst s0  }
0x9: {  	[smem:$0x3FA7] =	sst s1  }
0xa: {  	[smem:$0x3FA8] =	sst s2  }
0xb: {  	[smem:$0x3FA9] =	sst s3  }
0xc: {  	[smem:$0x3FAA] =	sst s4  }
0xd: {  	[smem:$0x3FAB] =	sst s5  }
0xe: {  	[smem:$0x3FAC] =	sst s6  }
0xf: {  	[smem:$0x3FAD] =	sst s7  }
0x10: {  	[smem:$0x3FAE] =	sst s8  }
0x11: {  	[smem:$0x3FAF] =	sst s9;
	s0 =	simm.s32 @!p0 $0x0  }
0x12: {  	s1 =	sld [smem:$0x3F95];
	s0 =	simm.s32 @p0 $0x1  }
0x13: {  	[smem:$0x3FB0] =	sst s0;
	s0 =	simm.s32 @!p1 $0x0  }
0x14: {  	s2 =	sld [smem:$0x3F94];
	s0 =	simm.s32 @p1 $0x1  }
0x15: {  	[smem:$0x3FB1] =	sst s0;
	s0 =	simm.s32 @!p2 $0x0  }
0x16: {  	s3 =	sld [smem:$0x3FDB];
	s0 =	simm.s32 @p2 $0x1  }
0x17: {  	s4 =	simm.s32 $0x1BF5;
	[smem:$0x3FB3] =	sst s0  }
0x18: {  	s0 =	sld [smem:$0x3F96];
	_ =	swait.ge [sflag:s4], $0x0  }
0x19: {  	s7 =	sld [smem:$0x3F97]  }
0x1a: {  	s8 =	sadd.s32 $0xFFFFE003, lr  }
0x1b: {  	s9 =	sadd.s32 $0xFFFFFEF7, lr;
	s5 =	simm.s32 $0xFFFFFFFF;
	p2 =	slt.u32 s8, $0xFFFFF086  }
0x1c: {  	p1 =	slt.u32 s9, $0xF7A;
	s5 =	simm.s32 @!p2 $0x0  }
0x1d: {  	s5 =	simm.s32 @p1 $0x1;
	p0 =	seq.s32 s7, s2  }
0x1e: {  	s7 =	smul.u32 @!p0 $0xF7A, s2;
	p2 =	seq.s32 @!p0 s5, $0x0  }
0x1f: {  	s9 =	smul.u32 $0xF7A, s1;
	s8 =	simm.s32 @!p0 $0x1BF5;
	p2 =	por !p2, p0  }
0x20: {  	[sflag:s8] =	ssyncset.s32 @!p0 $0xFFFFF086;
	s6 =	sadd.s32 @!p0 s3, s7;
	s7 =	simm.s32 @!p0 $0x108  }
0x21: {  	s3 =	sadd.s32 s3, s9;
	s6 =	sadd.s32 @!p0 $0x88, s6;
	s7 =	simm.s32 @p2 $0x1082  }
0x22: {  	[simem:s7], [sflag:s8] =	dma.local @!p0 [hbm:s6], $0xF7A  }
0x23: {  	s9 =	sor.u32 $0xD0000000, s2;
	s6 =	simm.s32 $0x108;
	_ =	swait.ge @!p0 [sflag:s8], $0x0  }
0x24: {  	s3 =	sadd.s32 $0x88, s3;
	s6 =	simm.s32 @!p1 $0x1082;
	[sflag:s4] =	ssyncset.s32 $0xFFFFF086  }
0x25: {  	[simem:s6], [sflag:s4] =	dma.local [hbm:s3], $0xF7A  }
0x26: {  	[smem:$0x3F97] =	sst s1;
	(tag) =	ssettag s2;
	_ =	strace s9  }
0x27: {  	s1 =	sld [smem:$0x3FA7]  }
0x28: {  	s2 =	sld [smem:$0x3FA8]  }
0x29: {  	s4 =	sld [smem:$0x3FAA]  }
0x2a: {  	p0 =	seq.s32 s5, $0x0;
	s5 =	sld [smem:$0x3FAB]  }
0x2b: {  	s6 =	sld [smem:$0x3FAC]  }
0x2c: {  	s7 =	sld [smem:$0x3FAD]  }
0x2d: {  	s3 =	simm.s32 $0x108;
	s8 =	sld [smem:$0x3FAE]  }
0x2e: {  	s3 =	simm.s32 @!p0 $0x1082;
	s9 =	sld [smem:$0x3FAF]  }
0x2f: {  	lr =	sadd.s32 s0, s3;
	s0 =	sld [smem:$0x3FA6]  }
0x30: {  	s3 =	sld [smem:$0x3FA9]  }
0x31: {  	[smem:$0x3FB2] =	sst s10  }
0x32: {  	s10 =	sld [smem:$0x3FB0];
	_ =	sdelay $0x3  }
0x33: {  	p0 =	seq.s32 s10, $0x1;
	s10 =	sld [smem:$0x3FB2];
	_ =	sdelay $0x3  }
0x34: {  	[smem:$0x3FB2] =	sst s10  }
0x35: {  	s10 =	sld [smem:$0x3FB1];
	_ =	sdelay $0x3  }
0x36: {  	p1 =	seq.s32 s10, $0x1;
	s10 =	sld [smem:$0x3FB2];
	_ =	sdelay $0x3  }
0x37: {  	[smem:$0x3FB2] =	sst s10  }
0x38: {  	s10 =	sld [smem:$0x3FB3]  }
0x39: {  	_ = 	snop;
	(pc) =	sbr.ind lr, $3  }
0x3a: {  	_ = 	snop  }
0x3b: {  	_ = 	snop  }
0x3c: {  	p2 =	seq.s32 s10, $0x1;
	s10 =	sld [smem:$0x3FB2]  }
0x3d: {  	_ =	shalt  }
0x3e: {  	_ =	shalt  }
0x3f: {  	_ =	shalt  }
0x40: {  	_ =	shalt  }
0x41: {  	_ =	shalt  }
0x42: {  	_ =	shalt  }
0x43: {  	_ =	shalt  }
0x44: {  	_ =	shalt  }
0x45: {  	_ =	shalt  }
0x46: {  	_ =	shalt  }
0x47: {  	_ =	shalt  }
0x48: {  	_ =	shalt  }
0x49: {  	_ =	shalt  }
0x4a: {  	_ =	shalt  }
0x4b: {  	_ =	shalt  }
0x4c: {  	_ =	shalt  }
0x4d: {  	_ =	shalt  }
0x4e: {  	_ =	shalt  }
0x4f: {  	_ =	shalt  }
0x50: {  	_ =	shalt  }
0x51: {  	_ =	shalt  }
0x52: {  	_ =	shalt  }
0x53: {  	_ =	shalt  }
0x54: {  	_ =	shalt  }
0x55: {  	_ =	shalt  }
0x56: {  	_ =	shalt  }
0x57: {  	_ =	shalt  }
0x58: {  	_ =	shalt  }
0x59: {  	_ =	shalt  }
0x5a: {  	_ =	shalt  }
0x5b: {  	_ =	shalt  }
0x5c: {  	_ =	shalt  }
0x5d: {  	_ =	shalt  }
0x5e: {  	_ =	shalt  }
0x5f: {  	_ =	shalt  }
0x60: {  	_ =	shalt  }
0x61: {  	_ =	shalt  }
0x62: {  	_ =	shalt  }
0x63: {  	_ =	shalt  }
0x64: {  	_ =	shalt  }
0x65: {  	_ =	shalt  }
0x66: {  	_ =	shalt  }
0x67: {  	_ =	shalt  }
0x68: {  	_ =	shalt  }
0x69: {  	_ =	shalt  }
0x6a: {  	_ =	shalt  }
0x6b: {  	_ =	shalt  }
0x6c: {  	_ =	shalt  }
0x6d: {  	_ =	shalt  }
0x6e: {  	_ =	shalt  }
0x6f: {  	_ =	shalt  }
0x70: {  	_ =	shalt  }
0x71: {  	_ =	shalt  }
0x72: {  	_ =	shalt  }
0x73: {  	_ =	shalt  }
0x74: {  	_ =	shalt  }
0x75: {  	_ =	shalt  }
0x76: {  	_ =	shalt  }
0x77: {  	_ =	shalt  }
0x78: {  	_ =	shalt  }
0x79: {  	_ =	shalt  }
0x7a: {  	_ =	shalt  }
0x7b: {  	_ =	shalt  }
0x7c: {  	_ =	shalt  }
0x7d: {  	_ =	shalt  }
0x7e: {  	_ =	shalt  }
0x7f: {  	_ =	shalt  }
0x80: {  	_ =	shalt  }
0x81: {  	_ =	shalt  }
0x82: {  	_ =	shalt  }
0x83: {  	_ =	shalt  }
0x84: {  	_ =	shalt  }
0x85: {  	_ =	shalt  }
0x86: {  	_ =	shalt  }
0x87: {  	_ =	shalt  }
.Lfunc_end0:
.L_simem_size_0:
called_computation_lowered:
.L_overlay_start_0:
0x88: {  	s2 =	sld [smem:$0x3FD9]  }
0x89: {  	s3 =	sld [smem:$0x3FFE];
	_ =	sdelay $0x1  }
0x8a: {  	s1 =	srdreg.scid  }
0x8b: {  	s0 =	sand.u32 $0x1, s1  }
0x8c: {  	s14 =	sshll.u32 s0, $0xA;
	s2 =	sadd.s32 s3, s2  }
0x8d: {  	s2 =	sadd.s32 s2, s14  }
0x8e: {  	[smem:$0x3FBE] =	sst s2  }
0x8f: {  	_ = 	snop  }
0x90: {  	s2 =	sld [smem:$0x3FD0];
	_ =	sdelay $0x2  }
0x91: {  	s15 =	simm.s32 $0xA;
	s4 =	simm.s32 $0x10  }
0x92: {  	[smem:s4], [sflag:s15] =	dma.local [hbm:s2], $0x1  }
0x93: {  	_ =	swait.eq [sflag:s15], $0x1  }
0x94: {  	[sflag:s15] =	ssyncset.done $0x0  }
0x95: {  	s16 =	sld [smem:$0x10];
	[sflag:s15] =	ssyncadd.s32 $0xFFFFFFFF  }
0x96: {  	s17 =	sld [smem:$0x11];
	(tm) =	ssettm $0x1  }
0x97: {  	s18 =	sld [smem:$0x3FFB];
	_ =	sdelay $0x3  }
0x98: {  	_ =	strace s18  }
0x99: {  	s4 =	sld [smem:$0x3FFC];
	_ =	sdelay $0x3  }
0x9a: {  	_ =	strace s4  }
0x9b: {  	s4 =	sld [smem:$0x3FFD];
	_ =	sdelay $0x3  }
0x9c: {  	_ =	strace s4  }
0x9d: {  	_ =	strace $0x8FFFFFFF  }
0x9e: {  	s19 =	sld [smem:$0x3FDB];
	_ =	sdelay $0x1  }
0x9f: {  	s5 =	simm.s32 $_scs_section_size  }
0xa0: {  	s6 =	simm.s32 $_size__tile_overlayer_lowered;
	s7 =	simm.s32 $_tile_overlayer_lowered  }
0xa1: {  	s22 =	simm.s32 $0x1BFF;
	s21 =	sshll.u32 s7, $0x1;
	s4 =	sadd.s32 s5, s19  }
0xa2: {  	s8 =	simm.s32 $0x0;
	s20 =	sshll.u32 s6, $0x1;
	s6 =	sadd.s32 s21, s4  }
0xa3: {  	[timem:s8], [sflag:s22] =	dma.local [hbm:s6], s20  }
0xa4: {  	_ =	swait.ge [sflag:s22], s20  }
0xa5: {  	s5 =	ssub.s32 $0x0, s20;
	[sflag:s22] =	ssyncset.done $0x0  }
0xa6: {  	[sflag:s22] =	ssyncadd.s32 s5;
	_ =	sdelay $0x1  }
0xa7: {  	s23 =	simm.s32 $0x1B8B  }
0xa8: {  	_ =	swait.ge [sflag:s23], $0x1  }
0xa9: {  	[sflag:s23] =	ssyncset.done $0x0  }
0xaa: {  	s25 =	simm.s32 $0x1B8E;
	s24 =	sld [smem:$0x3FFE];
	[sflag:s23] =	ssyncadd.s32 $0xFFFFFFFF  }
0xab: {  	s26 =	simm.s32 $execute0_lowered;
	[smem:$0x3FD2] =	sst s25  }
0xac: {  	s6 =	sshll.u32 s26, $0x1;
	_ =	strace $0x80000046;
	[dreg:$0x1] =	wrdreg $0xFFFFFFFF  }
0xad: {  	s28 =	simm.s32 $_size_execute0_lowered;
	s4 =	sadd.s32 s4, s6;
	[dreg:$0x0] =	wrdreg $0x0  }
0xae: {  	s6 =	sshll.u32 s28, $0x1;
	[dreg:$0x2] =	wrdreg s4  }
0xaf: {  	[dreg:$0x3] =	wrdreg s6  }
0xb0: {  	[dreg:$0x4] =	wrdreg $0xC0  }
0xb1: {  	_ =	task [dreg:s8], $0x5FFFF  }
0xb2: {  	[dreg:$0x1] =	wrdreg $0xFFFFFFFF  }
0xb3: {  	[dreg:$0x0] =	wrdreg $0x60  }
0xb4: {  	[dreg:$0x2] =	wrdreg s16  }
0xb5: {  	[dreg:$0x3] =	wrdreg s24  }
0xb6: {  	[dreg:$0x4] =	wrdreg s17  }
0xb7: {  	[dreg:$0x5] =	wrdreg $0x9  }
0xb8: {  	_ =	task.clear_ibuf [dreg:s8], $0x6FFFF;
	_ =	strace $0x90000046  }
0xb9: {  	s29 =	simm.s32 $0x9;
	_ =	strace $0x8000004D  }
0xba: {  	_ =	swait.ge [sflag:s29], $0x1  }
0xbb: {  	[sflag:s29] =	ssyncadd.s32 $0xFFFFFFFF  }
0xbc: {  	_ =	strace $0x9000004D  }
0xbd: {  	_ =	sfence  }
0xbe: {  	s30 =	sld [smem:$0x0];
	_ =	sdelay $0x2  }
0xbf: {  	s31 =	sshll.u32 s1, $0xD;
	s1 =	sshrl.u32 s1, $0x2  }
0xc0: {  	s3 =	sand.u32 $0x4000, s31;
	s1 =	sadd.s32 s1, s30  }
0xc1: {  	s0 =	sor.u32 s3, s0;
	s1 =	sshll.u32 s1, $0x11  }
0xc2: {  	s0 =	sor.u32 s1, s0  }
0xc3: {  	s0 =	sadd.s32 $0x8F2B, s0  }
0xc4: {  	[sflag:s0] =	ssyncadd.remote.s32 $0x1  }
0xc5: {  	_ =	sfence.sel $0xFFFF  }
0xc6: {  	[dreg:$0x0] =	wrdreg $0xFFFFFFFF;
	(pc) =	sbr.abs _section_cstart, $3  }
0xc7: {  	[dreg:$0x1] =	wrdreg $0xFFFFFFFF  }
0xc8: {  	_ =	task.clear_ibuf [dreg:s8], $0x2FFFF;
	_ =	strace $0x9FFFFFFF  }
0xc9: {  	(tm) =	ssettm $0x7FFFFFFF  }
tec
execute0_lowered:
.L_overlay_start_1:
0x0: {  	(tag) =	ssettag $0x1  }
0x1: {  	v0 =	vimm.s32 $0x8040201  }
0x2: {  	v1 =	vimm.s32 $0x80402010;
	vm5 =	vcmask $0xF00;
	vm0 =	vcmask $0x1F10  }
0x3: {  	vm11 =	vcmask $0x2320;
	v2 =	vimm.s32 $0x804020;
	vm10 =	vcmask $0x2724  }
0x4: {  	vm9 =	vcmask $0x2B28;
	vm1 =	vcmask $0x1B10;
	vm2 =	vcmask $0x1310  }
0x5: {  	vm3 =	vcmask $0x1714;
	vm4 =	vcmask $0x1B18;
	vm8 =	vcmask $0x300  }
0x6: {  	vm15 =	vcmask $0x704;
	v7 =	vimm.s32 $0x400000;
	vm7 =	vcmask $0xB08  }
0x7: {  	v10 =	vimm.s32 $0x2000000;
	vm12 =	vcmask $0x3B2C;
	v13 =	vimm.s32 $0x2010804  }
0x8: {  	vm14 =	vcmask $0x3728;
	v14 =	vimm.s32 $0x4020108;
	v15 =	vimm.s32 $0x200  }
0x9: {  	v23 =	vimm.s32 $0x20108040;
	vm13 =	vcmask $0x2718;
	v52 =	vimm.s32 $0x40201080  }
0xa: {  	v26 =	vimm.s32 $0x800;
	v54 =	vimm.s32 $0x1000;
	v31 =	vimm.s32 $0x1F1E1D1C  }
0xb: {  	v34 =	vimm.s32 $0x4000;
	v36 =	vimm.s32 $0xE0D0C0B;
	vm6 =	vcmask $0x1304  }
0xc: {  	v48 =	vunpack.c.0.s8.s32 v0;
	v0 =	vunpack.c.0.s8.s32 v1;
	v7 =	vsel vm8, $0x80, v7  }
0xd: {  	v10 =	vsel vm8, $0x400, v10;
	v13 =	vunpack.c.0.s8.s32 v13;
	v42 =	vunpack.c.0.s8.s32 v14  }
0xe: {  	v14 =	vimm.s32 $0x10804020;
	v15 =	vsel vm8, $0x4000000, v15;
	v23 =	vunpack.c.0.s8.s32 v23  }
0xf: {  	v26 =	vsel vm8, $0x10000000, v26;
	v29 =	vsel vm8, $0x20000000, v54;
	v40 =	vunpack.c.0.s8.s32 v31  }
0x10: {  	v31 =	vimm.s32 $0x6543A987;
	v34 =	vsel vm8, $0x80000000, v34;
	v7 =	vsel vm15, $0x100, v7  }
0x11: {  	v10 =	vsel vm15, $0x800, v10;
	v14 =	vunpack.c.0.s8.s32 v14;
	v15 =	vsel vm15, $0x8000000, v15  }
0x12: {  	v26 =	vsel vm15, $0x20000000, v26;
	v1 =	vnsel vm5, $0x8000, v48;
	v30 =	vand.u32 $0xFF, v0  }
0x13: {  	v7 =	vsel vm7, $0x200, v7;
	v11 =	vsel vm7, $0x1000, v10;
	v27 =	vand.u32 $0xFF, v23  }
0x14: {  	v23 =	vunpack.c.0.s8.s32 v52;
	v26 =	vsel vm7, $0x40000000, v26;
	v0 =	vsel vm0, v30, v1  }
0x15: {  	v56 =	vsel vm6, v42, v34;
	v6 =	vsel vm11, $0x100, v0;
	v0 =	vunpack.c.0.s8.s32 v2  }
0x16: {  	v1 =	vimm.s32 $0x10080402;
	v14 =	vand.u32 $0xFF, v14;
	v2 =	vimm.s32 $0x20100804  }
0x17: {  	v1 =	vunpack.c.0.s8.s32 v1;
	v3 =	vand.u32 $0xFF, v0;
	v0 =	vunpack.c.0.s8.s32 v2  }
0x18: {  	v28 =	vand.u32 $0xFF, v23;
	v6 =	vsel vm10, $0x200, v6;
	v2 =	vimm.s32 $0x40201008  }
0x19: {  	v1 =	vnsel vm5, $0x10000, v1;
	v2 =	vunpack.c.0.s8.s32 v2;
	v0 =	vnsel vm5, $0x20000, v0  }
0x1a: {  	v1 =	vsel vm1, v3, v1;
	vm1 =	vcmask $0x1F1C;
	v0 =	vsel vm2, $0x40, v0  }
0x1b: {  	v1 =	vsel vm1, $0x100, v1;
	v2 =	vand.u32 $0xFF, v2;
	v4 =	vsel vm3, $0x80, v0  }
0x1c: {  	v0 =	vsel vm11, $0x200, v1;
	v2 =	vnsel vm5, $0x40000, v2;
	v1 =	vsel vm4, $0x100, v4  }
0x1d: {  	v2 =	vsel vm2, $0x80, v2;
	v4 =	vnsel vm5, $0x80000, v30;
	vm5 =	vcmask $0xB00  }
0x1e: {  	v0 =	vsel vm10, $0x400, v0;
	v1 =	vsel vm1, $0x200, v1;
	v2 =	vsel vm3, $0x100, v2  }
0x1f: {  	v4 =	vsel vm2, $0x100, v4;
	v3 =	vnsel vm5, $0x100000, v3;
	vm5 =	vcmask $0xF0C  }
0x20: {  	v0 =	vsel vm9, $0x800, v0;
	v1 =	vsel vm11, $0x400, v1;
	v2 =	vsel vm4, $0x200, v2  }
0x21: {  	v4 =	vsel vm3, $0x200, v4;
	v5 =	vsel vm5, $0x100, v3;
	v7 =	vsel vm5, $0x400, v7  }
0x22: {  	v4 =	vsel vm4, $0x400, v4;
	v2 =	vsel vm1, $0x400, v2;
	v7 =	vsel vm2, $0x800, v7  }
0x23: {  	v1 =	vsel vm10, $0x800, v1;
	v4 =	vsel vm1, $0x800, v4;
	v2 =	vsel vm11, $0x800, v2  }
0x24: {  	v3 =	vsel vm11, $0x1000, v4;
	v4 =	vsel vm2, $0x200, v5;
	v5 =	vimm.s32 $0x200000  }
0x25: {  	v7 =	vsel vm3, $0x1000, v7;
	v1 =	vsel vm9, $0x1000, v1;
	v5 =	vsel vm8, $0x40, v5  }
0x26: {  	v9 =	vsel vm4, $0x2000, v7;
	v4 =	vsel vm3, $0x400, v4;
	v5 =	vsel vm15, $0x80, v5  }
0x27: {  	v2 =	vsel vm10, $0x1000, v2;
	v4 =	vsel vm4, $0x800, v4;
	v5 =	vsel vm7, $0x100, v5  }
0x28: {  	v3 =	vsel vm10, $0x2000, v3;
	v4 =	vsel vm1, $0x1000, v4;
	v8 =	vsel vm5, $0x200, v5  }
0x29: {  	v2 =	vsel vm9, $0x2000, v2;
	v5 =	vsel vm11, $0x2000, v4;
	v4 =	vsel vm2, $0x400, v8  }
0x2a: {  	v3 =	vsel vm9, $0x4000, v3;
	v8 =	vimm.s32 $0x800000;
	v4 =	vsel vm3, $0x800, v4  }
0x2b: {  	v5 =	vsel vm10, $0x4000, v5;
	v8 =	vsel vm8, $0x100, v8;
	v4 =	vsel vm4, $0x1000, v4  }
0x2c: {  	v5 =	vsel vm9, $0x8000, v5;
	v8 =	vsel vm15, $0x200, v8;
	v4 =	vsel vm1, $0x2000, v4  }
0x2d: {  	v7 =	vsel vm11, $0x4000, v4;
	v4 =	vsel vm1, $0x4000, v9;
	v9 =	vsel vm7, $0x400, v8  }
0x2e: {  	v8 =	vsel vm11, $0x8000, v4;
	v4 =	vsel vm5, $0x800, v9;
	v9 =	vimm.s32 $0x1000000  }
0x2f: {  	v7 =	vsel vm10, $0x8000, v7;
	v4 =	vsel vm2, $0x1000, v4;
	v9 =	vsel vm8, $0x200, v9  }
0x30: {  	v8 =	vsel vm10, $0x10000, v8;
	v4 =	vsel vm3, $0x2000, v4;
	v9 =	vsel vm15, $0x400, v9  }
0x31: {  	v7 =	vsel vm9, $0x10000, v7;
	v4 =	vsel vm4, $0x4000, v4;
	v9 =	vsel vm7, $0x800, v9  }
0x32: {  	v8 =	vsel vm9, $0x20000, v8;
	v4 =	vsel vm1, $0x8000, v4;
	v9 =	vsel vm5, $0x1000, v9  }
0x33: {  	v10 =	vsel vm11, $0x10000, v4;
	v4 =	vsel vm2, $0x2000, v9;
	v9 =	vsel vm5, $0x2000, v11  }
0x34: {  	v11 =	vimm.s32 $0x4000000;
	v4 =	vsel vm3, $0x4000, v4;
	v9 =	vsel vm2, $0x4000, v9  }
0x35: {  	v11 =	vsel vm8, $0x800, v11;
	v4 =	vsel vm4, $0x8000, v4;
	v9 =	vsel vm3, $0x8000, v9  }
0x36: {  	v12 =	vsel vm15, $0x1000, v11;
	v4 =	vsel vm1, $0x10000, v4;
	v9 =	vsel vm4, $0x10000, v9  }
0x37: {  	v11 =	vsel vm11, $0x20000, v4;
	v4 =	vsel vm1, $0x20000, v9;
	v9 =	vsel vm7, $0x2000, v12  }
0x38: {  	v16 =	vsel vm11, $0x40000, v4;
	v4 =	vsel vm5, $0x4000, v9;
	v9 =	vimm.s32 $0x8000000  }
0x39: {  	v12 =	vimm.s32 $0x10000000;
	v4 =	vsel vm2, $0x8000, v4;
	v9 =	vsel vm8, $0x1000, v9  }
0x3a: {  	v12 =	vsel vm8, $0x2000, v12;
	v4 =	vsel vm3, $0x10000, v4;
	v9 =	vsel vm15, $0x2000, v9  }
0x3b: {  	v12 =	vsel vm15, $0x4000, v12;
	v4 =	vsel vm4, $0x20000, v4;
	v9 =	vsel vm7, $0x4000, v9  }
0x3c: {  	v12 =	vsel vm7, $0x8000, v12;
	v4 =	vsel vm1, $0x40000, v4;
	v9 =	vsel vm5, $0x8000, v9  }
0x3d: {  	v17 =	vsel vm11, $0x80000, v4;
	v4 =	vsel vm2, $0x10000, v9;
	v9 =	vsel vm5, $0x10000, v12  }
0x3e: {  	v12 =	vimm.s32 $0x20000000;
	v4 =	vsel vm3, $0x20000, v4;
	v9 =	vsel vm2, $0x20000, v9  }
0x3f: {  	v12 =	vsel vm8, $0x4000, v12;
	v4 =	vsel vm4, $0x40000, v4;
	v9 =	vsel vm3, $0x40000, v9  }
0x40: {  	v12 =	vsel vm15, $0x8000, v12;
	v4 =	vsel vm1, $0x80000, v4;
	v9 =	vsel vm4, $0x80000, v9  }
0x41: {  	v18 =	vsel vm11, $0x100000, v4;
	v4 =	vsel vm1, $0x100000, v9;
	v9 =	vsel vm7, $0x10000, v12  }
0x42: {  	v19 =	vsel vm11, $0x200000, v4;
	v4 =	vsel vm5, $0x20000, v9;
	v9 =	vimm.s32 $0x40000000  }
0x43: {  	v12 =	vimm.s32 $0x80000000;
	v4 =	vsel vm2, $0x40000, v4;
	v9 =	vsel vm8, $0x8000, v9  }
0x44: {  	v12 =	vsel vm8, $0x10000, v12;
	v4 =	vsel vm3, $0x80000, v4;
	v9 =	vsel vm15, $0x10000, v9  }
0x45: {  	v12 =	vsel vm15, $0x20000, v12;
	v4 =	vsel vm4, $0x100000, v4;
	v9 =	vsel vm7, $0x20000, v9  }
0x46: {  	v12 =	vsel vm7, $0x40000, v12;
	v4 =	vsel vm1, $0x200000, v4;
	v9 =	vsel vm5, $0x40000, v9  }
0x47: {  	v20 =	vsel vm11, $0x400000, v4;
	v4 =	vsel vm2, $0x80000, v9;
	v9 =	vsel vm5, $0x80000, v12  }
0x48: {  	v12 =	vimm.s32 $0x1;
	v4 =	vsel vm3, $0x100000, v4;
	v9 =	vsel vm2, $0x100000, v9  }
0x49: {  	v12 =	vsel vm8, $0x20000, v12;
	v4 =	vsel vm4, $0x200000, v4;
	v9 =	vsel vm3, $0x200000, v9  }
0x4a: {  	v12 =	vsel vm15, $0x40000, v12;
	v4 =	vsel vm1, $0x400000, v4;
	v9 =	vsel vm4, $0x400000, v9  }
0x4b: {  	v21 =	vsel vm11, $0x800000, v4;
	v4 =	vsel vm1, $0x800000, v9;
	v9 =	vsel vm7, $0x80000, v12  }
0x4c: {  	v22 =	vsel vm11, $0x1000000, v4;
	v4 =	vsel vm5, $0x100000, v9;
	v9 =	vimm.s32 $0x2  }
0x4d: {  	v12 =	vimm.s32 $0x10;
	v4 =	vsel vm2, $0x200000, v4;
	v9 =	vsel vm8, $0x40000, v9  }
0x4e: {  	v12 =	vsel vm8, $0x200000, v12;
	v4 =	vsel vm3, $0x400000, v4;
	v9 =	vsel vm15, $0x80000, v9  }
0x4f: {  	v12 =	vsel vm15, $0x400000, v12;
	v4 =	vsel vm4, $0x800000, v4;
	v9 =	vsel vm7, $0x100000, v9  }
0x50: {  	v12 =	vsel vm7, $0x800000, v12;
	v4 =	vsel vm1, $0x1000000, v4;
	v9 =	vsel vm5, $0x200000, v9  }
0x51: {  	v24 =	vsel vm11, $0x2000000, v4;
	v4 =	vsel vm2, $0x400000, v9;
	v9 =	vsel vm5, $0x1000000, v12  }
0x52: {  	v10 =	vsel vm10, $0x20000, v10;
	v4 =	vsel vm3, $0x800000, v4;
	v9 =	vsel vm2, $0x2000000, v9  }
0x53: {  	v12 =	vimm.s32 $0x20;
	v4 =	vsel vm4, $0x1000000, v4;
	v9 =	vsel vm3, $0x4000000, v9  }
0x54: {  	v12 =	vsel vm8, $0x400000, v12;
	v4 =	vsel vm1, $0x2000000, v4;
	v9 =	vsel vm4, $0x8000000, v9  }
0x55: {  	v12 =	vsel vm15, $0x800000, v12;
	v25 =	vsel vm11, $0x4000000, v4;
	v4 =	vsel vm1, $0x10000000, v9  }
0x56: {  	v9 =	vsel vm7, $0x1000000, v12;
	v12 =	vimm.s32 $0x1080402;
	v4 =	vsel vm11, $0x20000000, v4  }
0x57: {  	v9 =	vsel vm5, $0x2000000, v9;
	v12 =	vunpack.c.0.s8.s32 v12;
	v4 =	vsel vm10, $0x40000000, v4  }
0x58: {  	v10 =	vsel vm9, $0x40000, v10;
	v9 =	vsel vm2, $0x4000000, v9;
	v4 =	vsel vm9, $0x80000000, v4  }
0x59: {  	v11 =	vsel vm10, $0x40000, v11;
	v9 =	vsel vm3, $0x8000000, v9;
	v4 =	vsel vm12, v12, v4  }
0x5a: {  	v16 =	vsel vm10, $0x80000, v16;
	[tilespmem:$0x1FB80] =	vst v4;
	v4 =	vsel vm4, $0x10000000, v9;
	v9 =	vimm.s32 $0x100  }
0x5b: {  	v11 =	vsel vm9, $0x80000, v11;
	v17 =	vsel vm10, $0x100000, v17;
	v9 =	vsel vm8, $0x2000000, v9  }
0x5c: {  	v16 =	vsel vm9, $0x100000, v16;
	v17 =	vsel vm9, $0x200000, v17;
	v9 =	vsel vm15, $0x4000000, v9  }
0x5d: {  	v18 =	vsel vm10, $0x200000, v18;
	v19 =	vsel vm10, $0x400000, v19;
	v9 =	vsel vm7, $0x8000000, v9  }
0x5e: {  	v18 =	vsel vm9, $0x400000, v18;
	v20 =	vsel vm10, $0x800000, v20;
	v9 =	vsel vm5, $0x10000000, v9  }
0x5f: {  	v19 =	vsel vm9, $0x800000, v19;
	v20 =	vsel vm9, $0x1000000, v20;
	v9 =	vsel vm2, $0x20000000, v9  }
0x60: {  	v21 =	vsel vm10, $0x1000000, v21;
	v4 =	vsel vm1, $0x20000000, v4;
	v9 =	vsel vm3, $0x40000000, v9  }
0x61: {  	v4 =	vsel vm11, $0x40000000, v4;
	vm11 =	vcmask $0x2B1C;
	v9 =	vsel vm4, $0x80000000, v9  }
0x62: {  	v22 =	vsel vm10, $0x2000000, v22;
	v21 =	vsel vm9, $0x2000000, v21;
	v9 =	vsel vm11, v12, v9  }
0x63: {  	v53 =	vsel vm12, v14, v9;
	v9 =	vsel vm7, $0x10000000, v15;
	v15 =	vimm.s32 $0x400  }
0x64: {  	v22 =	vsel vm9, $0x4000000, v22;
	v24 =	vsel vm10, $0x4000000, v24;
	v15 =	vsel vm8, $0x8000000, v15  }
0x65: {  	v25 =	vsel vm10, $0x8000000, v25;
	v9 =	vsel vm5, $0x20000000, v9;
	v15 =	vsel vm15, $0x10000000, v15  }
0x66: {  	v4 =	vsel vm10, $0x80000000, v4;
	v9 =	vsel vm2, $0x40000000, v9;
	v15 =	vsel vm7, $0x20000000, v15  }
0x67: {  	v4 =	vsel vm14, v13, v4;
	v9 =	vsel vm3, $0x80000000, v9;
	v15 =	vsel vm5, $0x40000000, v15  }
0x68: {  	vm12 =	vcmask $0x2314;
	v9 =	vsel vm13, v13, v9;
	v15 =	vsel vm2, $0x80000000, v15  }
0x69: {  	v9 =	vsel vm14, v27, v9;
	vm14 =	vcmask $0x3324;
	v15 =	vsel vm12, v42, v15  }
0x6a: {  	v24 =	vsel vm9, $0x8000000, v24;
	v25 =	vsel vm9, $0x10000000, v25;
	v23 =	vsel vm14, v28, v15  }
0x6b: {  	v15 =	vsel vm5, $0x80000000, v26;
	vm14 =	vcmask $0x2F20;
	v28 =	vsel vm12, v28, v56  }
0x6c: {  	v15 =	vsel vm0, v48, v15;
	v28 =	vsel vm10, $0x100, v28;
	vm10 =	vcmask $0x3330  }
0x6d: {  	v55 =	vsel vm14, v30, v15;
	v15 =	vsel vm15, $0x40000000, v29;
	vm14 =	vcmask $0x1B0C  }
0x6e: {  	[tilespmem:$0x1FB90] =	vst v30;
	v29 =	vimm.s32 $0x2000;
	v30 =	vsel vm9, $0x400, v6;
	v15 =	vsel vm7, $0x80000000, v15  }
0x6f: {  	v28 =	vsel vm9, $0x200, v28;
	v6 =	vsel vm8, $0x40000000, v29;
	v12 =	vsel vm14, v12, v15  }
0x70: {  	v6 =	vsel vm15, $0x80000000, v6;
	v15 =	vimm.s32 $0x201001F;
	v29 =	vsel vm11, v14, v12  }
0x71: {  	vm11 =	vcmask $0x1708;
	v14 =	vimm.s32 $0x32107654;
	v39 =	vunpack.c.0.s8.s32 v15  }
0x72: {  	v15 =	vimm.s32 $0x54329876;
	v12 =	vsel vm11, v13, v6;
	vm11 =	vcmask $0x2F2C  }
0x73: {  	v6 =	vimm.s32 $0x1F1E1D;
	v13 =	vimm.s32 $0x1001F1E;
	v14 =	vunpack.c.l.s4.s8 v14  }
0x74: {  	v15 =	vunpack.c.l.s4.s8 v15;
	v6 =	vunpack.c.0.s8.s32 v6;
	v38 =	vunpack.c.0.s8.s32 v13  }
0x75: {  	v27 =	vsel vm13, v27, v12;
	v12 =	vunpack.c.l.s4.s8 v31;
	vm13 =	vcmask $0x2F10  }
0x76: {  	v31 =	vimm.s32 $0xB0A0908;
	v30 =	vsel vm11, $0x800, v30;
	v0 =	vsel vm11, $0x1000, v0  }
0x77: {  	v1 =	vsel vm11, $0x2000, v1;
	v2 =	vsel vm11, $0x4000, v2;
	v3 =	vsel vm11, $0x8000, v3  }
0x78: {  	v5 =	vsel vm11, $0x10000, v5;
	v7 =	vsel vm11, $0x20000, v7;
	v8 =	vsel vm11, $0x40000, v8  }
0x79: {  	v10 =	vsel vm11, $0x80000, v10;
	v11 =	vsel vm11, $0x100000, v11;
	v16 =	vsel vm11, $0x200000, v16  }
0x7a: {  	v17 =	vsel vm11, $0x400000, v17;
	v18 =	vsel vm11, $0x800000, v18;
	v19 =	vsel vm11, $0x1000000, v19  }
0x7b: {  	v20 =	vsel vm11, $0x2000000, v20;
	v21 =	vsel vm11, $0x4000000, v21;
	v22 =	vsel vm11, $0x8000000, v22  }
0x7c: {  	v24 =	vsel vm11, $0x10000000, v24;
	v25 =	vsel vm11, $0x20000000, v25;
	v29 =	vsel vm11, $0x100, v29  }
0x7d: {  	v28 =	vsel vm11, $0x400, v28;
	v13 =	vunpack.c.0.s8.s32 v14;
	v14 =	vimm.s32 $0x43218765  }
0x7e: {  	v15 =	vunpack.c.0.s8.s32 v15;
	v31 =	vunpack.c.0.s8.s32 v31;
	v27 =	vsel vm9, $0x100, v27  }
0x7f: {  	v0 =	vsel vm10, $0x2000, v0;
	v1 =	vsel vm10, $0x4000, v1;
	v2 =	vsel vm10, $0x8000, v2  }
0x80: {  	v3 =	vsel vm10, $0x10000, v3;
	v5 =	vsel vm10, $0x20000, v5;
	v7 =	vsel vm10, $0x40000, v7  }
0x81: {  	v8 =	vsel vm10, $0x80000, v8;
	v10 =	vsel vm10, $0x100000, v10;
	v16 =	vsel vm10, $0x400000, v16  }
0x82: {  	v17 =	vsel vm10, $0x800000, v17;
	v18 =	vsel vm10, $0x1000000, v18;
	v19 =	vsel vm10, $0x2000000, v19  }
0x83: {  	v20 =	vsel vm10, $0x4000000, v20;
	v21 =	vsel vm10, $0x8000000, v21;
	v22 =	vsel vm10, $0x10000000, v22  }
0x84: {  	vm9 =	vcmask $0x3B38;
	v14 =	vunpack.c.l.s4.s8 v14;
	v12 =	vunpack.c.0.s8.s32 v12  }
0x85: {  	v27 =	vsel vm11, $0x200, v27;
	vm11 =	vcmask $0x3734;
	v13 =	vand.u32 $0xF, v13  }
0x86: {  	v15 =	vand.u32 $0xF, v15;
	v0 =	vsel vm11, $0x4000, v0;
	v1 =	vsel vm11, $0x8000, v1  }
0x87: {  	v2 =	vsel vm11, $0x10000, v2;
	v3 =	vsel vm11, $0x20000, v3;
	v5 =	vsel vm11, $0x40000, v5  }
0x88: {  	v7 =	vsel vm11, $0x80000, v7;
	v8 =	vsel vm11, $0x100000, v8;
	v14 =	vunpack.c.0.s8.s32 v14  }
0x89: {  	v10 =	vsel vm11, $0x200000, v10;
	v16 =	vsel vm11, $0x800000, v16;
	v13 =	vsel vm13, v13, v40  }
0x8a: {  	v15 =	vsel vm13, v15, v38;
	v12 =	vand.u32 $0xF, v12;
	v14 =	vand.u32 $0xF, v14  }
0x8b: {  	v32 =	vsel vm13, v12, v39;
	v14 =	vsel vm13, v14, v6;
	vm13 =	vcmask $0x3F30  }
0x8c: {  	v17 =	vsel vm11, $0x1000000, v17;
	v41 =	vsel vm13, v31, v13;
	v31 =	vunpack.c.0.s8.s32 v36  }
0x8d: {  	v18 =	vsel vm11, $0x2000000, v18;
	v19 =	vsel vm11, $0x4000000, v19;
	v20 =	vsel vm11, $0x8000000, v20  }
0x8e: {  	v13 =	vsel vm13, v31, v32;
	v31 =	vsel vm9, $0x8000, v0;
	v0 =	vsel vm9, $0x40000, v3  }
0x8f: {  	v21 =	vsel vm11, $0x10000000, v21;
	v60 =	vsel vm9, $0x10000, v1;
	[tilespmem:$0x1FBA0] =	vst v0;
	v0 =	vsel vm9, $0x200000, v8  }
0x90: {  	v61 =	vsel vm9, $0x20000, v2;
	v1 =	vimm.s32 $0x18171615;
	[tilespmem:$0x1FBB0] =	vst v0;
	v0 =	vsel vm9, $0x400000, v10  }
0x91: {  	v2 =	vunpack.c.0.s8.s32 v1;
	v3 =	vsel vm9, $0x10000000, v20;
	[tilespmem:$0x1FBC0] =	vst v0;
	v0 =	vimm.s32 $0x14131211  }
0x92: {  	v1 =	vimm.s32 $0x1C1B1A19;
	[tilespmem:$0x1FBD0] =	vst v3;
	v3 =	vsel vm9, $0x20000000, v21;
	v0 =	vunpack.c.0.s8.s32 v0  }
0x93: {  	v22 =	vsel vm11, $0x20000000, v22;
	v62 =	vsel vm9, $0x80000, v5;
	[tilespmem:$0x1FBE0] =	vst v3;
	v3 =	vunpack.c.0.s8.s32 v1  }
0x94: {  	[tilespmem:$0x1FBF0] =	vst v2;
	v1 =	vimm.s32 $0x15141312;
	v0 =	vsel vm0, v2, v0;
	v2 =	vimm.s32 $0x19181716  }
0x95: {  	v52 =	vsel vm9, $0x100000, v7;
	v1 =	vunpack.c.0.s8.s32 v1;
	v2 =	vunpack.c.0.s8.s32 v2  }
0x96: {  	v5 =	vimm.s32 $0x1A191817;
	v7 =	vimm.s32 $0x1B1A1918;
	[tilespmem:$0x1FC00] =	vst v3;
	v3 =	vsel vm0, v6, v3  }
0x97: {  	v5 =	vunpack.c.0.s8.s32 v5;
	v37 =	vcombine.low v0, v3;
	v0 =	vsel vm0, v2, v1  }
0x98: {  	v8 =	vsel vm9, $0x1000000, v16;
	v1 =	vimm.s32 $0x80000;
	[tilespmem:$0x1FC20] =	vst v0;
	v0 =	vimm.s32 $0x1D1C1B1A  }
0x99: {  	v16 =	vsel vm9, $0x2000000, v17;
	v1 =	vsel vm15, $0x100000, v1;
	v0 =	vunpack.c.0.s8.s32 v0  }
0x9a: {  	v17 =	vsel vm9, $0x4000000, v18;
	[tilespmem:$0x1FC10] =	vst v2;
	v2 =	vimm.s32 $0x16151413;
	v1 =	vsel vm7, $0x200000, v1  }
0x9b: {  	v2 =	vunpack.c.0.s8.s32 v2;
	[tilespmem:$0x1FC30] =	vst v0;
	v0 =	vsel vm5, $0x400000, v1;
	v1 =	vimm.s32 $0x1E1D1C1B  }
0x9c: {  	v18 =	vsel vm9, $0x8000000, v19;
	v0 =	vsel vm2, $0x800000, v0;
	v1 =	vunpack.c.0.s8.s32 v1  }
0x9d: {  	[tilespmem:$0x1FC40] =	vst v5;
	v19 =	vsel vm9, $0x40000000, v22;
	v22 =	vsel vm0, v5, v2;
	v0 =	vsel vm3, $0x1000000, v0  }
0x9e: {  	v5 =	vimm.s32 $0x100000;
	[tilespmem:$0x1FC50] =	vst v1;
	v1 =	vimm.s32 $0x4020100;
	v0 =	vsel vm4, $0x2000000, v0  }
0x9f: {  	v5 =	vsel vm15, $0x200000, v5;
	v1 =	vunpack.c.0.s8.s32 v1;
	v0 =	vsel vm1, $0x4000000, v0  }
0xa0: {  	v7 =	vunpack.c.0.s8.s32 v7;
	v5 =	vsel vm7, $0x400000, v5;
	[tilespmem:$0x1FC70] =	vst v0  }
0xa1: {  	v2 =	vimm.s32 $0x17161514;
	v0 =	vsel vm5, $0x800000, v5;
	[tilespmem:$0x1FC60] =	vst v1;
	v1 =	vimm.s32 $0x3020100  }
0xa2: {  	v2 =	vunpack.c.0.s8.s32 v2;
	v0 =	vsel vm2, $0x1000000, v0;
	v1 =	vunpack.c.0.s8.s32 v1  }
0xa3: {  	v0 =	vsel vm3, $0x2000000, v0  }
0xa4: {  	v2 =	vsel vm0, v7, v2;
	v0 =	vsel vm4, $0x4000000, v0;
	v1 =	vsel vm0, v1, v40  }
0xa5: {  	v59 =	vcombine.low v2, v1;
	v1 =	vimm.s32 $0x4030201;
	v2 =	vimm.s32 $0x5040302  }
0xa6: {  	v5 =	vsel vm1, $0x8000000, v0;
	v1 =	vunpack.c.0.s8.s32 v1;
	v0 =	vunpack.c.0.s8.s32 v2  }
0xa7: {  	[tilespmem:$0x1FC80] =	vst v40  }
0xa8: {  	[tilespmem:$0x1FCC0] =	vst v39;
	v6 =	vsel vm0, v1, v6;
	v1 =	vimm.s32 $0x6050403;
	v0 =	vsel vm0, v0, v38  }
0xa9: {  	s6 =	rddreg [dreg:$0x0];
	[tilespmem:$0x1FCB0] =	vst v0;
	v0 =	vunpack.c.0.s8.s32 v1  }
0xaa: {  	s5 =	rddreg [dreg:$0x1];
	[tilespmem:$0x1FCA0] =	vst v38  }
0xab: {  	s8 =	rddreg [dreg:$0x2];
	s2 =	simm.s32 $0x0;
	[tilespmem:$0x1FC90] =	vst v7;
	v0 =	vsel vm0, v0, v39  }
0xac: {  	s1 =	srdreg.scid;
	[smem:$0x7FF] =	sst s2;
	[tilespmem:$0x1FCD0] =	vst v0  }
0xad: {  	s4 =	sand.u32 $0x1, s1;
	s1 =	rddreg [dreg:$0x3];
	_ =	strace $0x80000047;
	[tilespmem:$0x1FCF0] =	vst v42  }
0xae: {  	[tilespmem:$0x1FD00] =	vst v13  }
0xaf: {  	[tilespmem:$0x1FD10] =	vst v52  }
0xb0: {  	[tilespmem:$0x1FD20] =	vst v8  }
0xb1: {  	[tilespmem:$0x1FD30] =	vst v16  }
0xb2: {  	v24 =	vsel vm10, $0x20000000, v24;
	[tilespmem:$0x1FD40] =	vst v17  }
0xb3: {  	v25 =	vsel vm10, $0x40000000, v25;
	v24 =	vsel vm11, $0x40000000, v24;
	[tilespmem:$0x1FD50] =	vst v18  }
0xb4: {  	v25 =	vsel vm11, $0x80000000, v25;
	v20 =	vsel vm9, $0x80000000, v24;
	[tilespmem:$0x1FD60] =	vst v19  }
0xb5: {  	v21 =	vsel vm9, $0x1, v25;
	[tilespmem:$0x1FD70] =	vst v20  }
0xb6: {  	[tilespmem:$0x1FD80] =	vst v21  }
0xb7: {  	v24 =	vsel vm9, $0x10, v4;
	[tilespmem:$0x1FD90] =	vst v22  }
0xb8: {  	v26 =	vsel vm10, $0x100, v55;
	v23 =	vsel vm11, $0x100, v23;
	v25 =	vsel vm9, $0x100, v9;
	[tilespmem:$0x1FDA0] =	vst v24  }
0xb9: {  	v29 =	vsel vm10, $0x200, v29;
	v26 =	vsel vm11, $0x200, v26;
	v23 =	vsel vm9, $0x200, v23;
	[tilespmem:$0x1FDB0] =	vst v25  }
0xba: {  	v27 =	vsel vm10, $0x400, v27;
	v29 =	vsel vm11, $0x400, v29;
	v26 =	vsel vm9, $0x400, v26;
	[tilespmem:$0x1FDC0] =	vst v23  }
0xbb: {  	v28 =	vsel vm10, $0x800, v28;
	v27 =	vsel vm11, $0x800, v27;
	v55 =	vsel vm9, $0x800, v29;
	[tilespmem:$0x1FDD0] =	vst v26  }
0xbc: {  	v28 =	vsel vm11, $0x1000, v28;
	v12 =	vimm.s32 $0xC0B0A09;
	v27 =	vsel vm9, $0x1000, v27;
	[tilespmem:$0x1FDE0] =	vst v55  }
0xbd: {  	v28 =	vsel vm9, $0x2000, v28;
	v33 =	vunpack.c.0.s8.s32 v12;
	v12 =	vimm.s32 $0xD0C0B0A;
	[tilespmem:$0x1FDF0] =	vst v27  }
0xbe: {  	v35 =	vunpack.c.0.s8.s32 v12;
	[tilespmem:$0x1FE00] =	vst v28  }
0xbf: {  	[tilespmem:$0x1FE10] =	vst v5  }
0xc0: {  	v12 =	vsel vm13, v35, v15;
	[tilespmem:$0x1FE20] =	vst v6  }
0xc1: {  	v58 =	vlaneseq.u32;
	[tilespmem:$0x1FE70] =	vst v12  }
0xc2: {  	v36 =	vsel vm13, v33, v14;
	v33 =	vor.u32 $0x10, v58;
	[tilespmem:$0x1FE80] =	vst v48  }
0xc3: {  	[tilespmem:$0x1FE90] =	vst v33  }
0xc4: {  	[tilespmem:$0x1FEA0] =	vst v36  }
0xc5: {  	v11 =	vsel vm10, $0x200000, v11;
	[tilespmem:$0x1FEB0] =	vst v41  }
0xc6: {  	v11 =	vsel vm11, $0x400000, v11;
	v39 =	vadd.s32 $0x9, v58;
	[tilespmem:$0x1FEC0] =	vst v53  }
0xc7: {  	v56 =	vsel vm9, $0x800000, v11;
	[tilespmem:$0x1FED0] =	vst v39  }
0xc8: {  	v50 =	vadd.s32 $0xA, v58;
	[tilespmem:$0x1FEE0] =	vst v56  }
0xc9: {  	v11 =	vadd.s32 $0xB, v58;
	[tilespmem:$0x1FEF0] =	vst v50  }
0xca: {  	v7 =	vadd.s32 $0xC, v58;
	[tilespmem:$0x1FF10] =	vst v11  }
0xcb: {  	v63 =	vmul.u32 $0x80, v58;
	[tilespmem:$0x1FF20] =	vst v7  }
0xcc: {  	v30 =	vsel vm10, $0x1000, v30;
	[tilespmem:$0x1FF30] =	vst v37  }
0xcd: {  	v30 =	vsel vm11, $0x2000, v30;
	v9 =	vadd.s32 $0x2, v58;
	[tilespmem:$0x1FF40] =	vst v63  }
0xce: {  	v15 =	vsel vm9, $0x4000, v30;
	[tilespmem:$0x1FF50] =	vst v9  }
0xcf: {  	v10 =	vadd.s32 $0x3, v58;
	[tilespmem:$0x1FF60] =	vst v15  }
0xd0: {  	[tilespmem:$0x1FF70] =	vst v10  }
0xd1: {  	v2 =	vimm.s32 $0x87654321;
	v38 =	vadd.s32 $0x4, v58;
	[tilespmem:$0x1FF80] =	vst v31  }
0xd2: {  	v2 =	vunpack.c.l.s4.s8 v2;
	[tilespmem:$0x1FF90] =	vst v38  }
0xd3: {  	v44 =	vadd.s32 $0x5, v58;
	[tilespmem:$0x1FFA0] =	vst v60  }
0xd4: {  	v1 =	vimm.s32 $0x98765432;
	v2 =	vunpack.c.0.s8.s32 v2;
	[tilespmem:$0x1FFB0] =	vst v44  }
0xd5: {  	v45 =	vadd.s32 $0x6, v58;
	v4 =	vimm.s32 $0xA9876543;
	v1 =	vunpack.c.l.s4.s8 v1;
	[tilespmem:$0x1FFC0] =	vst v61  }
0xd6: {  	s0 =	stileid.u32;
	s13 =	simm.s32 $0x19600;
	s14 =	simm.s32 $0x1;
	v34 =	vadd.s32 $0x7, v58;
	v4 =	vunpack.c.l.s4.s8 v4;
	v2 =	vand.u32 $0xF, v2;
	[tilespmem:$0x1FFD0] =	vst v45  }
0xd7: {  	s15 =	simm.s32 $0x2;
	s16 =	simm.s32 $0x9400;
	s3 =	sshll.u32 s0, $0x1;
	v1 =	vunpack.c.0.s8.s32 v1;
	v14 =	vcombine.low v3, v2;
	[tilespmem:$0x1FFE0] =	vst v34  }
0xd8: {  	s17 =	simm.s32 $0x19680;
	s18 =	simm.s32 $0x0;
	s7 =	sor.u32 s4, s3;
	v0 =	vimm.s32 $0x76543210;
	v2 =	vimm.s32 $0x40201000;
	v3 =	vunpack.c.0.s8.s32 v4;
	[tilespmem:$0x1FFF0] =	vst v62  }
0xd9: {  	s3 =	sadd.s32 $0x1200, s5;
	s12 =	ssub.s32 $0x2, s4;
	s4 =	sadd.s32 $0x2200, s5;
	v4 =	vunpack.c.0.s8.s32 v2;
	v32 =	vand.u32 $0xF, v1;
	v1 =	vadd.s32 $0x1, v58;
	[tilespmem:$0x1FF00] =	vst v14  }
0xda: {  	s9 =	sshll.u32 s7, $0x6;
	s11 =	sshll.u32 s7, $0xD;
	s7 =	smul.u32 $0x280, s7;
	v0 =	vunpack.c.l.s4.s8 v0;
	[tilespmem:$0x1FCE0] =	vst v1  }
0xdb: {  	s31 =	sshrl.u32 s12, $0x1;
	s10 =	sadd.s32 s9, s5;
	s11 =	sadd.s32 s11, s5;
	[tilespmem:$0x1FE30] =	vst v4  }
0xdc: {  	v46 =	vadd.s32 $0x8, v58;
	s12 =	ssub.s32 s12, s31;
	s8 =	sadd.s32 s8, s9;
	s5 =	sadd.s32 $0xA00, s10;
	v57 =	vand.u32 $0xF, v3;
	v0 =	vunpack.c.0.s8.s32 v0;
	[tilespmem:$0x1FE50] =	vst v32  }
0xdd: {  	v43 =	vadd.s32 $0xE, v58;
	v54 =	vadd.s32 $0xF, v58;
	s6 =	sadd.s32 s6, s7;
	s7 =	sadd.s32 $0x2400, s11;
	s9 =	smax.u32 s12, $0x1;
	v30 =	vadd.s32 $0xD, v58;
	[tilespmem:$0x1FE60] =	vst v57  }
0xde: {  	s10 =	simm.s32 $0x1400;
	s11 =	simm.s32 $0x19400;
	s12 =	simm.s32 $0x3;
	vm9 =	vcmask $0x1F14;
	v2 =	vimm.f32 $0.0e+00;
	v3 =	vimm.s32 $0x0;
	[tilespmem:$0x1FE40] =	vst v0  }
.LBB2_1:
0xdf: {  	_ =	strace $0x80000048  }
0xe0: {  	[tilespmem:s10], [sflag:$0x1] =	stream.linear.gather [hbm4b:s3+s2], $0x8000, $0x200038;
	[tilespmem:$0x19A80] =	vst v63  }
0xe1: {  	_ = 	snop  }
0xe2: {  	[tilespmem:s11], [sflag:$0x2] =	stream.linear.gather [hbm4b:s5+s2], $0x200, $0x200038;
	[tilespmem:$0x19A80] =	vst v63  }
0xe3: {  	_ = 	snop  }
0xe4: {  	[tilespmem:s2], [sflag:$0x3] =	stream.linear.gather [hbm4b:s6+s2], $0x1400, $0x200038;
	[tilespmem:$0x19A80] =	vst v63  }
0xe5: {  	_ =	swait.ge [sflag:s12], $0x1400  }
0xe6: {  	[sflag:s12] =	ssyncset.done $0x0  }
0xe7: {  	[sflag:s12] =	ssyncadd.s32 $0xFFFFEC00  }
0xe8: {  	[tilespmem:s13], [sflag:$0x3] =	stream.linear.gather [hbm4b:s4+s2], $0x80, $0x200038;
	[tilespmem:$0x19A80] =	vst v63  }
0xe9: {  	_ =	swait.ge [sflag:s12], $0x80  }
0xea: {  	[sflag:s12] =	ssyncset.done $0x0  }
0xeb: {  	[sflag:s12] =	ssyncadd.s32 $0xFFFFFF80  }
0xec: {  	_ =	strace $0x90000048  }
0xed: {  	v0 =	vld [tilespmem:$0x19600]  }
0xee: {  	_ =	strace $0x80000049  }
0xef: {  	s19 =	sand.u32 $0x1F0, s2;
	v24 =	vld [tilespmem:s2+$0x0]  }
0xf0: {  	v25 =	vld [tilespmem:s19+$0x1200]  }
0xf1: {  	v26 =	vld [tilespmem:s19+$0x400]  }
0xf2: {  	v27 =	vld [tilespmem:s19+$0x200];
	v19 =	vbroadcast v0, $0x0  }
0xf3: {  	v28 =	vld [tilespmem:s19+$0xE00];
	v20 =	vbroadcast v0, $0x1;
	v21 =	vbroadcast v0, $0x2  }
0xf4: {  	v29 =	vld [tilespmem:s19+$0xC00];
	v22 =	vbroadcast v0, $0x3;
	v23 =	vbroadcast v0, $0x4  }
0xf5: {  	v17 =	vbroadcast v0, $0x5;
	v18 =	vbroadcast v0, $0x6  }
0xf6: {  	v5 =	vmov v31;
	v31 =	vld [tilespmem:s19+$0x600];
	v6 =	vbroadcast v0, $0x7;
	v16 =	vbroadcast v0, $0x8  }
0xf7: {  	vm6 =	vmmov vm15;
	v8 =	vbroadcast v0, $0x9;
	v0 =	vbroadcast v0, $0xA  }
0xf8: {  	vm13 =	veq.s32 v24, $0x1;
	vm10 =	veq.s32 v25, $0x1;
	vm14 =	veq.s32 v26, $0x1  }
0xf9: {  	vm15 =	veq.s32 v27, $0x1;
	vm11 =	veq.s32 v28, $0x1;
	vm12 =	veq.s32 v29, $0x1  }
0xfa: {  	v24 =	vld [tilespmem:s19+$0x800];
	v25 =	vsel vm13, $0x3F800000, v2;
	v27 =	vsel vm14, $0x3F800000, v2;
	v28 =	vsel vm15, $0x3F800000, v2  }
0xfb: {  	v53 =	vmovc v44;
	v44 =	vmovc v38;
	s31 =	simm.s32 $0x10;
	v32 =	vld [tilespmem:s19+$0x1000];
	v35 =	vsel vm14, $0x4, v3;
	vm14 =	veq.s32 v31, $0x1;
	v41 =	vsel vm11, $0x3F800000, v2  }
0xfc: {  	v38 =	vmovc v10;
	v10 =	vmovc v9;
	v29 =	vld [tilespmem:s19+$0xA00];
	s19 =	sand.u32 $0x1F0, s31;
	v42 =	vsel vm10, $0x3F800000, v2;
	v9 =	vsel vm11, $0x80, v3;
	v26 =	vmul.f32 v25, v19  }
0xfd: {  	v36 =	vld [tilespmem:s19+$0xE00];
	v47 =	vsel vm12, $0x40, v3;
	v25 =	vadd.f32 v28, v25;
	v28 =	vmul.f32 v28, v20  }
0xfe: {  	v40 =	vmovc v7;
	v7 =	vmovc v50;
	v55 =	vld [tilespmem:s19+$0xC00];
	v12 =	vsel vm14, $0x3F800000, v2;
	v50 =	vmul.f32 v42, v8;
	v26 =	vadd.f32 $0.0e+00, v26  }
0xff: {  	v51 =	vld [tilespmem:s19+$0x1000];
	v25 =	vadd.f32 v27, v25;
	v27 =	vmul.f32 v27, v21;
	vm8 =	veq.s32 v24, $0x1  }
0x100: {  	v24 =	vsel vm13, $0x1, v3;
	vm13 =	veq.s32 v32, $0x1;
	v32 =	vmul.f32 v12, v22  }
0x101: {  	v31 =	vsel vm8, $0x3F800000, v2;
	v26 =	vadd.f32 v28, v26;
	v25 =	vadd.f32 v12, v25  }
0x102: {  	v13 =	vld [tilespmem:s31+$0x0];
	v28 =	vsel vm12, $0x3F800000, v2;
	v37 =	vsel vm8, $0x10, v3;
	vm8 =	veq.s32 v29, $0x1  }
0x103: {  	v1 =	vsel vm13, $0x100, v3;
	v49 =	vsel vm13, $0x3F800000, v2;
	vm11 =	veq.s32 v36, $0x1  }
0x104: {  	v14 =	vld [tilespmem:s19+$0x400];
	vm12 =	veq.s32 v55, $0x1;
	vm13 =	veq.s32 v51, $0x1;
	v25 =	vadd.f32 v31, v25  }
0x105: {  	v58 =	vmovc v39;
	v39 =	vmovc v46;
	v12 =	vld [tilespmem:s19+$0x800];
	v29 =	vmul.f32 v31, v23;
	v46 =	vsel vm8, $0x20, v3;
	v31 =	vsel vm8, $0x3F800000, v2  }
0x106: {  	v26 =	vadd.f32 v27, v26;
	v27 =	vsel vm15, $0x2, v3;
	v25 =	vadd.f32 v31, v25  }
0x107: {  	v48 =	vmul.f32 v49, v16;
	vm8 =	veq.s32 v13, $0x1;
	v24 =	vor.u32 v24, v27  }
0x108: {  	v13 =	vld [tilespmem:s19+$0x200];
	v27 =	vsel vm14, $0x8, v3;
	v24 =	vor.u32 v35, v24;
	v25 =	vadd.f32 v28, v25  }
0x109: {  	vm14 =	veq.s32 v14, $0x1;
	v26 =	vadd.f32 v32, v26;
	v24 =	vor.u32 v27, v24;
	v27 =	vld [tilespmem:s19+$0x1200]  }
0x10a: {  	v55 =	vsel vm14, $0x4, v3;
	vm15 =	veq.s32 v12, $0x1;
	v25 =	vadd.f32 v41, v25  }
0x10b: {  	v29 =	vadd.f32 v29, v26;
	v32 =	vor.u32 v37, v24;
	v24 =	vsel vm10, $0x200, v3  }
0x10c: {  	v26 =	vsel vm8, $0x3F800000, v2;
	v32 =	vor.u32 v46, v32;
	v25 =	vadd.f32 v49, v25  }
0x10d: {  	v57 =	vmovc v34;
	v34 =	vmovc v45;
	v45 =	vor.u32 v47, v32;
	v32 =	vsel vm8, $0x1, v3;
	vm8 =	veq.s32 v13, $0x1  }
0x10e: {  	vm10 =	veq.s32 v27, $0x1;
	v27 =	vmul.f32 v31, v17;
	v25 =	vadd.f32 v42, v25  }
0x10f: {  	v14 =	vld [tilespmem:s19+$0x600];
	v28 =	vmul.f32 v28, v18;
	v36 =	vsel vm8, $0x3F800000, v2;
	v13 =	vsel vm8, $0x2, v3  }
0x110: {  	v46 =	vld [tilespmem:s19+$0xA00];
	v45 =	vor.u32 v9, v45;
	v27 =	vadd.f32 v27, v29;
	v25 =	vadd.f32 $9.999999970e-07, v25  }
0x111: {  	v12 =	vmul.f32 v36, v20;
	v32 =	vor.u32 v32, v13;
	v29 =	vmul.f32 v26, v19  }
0x112: {  	v27 =	vadd.f32 v28, v27;
	v28 =	vmul.f32 v41, v6;
	(erf) = vrcp.f32 v25  }
0x113: {  	v32 =	vor.u32 v55, v32;
	v42 =	vsel vm14, $0x3F800000, v2;
	v29 =	vadd.f32 $0.0e+00, v29  }
0x114: {  	vm14 =	veq.s32 v14, $0x1;
	v31 =	vadd.f32 v28, v27;
	v28 =	vadd.f32 v36, v26  }
0x115: {  	vm8 =	veq.s32 v46, $0x1;
	v37 =	vmul.f32 v42, v21;
	v29 =	vadd.f32 v12, v29  }
0x116: {  	v14 =	vsel vm14, $0x8, v3;
	v26 =	vsel vm14, $0x3F800000, v2;
	v28 =	vadd.f32 v42, v28  }
0x117: {  	v41 =	vsel vm15, $0x3F800000, v2;
	v52 =	vmul.f32 v26, v22;
	v29 =	vadd.f32 v37, v29  }
0x118: {  	v32 =	vor.u32 v14, v32;
	v31 =	vadd.f32 v48, v31;
	v28 =	vadd.f32 v26, v28  }
0x119: {  	v51 =	vmul.f32 v41, v23;
	v25 =	vsel vm12, $0x3F800000, v2;
	v35 =	vadd.f32 v52, v29  }
0x11a: {  	v27 =	vsel vm15, $0x10, v3;
	v31 =	vadd.f32 v50, v31;
	v41 =	vadd.f32 v41, v28  }
0x11b: {  	s25 =	simm.s32 $0x20;
	s23 =	simm.s32 $0x20;
	s20 =	simm.s32 $0x19890;
	v26 =	vsel vm8, $0x20, v3;
	v29 =	vsel vm8, $0x3F800000, v2;
	v28 =	vadd.f32 v51, v35;
	v55 =	vpop (erf)  }
0x11c: {  	v4 =	vmovc v15;
	s21 =	simm.s32 $0x19680;
	s22 =	simm.s32 $0x19680;
	s19 =	simm.s32 $0x19880;
	v35 =	vor.u32 v1, v45;
	v37 =	vadd.f32 v29, v41;
	v31 =	vmul.f32 v55, v31  }
.LBB2_2:
0x11d: {  	s24 =	smov.u32 s25  }
0x11e: {  	v41 =	vld [tilespmem:s23+$0x0];
	s26 =	sand.u32 $0x1F0, s25;
	v27 =	vor.u32 v27, v32;
	v24 =	vor.u32 v24, v35;
	v31 =	vadd.f32 v31, v0;
	s21 =	sadd.s32 $0x10, s21;
	s24 =	sadd.s32 $0x10, s25  }
0x11f: {  	p0 =	sne.s32 s25, $0x1F0;
	v35 =	vadd.f32 v25, v37;
	v37 =	vshll.u32 v24, $0x5;
	v32 =	vld [tilespmem:s26+$0x1200]  }
0x120: {  	v45 =	vsel vm11, $0x3F800000, v2;
	v46 =	vsel vm10, $0x3F800000, v2;
	v42 =	vld [tilespmem:s26+$0x400];
	[tilespmem:s22+$0x0] =	vst v31;
	s22 =	smov.u32 s21  }
0x121: {  	v47 =	vsel vm11, $0x80, v3;
	v24 =	vsel vm10, $0x200, v3;
	v35 =	vadd.f32 v45, v35;
	v31 =	vld [tilespmem:s26+$0xE00];
	[tilespmem:s19+$0x0] =	vst v37;
	s19 =	smov.u32 s20  }
0x122: {  	v48 =	vsel vm12, $0x40, v3;
	v49 =	vsel vm13, $0x100, v3;
	v50 =	vsel vm13, $0x3F800000, v2;
	v37 =	vld [tilespmem:s26+$0x1000]  }
0x123: {  	v51 =	vmul.f32 v46, v8;
	vm14 =	veq.s32 v41, $0x1;
	v35 =	vadd.f32 v50, v35;
	v41 =	vld [tilespmem:s26+$0xC00]  }
0x124: {  	v29 =	vmul.f32 v29, v17;
	v52 =	vld [tilespmem:s26+$0x800];
	vm10 =	veq.s32 v32, $0x1;
	v32 =	vmul.f32 v50, v16  }
0x125: {  	v25 =	vmul.f32 v25, v18;
	v50 =	vsel vm14, $0x3F800000, v2;
	v35 =	vadd.f32 v46, v35;
	v55 =	vld [tilespmem:s26+$0xA00]  }
0x126: {  	v28 =	vadd.f32 v29, v28;
	vm8 =	veq.s32 v42, $0x1;
	v42 =	vld [tilespmem:s26+$0x600];
	vm11 =	veq.s32 v31, $0x1  }
0x127: {  	v29 =	vmul.f32 v50, v19;
	v46 =	vsel vm8, $0x3F800000, v2;
	v35 =	vadd.f32 $9.999999970e-07, v35;
	v31 =	vld [tilespmem:s26+$0x200]  }
0x128: {  	v25 =	vadd.f32 v25, v28;
	v28 =	vmul.f32 v45, v6;
	vm12 =	veq.s32 v41, $0x1  }
0x129: {  	v29 =	vadd.f32 $0.0e+00, v29;
	vm13 =	veq.s32 v37, $0x1;
	(erf) = vrcp.f32 v35  }
0x12a: {  	v26 =	vor.u32 v26, v27;
	v28 =	vadd.f32 v28, v25;
	vm15 =	veq.s32 v52, $0x1  }
0x12b: {  	v37 =	vor.u32 v48, v26;
	v25 =	vsel vm12, $0x3F800000, v2;
	v35 =	vsel vm15, $0x3F800000, v2  }
0x12c: {  	v26 =	vsel vm14, $0x1, v3;
	vm14 =	veq.s32 v31, $0x1;
	v31 =	vmul.f32 v46, v21  }
0x12d: {  	v45 =	vsel vm8, $0x4, v3;
	v27 =	vsel vm15, $0x10, v3;
	v41 =	vsel vm14, $0x3F800000, v2  }
0x12e: {  	vm8 =	veq.s32 v42, $0x1;
	v48 =	vmul.f32 v41, v20;
	v41 =	vadd.f32 v41, v50  }
0x12f: {  	v52 =	vsel vm8, $0x3F800000, v2;
	v42 =	vsel vm14, $0x2, v3;
	v50 =	vsel vm8, $0x8, v3  }
0x130: {  	v29 =	vadd.f32 v48, v29;
	v1 =	vadd.f32 v46, v41;
	v46 =	vmul.f32 v35, v23  }
0x131: {  	v28 =	vadd.f32 v32, v28;
	v26 =	vor.u32 v26, v42;
	v42 =	vmul.f32 v52, v22  }
.Ltmp0:
0x132: {  	vm8 =	veq.s32 v55, $0x1;
	v29 =	vadd.f32 v31, v29;
	v31 =	vadd.f32 v52, v1;
	v41 =	vpop (erf);
	(pc) =	sbr.rel @p0 .LBB2_2-.Ltmp0, $4  }
0x133: {  	v28 =	vadd.f32 v51, v28;
	v32 =	vor.u32 v45, v26;
	v26 =	vsel vm8, $0x20, v3  }
0x134: {  	v42 =	vadd.f32 v42, v29;
	v35 =	vadd.f32 v35, v31;
	v29 =	vsel vm8, $0x3F800000, v2  }
0x135: {  	v45 =	vor.u32 v47, v37;
	v32 =	vor.u32 v50, v32;
	v31 =	vmul.f32 v41, v28  }
0x136: {  	s23 =	sadd.s32 $0x10, s23;
	s25 =	smov.u32 s24;
	s20 =	sadd.s32 $0x10, s20;
	v28 =	vadd.f32 v46, v42;
	v37 =	vadd.f32 v29, v35;
	v35 =	vor.u32 v49, v45  }
0x137: {  	_ = 	snop  }
0x138: {  	v19 =	vadd.f32 v25, v37  }
0x139: {  	v20 =	vsel vm11, $0x3F800000, v2  }
0x13a: {  	v19 =	vadd.f32 v20, v19  }
0x13b: {  	v21 =	vsel vm13, $0x3F800000, v2  }
0x13c: {  	v19 =	vadd.f32 v21, v19  }
0x13d: {  	v22 =	vsel vm10, $0x3F800000, v2  }
0x13e: {  	v19 =	vadd.f32 v22, v19;
	_ =	sdelay $0x1  }
0x13f: {  	v17 =	vmul.f32 v29, v17;
	v19 =	vadd.f32 $9.999999970e-07, v19;
	_ =	sdelay $0x1  }
0x140: {  	v18 =	vmul.f32 v25, v18;
	v17 =	vadd.f32 v17, v28;
	(erf) = vrcp.f32 v19;
	_ =	sdelay $0x1  }
0x141: {  	v6 =	vmul.f32 v20, v6;
	v17 =	vadd.f32 v18, v17;
	_ =	sdelay $0x1  }
0x142: {  	v16 =	vmul.f32 v21, v16;
	v6 =	vadd.f32 v6, v17;
	_ =	sdelay $0x1  }
0x143: {  	v8 =	vmul.f32 v22, v8;
	v6 =	vadd.f32 v16, v6;
	_ =	sdelay $0x1  }
0x144: {  	v20 =	vsel vm11, $0x80, v3;
	v16 =	vor.u32 v27, v32;
	v6 =	vadd.f32 v8, v6  }
0x145: {  	v18 =	vsel vm12, $0x40, v3;
	v17 =	vor.u32 v24, v35;
	v16 =	vor.u32 v26, v16;
	v19 =	vpop (erf)  }
0x146: {  	v8 =	vadd.f32 v31, v0;
	v16 =	vor.u32 v18, v16;
	v6 =	vmul.f32 v19, v6  }
0x147: {  	v17 =	vshll.u32 v17, $0x5;
	v18 =	vsel vm13, $0x100, v3;
	v16 =	vor.u32 v20, v16  }
0x148: {  	[tilespmem:s22+$0x0] =	vst v8;
	v8 =	vsel vm10, $0x200, v3;
	v16 =	vor.u32 v18, v16;
	v0 =	vadd.f32 v6, v0  }
0x149: {  	s21 =	sadd.s32 $0x10, s21;
	[tilespmem:s19+$0x0] =	vst v17;
	v6 =	vor.u32 v8, v16  }
0x14a: {  	v6 =	vshll.u32 v6, $0x5;
	[tilespmem:s21+$0x0] =	vst v0  }
0x14b: {  	[tilespmem:s20+$0x0] =	vst v6  }
0x14c: {  	_ =	strace $0x90000049  }
0x14d: {  	_ =	strace $0x8000004A  }
0x14e: {  	_ =	swait.ge [sflag:s14], $0x8000  }
0x14f: {  	[sflag:s14] =	ssyncset.done $0x0  }
0x150: {  	[sflag:s14] =	ssyncadd.s32 $0xFFFF8000  }
0x151: {  	_ =	swait.ge [sflag:s15], $0x200  }
0x152: {  	[sflag:s15] =	ssyncset.done $0x0  }
0x153: {  	[sflag:s15] =	ssyncadd.s32 $0xFFFFFE00  }
0x154: {  	_ =	strace $0x9000004A  }
0x155: {  	s23 =	simm.s32 $0x19880;
	_ =	strace $0x8000004B  }
0x156: {  	v6 =	vld [tilespmem:s23+$0x0];
	_ =	sdelay $0x3  }
0x157: {  	v37 =	vlaneseq.u32  }
0x158: {  	v0 =	vadd.s32 v37, v6;
	_ =	sdelay $0x1  }
0x159: {  	s24 =	simm.s32 $0x0;
	s25 =	simm.s32 $0x19400;
	v9 =	vld [tilespmem:$0x1FCE0]  }
0x15a: {  	v8 =	vmov s24;
	v45 =	vld [tilespmem:s25+$0x0]  }
0x15b: {  	v8 =	vshll.u32 v8, $0x7  }
0x15c: {  	v16 =	vld.idx.msk [tilespmem:v0+s10+$0x0], $0xffff;
	v0 =	vor.u32 v63, v8  }
0x15d: {  	v8 =	vor.u32 v37, v0  }
0x15e: {  	v17 =	vadd.s32 v9, v6  }
0x15f: {  	v18 =	vand.u32 v4, v45  }
0x160: {  	vm8 =	veq.s32 v18, $0x0  }
0x161: {  	v16 =	vsel vm8, $0xCE6E6B28, v16  }
0x162: {  	[tilespmem:v8+s16+$0x0] =	vst.idx.msk $0xffff, v16  }
0x163: {  	v8 =	vld.idx.msk [tilespmem:v17+s10+$0x0], $0xffff  }
0x164: {  	v16 =	vor.u32 v9, v0  }
0x165: {  	v17 =	vadd.s32 v10, v6  }
0x166: {  	v18 =	vand.u32 v5, v45  }
0x167: {  	vm8 =	veq.s32 v18, $0x0  }
0x168: {  	v8 =	vsel vm8, $0xCE6E6B28, v8  }
0x169: {  	[tilespmem:v16+s16+$0x0] =	vst.idx.msk $0xffff, v8  }
0x16a: {  	v8 =	vld.idx.msk [tilespmem:v17+s10+$0x0], $0xffff  }
0x16b: {  	v16 =	vor.u32 v10, v0  }
0x16c: {  	v17 =	vadd.s32 v38, v6  }
0x16d: {  	v18 =	vand.u32 v60, v45  }
0x16e: {  	vm8 =	veq.s32 v18, $0x0  }
0x16f: {  	v8 =	vsel vm8, $0xCE6E6B28, v8  }
0x170: {  	[tilespmem:v16+s16+$0x0] =	vst.idx.msk $0xffff, v8  }
0x171: {  	v8 =	vld.idx.msk [tilespmem:v17+s10+$0x0], $0xffff  }
0x172: {  	v16 =	vor.u32 v38, v0;
	_ =	sdelay $0x1  }
0x173: {  	v18 =	vand.u32 v61, v45  }
0x174: {  	vm8 =	veq.s32 v18, $0x0;
	v17 =	vadd.s32 v44, v6  }
0x175: {  	v8 =	vsel vm8, $0xCE6E6B28, v8  }
0x176: {  	[tilespmem:v16+s16+$0x0] =	vst.idx.msk $0xffff, v8  }
0x177: {  	v47 =	vmov v5;
	v5 =	vld [tilespmem:$0x1FBA0];
	_ =	sdelay $0x1  }
0x178: {  	v8 =	vld.idx.msk [tilespmem:v17+s10+$0x0], $0xffff  }
0x179: {  	v16 =	vor.u32 v44, v0  }
0x17a: {  	v17 =	vadd.s32 v53, v6  }
0x17b: {  	v18 =	vand.u32 v5, v45  }
0x17c: {  	vm8 =	veq.s32 v18, $0x0  }
0x17d: {  	v8 =	vsel vm8, $0xCE6E6B28, v8  }
0x17e: {  	[tilespmem:v16+s16+$0x0] =	vst.idx.msk $0xffff, v8  }
0x17f: {  	v8 =	vld.idx.msk [tilespmem:v17+s10+$0x0], $0xffff  }
0x180: {  	v16 =	vor.u32 v53, v0;
	_ =	sdelay $0x1  }
0x181: {  	v18 =	vand.u32 v62, v45  }
0x182: {  	vm8 =	veq.s32 v18, $0x0;
	v17 =	vadd.s32 v34, v6  }
0x183: {  	v8 =	vsel vm8, $0xCE6E6B28, v8  }
0x184: {  	[tilespmem:v16+s16+$0x0] =	vst.idx.msk $0xffff, v8  }
0x185: {  	v33 =	vld [tilespmem:$0x1FD10];
	_ =	sdelay $0x1  }
0x186: {  	v8 =	vld.idx.msk [tilespmem:v17+s10+$0x0], $0xffff  }
0x187: {  	v16 =	vor.u32 v34, v0;
	_ =	sdelay $0x1  }
0x188: {  	v18 =	vand.u32 v33, v45  }
0x189: {  	v17 =	vadd.s32 v57, v6;
	vm8 =	veq.s32 v18, $0x0  }
0x18a: {  	v8 =	vsel vm8, $0xCE6E6B28, v8  }
0x18b: {  	[tilespmem:v16+s16+$0x0] =	vst.idx.msk $0xffff, v8  }
0x18c: {  	v35 =	vmov v4;
	v4 =	vld [tilespmem:$0x1FBB0];
	_ =	sdelay $0x1  }
0x18d: {  	v8 =	vld.idx.msk [tilespmem:v17+s10+$0x0], $0xffff  }
0x18e: {  	v16 =	vor.u32 v57, v0;
	_ =	sdelay $0x1  }
0x18f: {  	v19 =	vand.u32 v4, v45  }
0x190: {  	s26 =	simm.s32 $0x19890;
	v18 =	vadd.s32 v39, v6;
	vm8 =	veq.s32 v19, $0x0  }
0x191: {  	v17 =	vld [tilespmem:s26+$0x0];
	v8 =	vsel vm8, $0xCE6E6B28, v8  }
0x192: {  	[tilespmem:v16+s16+$0x0] =	vst.idx.msk $0xffff, v8  }
0x193: {  	v15 =	vmov v61;
	v61 =	vld [tilespmem:$0x1FBC0];
	_ =	sdelay $0x1  }
0x194: {  	v16 =	vld.idx.msk [tilespmem:v18+s10+$0x0], $0xffff  }
0x195: {  	v19 =	vor.u32 v39, v0;
	v18 =	vadd.s32 v37, v17  }
0x196: {  	v20 =	vadd.s32 v58, v6  }
0x197: {  	s28 =	simm.s32 $0x10;
	s29 =	simm.s32 $0x19410;
	v21 =	vand.u32 v61, v45  }
0x198: {  	v22 =	vmov s28;
	v8 =	vld [tilespmem:s29+$0x0];
	vm8 =	veq.s32 v21, $0x0  }
0x199: {  	v21 =	vshll.u32 v22, $0x7;
	v22 =	vsel vm8, $0xCE6E6B28, v16  }
0x19a: {  	v18 =	vld.idx.msk [tilespmem:v18+s10+$0x0], $0xffff;
	v16 =	vor.u32 v63, v21;
	[tilespmem:v19+s16+$0x0] =	vst.idx.msk $0xffff, v22  }
0x19b: {  	v19 =	vor.u32 v37, v16;
	v20 =	vld.idx.msk [tilespmem:v20+s10+$0x0], $0xffff  }
0x19c: {  	v22 =	vor.u32 v58, v0  }
0x19d: {  	v23 =	vand.u32 v35, v8  }
0x19e: {  	v21 =	vadd.s32 v9, v17;
	vm8 =	veq.s32 v23, $0x0;
	v23 =	vand.u32 v56, v45  }
0x19f: {  	v24 =	vadd.s32 v7, v6;
	v18 =	vsel vm8, $0xCE6E6B28, v18;
	vm8 =	veq.s32 v23, $0x0  }
0x1a0: {  	[tilespmem:v19+s16+$0x0] =	vst.idx.msk $0xffff, v18;
	v18 =	vsel vm8, $0xCE6E6B28, v20  }
0x1a1: {  	[tilespmem:v22+s16+$0x0] =	vst.idx.msk $0xffff, v18  }
0x1a2: {  	v12 =	vmov v53;
	v53 =	vmov v62;
	v62 =	vmov v39;
	v39 =	vld [tilespmem:$0x1FD20]  }
0x1a3: {  	v19 =	vld.idx.msk [tilespmem:v21+s10+$0x0], $0xffff  }
0x1a4: {  	v46 =	vmov v10;
	v18 =	vor.u32 v9, v16;
	v20 =	vld.idx.msk [tilespmem:v24+s10+$0x0], $0xffff  }
0x1a5: {  	v21 =	vadd.s32 v46, v17;
	v22 =	vor.u32 v7, v0  }
0x1a6: {  	v23 =	vand.u32 v47, v8;
	v24 =	vadd.s32 v11, v6  }
0x1a7: {  	vm8 =	veq.s32 v23, $0x0;
	v23 =	vand.u32 v39, v45  }
0x1a8: {  	v19 =	vsel vm8, $0xCE6E6B28, v19;
	vm8 =	veq.s32 v23, $0x0  }
0x1a9: {  	[tilespmem:v18+s16+$0x0] =	vst.idx.msk $0xffff, v19;
	v18 =	vsel vm8, $0xCE6E6B28, v20  }
0x1aa: {  	v19 =	vld.idx.msk [tilespmem:v21+s10+$0x0], $0xffff;
	[tilespmem:v22+s16+$0x0] =	vst.idx.msk $0xffff, v18  }
0x1ab: {  	v20 =	vld.idx.msk [tilespmem:v24+s10+$0x0], $0xffff  }
0x1ac: {  	v50 =	vmovc v38;
	v21 =	vadd.s32 v38, v17;
	v38 =	vmov v40;
	v24 =	vadd.s32 v40, v6;
	v40 =	vld [tilespmem:$0x1FD30];
	_ =	sdelay $0x1  }
0x1ad: {  	v18 =	vor.u32 v46, v16  }
0x1ae: {  	v22 =	vor.u32 v11, v0  }
0x1af: {  	v23 =	vand.u32 v60, v8  }
0x1b0: {  	vm8 =	veq.s32 v23, $0x0;
	v23 =	vand.u32 v40, v45  }
0x1b1: {  	v19 =	vsel vm8, $0xCE6E6B28, v19;
	vm8 =	veq.s32 v23, $0x0  }
0x1b2: {  	[tilespmem:v18+s16+$0x0] =	vst.idx.msk $0xffff, v19;
	v18 =	vsel vm8, $0xCE6E6B28, v20  }
0x1b3: {  	[tilespmem:v22+s16+$0x0] =	vst.idx.msk $0xffff, v18  }
0x1b4: {  	v20 =	vld.idx.msk [tilespmem:v24+s10+$0x0], $0xffff  }
0x1b5: {  	v52 =	vmov v30;
	v24 =	vadd.s32 v30, v6;
	v30 =	vld [tilespmem:$0x1FD40]  }
0x1b6: {  	v19 =	vld.idx.msk [tilespmem:v21+s10+$0x0], $0xffff  }
0x1b7: {  	v18 =	vor.u32 v50, v16  }
0x1b8: {  	v22 =	vor.u32 v38, v0  }
0x1b9: {  	v23 =	vand.u32 v15, v8  }
0x1ba: {  	vm8 =	veq.s32 v23, $0x0;
	v23 =	vand.u32 v30, v45  }
0x1bb: {  	v21 =	vadd.s32 v44, v17;
	v19 =	vsel vm8, $0xCE6E6B28, v19;
	vm8 =	veq.s32 v23, $0x0  }
0x1bc: {  	[tilespmem:v18+s16+$0x0] =	vst.idx.msk $0xffff, v19;
	v18 =	vsel vm8, $0xCE6E6B28, v20  }
0x1bd: {  	[tilespmem:v22+s16+$0x0] =	vst.idx.msk $0xffff, v18  }
0x1be: {  	v20 =	vld.idx.msk [tilespmem:v24+s10+$0x0], $0xffff  }
0x1bf: {  	v1 =	vmov v43;
	v24 =	vadd.s32 v43, v6;
	v43 =	vld [tilespmem:$0x1FD50]  }
0x1c0: {  	v19 =	vld.idx.msk [tilespmem:v21+s10+$0x0], $0xffff  }
0x1c1: {  	v18 =	vor.u32 v44, v16  }
0x1c2: {  	v22 =	vor.u32 v52, v0  }
0x1c3: {  	v23 =	vand.u32 v5, v8  }
0x1c4: {  	vm8 =	veq.s32 v23, $0x0;
	v23 =	vand.u32 v43, v45  }
0x1c5: {  	v21 =	vadd.s32 v12, v17;
	v19 =	vsel vm8, $0xCE6E6B28, v19;
	vm8 =	veq.s32 v23, $0x0  }
0x1c6: {  	[tilespmem:v18+s16+$0x0] =	vst.idx.msk $0xffff, v19;
	v18 =	vsel vm8, $0xCE6E6B28, v20  }
0x1c7: {  	[tilespmem:v22+s16+$0x0] =	vst.idx.msk $0xffff, v18  }
0x1c8: {  	v20 =	vld.idx.msk [tilespmem:v24+s10+$0x0], $0xffff  }
0x1c9: {  	v10 =	vmov v7;
	v7 =	vmov v54;
	v24 =	vadd.s32 v54, v6;
	v54 =	vld [tilespmem:$0x1FBD0]  }
0x1ca: {  	v19 =	vld.idx.msk [tilespmem:v21+s10+$0x0], $0xffff  }
0x1cb: {  	v13 =	vmov v34;
	v18 =	vor.u32 v12, v16  }
0x1cc: {  	v21 =	vor.u32 v1, v0;
	v22 =	vadd.s32 v13, v17  }
0x1cd: {  	v23 =	vand.u32 v53, v8  }
0x1ce: {  	vm8 =	veq.s32 v23, $0x0;
	v23 =	vand.u32 v54, v45  }
0x1cf: {  	v19 =	vsel vm8, $0xCE6E6B28, v19;
	vm8 =	veq.s32 v23, $0x0  }
0x1d0: {  	[tilespmem:v18+s16+$0x0] =	vst.idx.msk $0xffff, v19;
	v18 =	vsel vm8, $0xCE6E6B28, v20  }
0x1d1: {  	v19 =	vld.idx.msk [tilespmem:v22+s10+$0x0], $0xffff;
	[tilespmem:v21+s16+$0x0] =	vst.idx.msk $0xffff, v18  }
0x1d2: {  	v55 =	vmov v57;
	v21 =	vadd.s32 v57, v17;
	v57 =	vld [tilespmem:$0x1FBE0]  }
0x1d3: {  	v34 =	vmov v56;
	v56 =	vld [tilespmem:$0x1FE90]  }
0x1d4: {  	v18 =	vor.u32 v13, v16;
	v20 =	vld.idx.msk [tilespmem:v24+s10+$0x0], $0xffff  }
0x1d5: {  	v22 =	vor.u32 v7, v0  }
0x1d6: {  	v23 =	vand.u32 v33, v8  }
0x1d7: {  	vm8 =	veq.s32 v23, $0x0;
	v23 =	vand.u32 v57, v45  }
0x1d8: {  	v19 =	vsel vm8, $0xCE6E6B28, v19;
	v24 =	vadd.s32 v56, v6;
	vm8 =	veq.s32 v23, $0x0  }
0x1d9: {  	[tilespmem:v18+s16+$0x0] =	vst.idx.msk $0xffff, v19;
	v18 =	vsel vm8, $0xCE6E6B28, v20  }
0x1da: {  	[tilespmem:v22+s16+$0x0] =	vst.idx.msk $0xffff, v18  }
0x1db: {  	v23 =	vand.u32 v4, v8;
	v4 =	vld [tilespmem:$0x1FD60]  }
0x1dc: {  	v20 =	vld.idx.msk [tilespmem:v21+s10+$0x0], $0xffff  }
0x1dd: {  	v18 =	vor.u32 v55, v16;
	v21 =	vld.idx.msk [tilespmem:v24+s10+$0x0], $0xffff  }
0x1de: {  	v24 =	vor.u32 v56, v0;
	_ =	sdelay $0x1  }
0x1df: {  	vm8 =	veq.s32 v23, $0x0;
	v25 =	vand.u32 v4, v45  }
0x1e0: {  	v20 =	vsel vm8, $0xCE6E6B28, v20;
	vm8 =	veq.s32 v25, $0x0  }
0x1e1: {  	v36 =	vld [tilespmem:$0x1FF30];
	[tilespmem:v18+s16+$0x0] =	vst.idx.msk $0xffff, v20;
	v18 =	vsel vm8, $0xCE6E6B28, v21  }
0x1e2: {  	[tilespmem:v24+s16+$0x0] =	vst.idx.msk $0xffff, v18  }
0x1e3: {  	v4 =	vld [tilespmem:$0x1FCA0]  }
0x1e4: {  	v48 =	vld [tilespmem:$0x1FC30];
	_ =	sdelay $0x1  }
0x1e5: {  	v22 =	vadd.s32 v62, v17;
	_ =	sdelay $0x2  }
0x1e6: {  	v14 =	vsel vm0, v4, v48;
	v4 =	vld [tilespmem:$0x1FC20];
	_ =	sdelay $0x1  }
0x1e7: {  	v23 =	vadd.s32 v36, v6;
	v20 =	vld.idx.msk [tilespmem:v22+s10+$0x0], $0xffff  }
0x1e8: {  	s30 =	simm.s32 $0x198A0;
	v25 =	vor.u32 v62, v16  }
0x1e9: {  	v19 =	vld [tilespmem:s30+$0x0]  }
0x1ea: {  	v27 =	vand.u32 v61, v8;
	v24 =	vcombine.low v4, v14;
	v4 =	vld [tilespmem:$0x1FD70]  }
0x1eb: {  	s31 =	simm.s32 $0x20;
	vm8 =	veq.s32 v27, $0x0  }
0x1ec: {  	v29 =	vmov s31;
	v23 =	vld.idx.msk [tilespmem:v23+s10+$0x0], $0xffff;
	v31 =	vsel vm8, $0xCE6E6B28, v20;
	[tilespmem:$0x1FB00] =	vst v14  }
0x1ed: {  	v29 =	vshll.u32 v29, $0x7;
	[tilespmem:v25+s16+$0x0] =	vst.idx.msk $0xffff, v31  }
0x1ee: {  	v21 =	vadd.s32 v37, v19;
	v20 =	vor.u32 v63, v29;
	v29 =	vld [tilespmem:$0x1FC50]  }
0x1ef: {  	v51 =	vmov v44;
	v28 =	vor.u32 v36, v0;
	v44 =	vand.u32 v4, v45;
	v4 =	vld [tilespmem:$0x1FCC0]  }
0x1f0: {  	s19 =	simm.s32 $0x19420  }
0x1f1: {  	v18 =	vld [tilespmem:s19+$0x0]  }
0x1f2: {  	vm8 =	veq.s32 v44, $0x0  }
0x1f3: {  	v26 =	vadd.s32 v58, v17;
	v21 =	vld.idx.msk [tilespmem:v21+s10+$0x0], $0xffff;
	v23 =	vsel vm8, $0xCE6E6B28, v23  }
0x1f4: {  	v49 =	vmovc v60;
	v25 =	vor.u32 v37, v20;
	[tilespmem:v28+s16+$0x0] =	vst.idx.msk $0xffff, v23;
	v60 =	vsel vm0, v4, v29;
	v4 =	vimm.s32 $0x8000000  }
0x1f5: {  	v31 =	vsel vm6, $0x10000000, v4;
	v4 =	vld [tilespmem:$0x1FD90]  }
0x1f6: {  	v28 =	vand.u32 v35, v18  }
0x1f7: {  	vm8 =	veq.s32 v28, $0x0  }
0x1f8: {  	v14 =	vadd.s32 v24, v6;
	v21 =	vsel vm8, $0xCE6E6B28, v21  }
0x1f9: {  	v26 =	vld.idx.msk [tilespmem:v26+s10+$0x0], $0xffff;
	[tilespmem:v25+s16+$0x0] =	vst.idx.msk $0xffff, v21  }
0x1fa: {  	v36 =	vmov v63;
	v63 =	vcombine.low v4, v60;
	v4 =	vld [tilespmem:$0x1FD80];
	_ =	sdelay $0x1  }
0x1fb: {  	v28 =	vand.u32 v34, v8  }
0x1fc: {  	v14 =	vld.idx.msk [tilespmem:v14+s10+$0x0], $0xffff;
	vm8 =	veq.s32 v28, $0x0  }
0x1fd: {  	v21 =	vsel vm8, $0xCE6E6B28, v26;
	v26 =	vld [tilespmem:$0x1FC00]  }
0x1fe: {  	v23 =	vor.u32 v58, v16;
	v25 =	vand.u32 v4, v45;
	v4 =	vld [tilespmem:$0x1FBF0]  }
0x1ff: {  	v41 =	vor.u32 v24, v0;
	_ =	sdelay $0x2  }
0x200: {  	vm8 =	veq.s32 v25, $0x0  }
0x201: {  	v42 =	vsel vm7, $0x20000000, v31;
	[tilespmem:v23+s16+$0x0] =	vst.idx.msk $0xffff, v21;
	v31 =	vsel vm0, v26, v4;
	v4 =	vsel vm8, $0xCE6E6B28, v14  }
0x202: {  	v32 =	vadd.s32 v9, v19;
	[tilespmem:v41+s16+$0x0] =	vst.idx.msk $0xffff, v4  }
0x203: {  	v4 =	vld [tilespmem:$0x1FC60];
	_ =	sdelay $0x1  }
0x204: {  	v58 =	vadd.s32 v10, v17  }
0x205: {  	v26 =	vsel vm5, $0x40000000, v42  }
0x206: {  	v32 =	vld.idx.msk [tilespmem:v32+s10+$0x0], $0xffff;
	v28 =	vadd.s32 v63, v6;
	v26 =	vsel vm2, $0x80000000, v26  }
0x207: {  	v26 =	vsel vm9, v4, v26;
	v4 =	vld [tilespmem:$0x1FC70]  }
0x208: {  	v23 =	vor.u32 v9, v20  }
0x209: {  	v25 =	vld.idx.msk [tilespmem:v58+s10+$0x0], $0xffff  }
0x20a: {  	v39 =	vand.u32 v39, v8;
	v22 =	vand.u32 v47, v18  }
0x20b: {  	v27 =	vmovc v35;
	v35 =	vadd.s32 v46, v19;
	v58 =	vor.u32 v10, v16;
	vm8 =	veq.s32 v22, $0x0;
	v28 =	vld.idx.msk [tilespmem:v28+s10+$0x0], $0xffff  }
0x20c: {  	v21 =	vor.u32 v63, v0;
	v10 =	vcombine.low v4, v26;
	v26 =	vsel vm8, $0xCE6E6B28, v32  }
0x20d: {  	vm8 =	veq.s32 v39, $0x0;
	v4 =	vimm.s32 $0x10000000;
	[tilespmem:v23+s16+$0x0] =	vst.idx.msk $0xffff, v26  }
0x20e: {  	v32 =	vsel vm6, $0x20000000, v4;
	v23 =	vsel vm8, $0xCE6E6B28, v25;
	v25 =	vand.u32 v10, v45;
	v4 =	vld [tilespmem:$0x1FE20]  }
0x20f: {  	[tilespmem:$0x1FB10] =	vst v10;
	vm8 =	veq.s32 v25, $0x0  }
0x210: {  	v63 =	vadd.s32 v11, v17;
	[tilespmem:v58+s16+$0x0] =	vst.idx.msk $0xffff, v23;
	v28 =	vsel vm8, $0xCE6E6B28, v28  }
0x211: {  	v35 =	vld.idx.msk [tilespmem:v35+s10+$0x0], $0xffff;
	[tilespmem:v21+s16+$0x0] =	vst.idx.msk $0xffff, v28  }
0x212: {  	v28 =	vor.u32 v11, v16;
	v11 =	vld [tilespmem:$0x1FE80]  }
0x213: {  	v44 =	vmov v47;
	v47 =	vadd.s32 v59, v6;
	v39 =	vcombine.low v31, v4;
	v4 =	vld [tilespmem:$0x1FE10]  }
0x214: {  	v23 =	vor.u32 v46, v20  }
0x215: {  	v26 =	vsel vm7, $0x40000000, v32;
	v25 =	vld.idx.msk [tilespmem:v63+s10+$0x0], $0xffff  }
0x216: {  	v26 =	vsel vm5, $0x80000000, v26;
	v58 =	vand.u32 v49, v18  }
0x217: {  	vm8 =	veq.s32 v58, $0x0;
	v26 =	vsel vm0, v11, v26  }
0x218: {  	v42 =	vld.idx.msk [tilespmem:v47+s10+$0x0], $0xffff;
	v47 =	vand.u32 v40, v8;
	v4 =	vcombine.low v4, v26;
	v26 =	vsel vm8, $0xCE6E6B28, v35  }
0x219: {  	vm8 =	veq.s32 v47, $0x0;
	[tilespmem:v23+s16+$0x0] =	vst.idx.msk $0xffff, v26  }
0x21a: {  	v23 =	vsel vm8, $0xCE6E6B28, v25;
	[tilespmem:$0x1FB20] =	vst v4;
	v25 =	vand.u32 v4, v45;
	v4 =	vld [tilespmem:$0x1FC80]  }
0x21b: {  	v26 =	vld [tilespmem:$0x1FC90];
	_ =	sdelay $0x3  }
0x21c: {  	[tilespmem:v28+s16+$0x0] =	vst.idx.msk $0xffff, v23  }
0x21d: {  	v35 =	vsel vm0, v4, v26;
	v4 =	vld [tilespmem:$0x1FC10];
	_ =	sdelay $0x3  }
0x21e: {  	v37 =	vadd.s32 v50, v19;
	v21 =	vor.u32 v59, v0  }
0x21f: {  	v23 =	vsel vm0, v48, v4;
	v4 =	vld [tilespmem:$0x1FCF0];
	_ =	sdelay $0x1  }
0x220: {  	vm8 =	veq.s32 v25, $0x0  }
0x221: {  	v26 =	vsel vm8, $0xCE6E6B28, v42  }
0x222: {  	vm15 =	vmmov vm6;
	vm6 =	vcmask $0x1304;
	v47 =	vld.idx.msk [tilespmem:v37+s10+$0x0], $0xffff;
	[tilespmem:v21+s16+$0x0] =	vst.idx.msk $0xffff, v26  }
0x223: {  	v37 =	vnsel vm6, $0x80000000, v4;
	v4 =	vld [tilespmem:$0x1FCB0];
	_ =	sdelay $0x1  }
0x224: {  	v63 =	vadd.s32 v38, v17  }
0x225: {  	v34 =	vmov v49;
	v49 =	vadd.s32 v39, v6  }
0x226: {  	v25 =	vor.u32 v50, v20  }
0x227: {  	v26 =	vcombine.low v23, v4;
	v4 =	vld [tilespmem:$0x1FC40]  }
0x228: {  	v58 =	vand.u32 v15, v18  }
0x229: {  	v28 =	vld.idx.msk [tilespmem:v63+s10+$0x0], $0xffff;
	vm8 =	veq.s32 v58, $0x0  }
0x22a: {  	v42 =	vsel vm8, $0xCE6E6B28, v47;
	v41 =	vld.idx.msk [tilespmem:v49+s10+$0x0], $0xffff;
	[tilespmem:$0x1FB30] =	vst v39  }
0x22b: {  	[tilespmem:v25+s16+$0x0] =	vst.idx.msk $0xffff, v42  }
0x22c: {  	v58 =	vsel vm0, v29, v4;
	v4 =	vld [tilespmem:$0x1FB80];
	_ =	sdelay $0x2  }
0x22d: {  	v23 =	vand.u32 v30, v8  }
0x22e: {  	v21 =	vor.u32 v38, v16;
	vm8 =	veq.s32 v23, $0x0  }
0x22f: {  	v25 =	vsel vm8, $0xCE6E6B28, v28;
	v28 =	vand.u32 v4, v45;
	v4 =	vimm.s32 $0x800000  }
0x230: {  	v42 =	vsel vm15, $0x1000000, v4;
	v4 =	vld [tilespmem:$0x1FE30];
	_ =	sdelay $0x2  }
0x231: {  	v22 =	vmov v46;
	v46 =	vadd.s32 v51, v19  }
0x232: {  	v49 =	vor.u32 v39, v0;
	[tilespmem:v21+s16+$0x0] =	vst.idx.msk $0xffff, v25  }
0x233: {  	v10 =	vmov v50;
	v50 =	vsel vm9, v4, v37;
	v4 =	vld [tilespmem:$0x1FE40];
	_ =	sdelay $0x1  }
0x234: {  	vm8 =	veq.s32 v28, $0x0  }
0x235: {  	v46 =	vld.idx.msk [tilespmem:v46+s10+$0x0], $0xffff;
	v25 =	vsel vm8, $0xCE6E6B28, v41  }
0x236: {  	v63 =	vadd.s32 v52, v17;
	v21 =	vor.u32 v51, v20;
	[tilespmem:v49+s16+$0x0] =	vst.idx.msk $0xffff, v25  }
0x237: {  	v29 =	vcombine.low v35, v4;
	v4 =	vld [tilespmem:$0x1FCD0]  }
0x238: {  	v40 =	vand.u32 v5, v18  }
0x239: {  	v23 =	vadd.s32 v26, v6;
	vm8 =	veq.s32 v40, $0x0  }
0x23a: {  	v46 =	vsel vm8, $0xCE6E6B28, v46  }
0x23b: {  	v28 =	vld.idx.msk [tilespmem:v63+s10+$0x0], $0xffff;
	[tilespmem:v21+s16+$0x0] =	vst.idx.msk $0xffff, v46  }
0x23c: {  	v48 =	vadd.s32 v12, v19;
	v25 =	vcombine.low v58, v4;
	v4 =	vld [tilespmem:$0x1FDA0]  }
0x23d: {  	v47 =	vor.u32 v52, v16;
	v63 =	vsel vm7, $0x2000000, v42  }
0x23e: {  	v41 =	vsel vm5, $0x4000000, v63;
	v49 =	vadd.s32 v1, v17;
	v23 =	vld.idx.msk [tilespmem:v23+s10+$0x0], $0xffff  }
0x23f: {  	v63 =	vor.u32 v26, v0;
	v41 =	vsel vm2, $0x8000000, v41;
	v58 =	vand.u32 v43, v8  }
0x240: {  	v41 =	vsel vm3, $0x10000000, v41;
	vm8 =	veq.s32 v58, $0x0  }
0x241: {  	v48 =	vld.idx.msk [tilespmem:v48+s10+$0x0], $0xffff;
	v21 =	vadd.s32 v25, v6;
	v28 =	vsel vm8, $0xCE6E6B28, v28;
	v43 =	vand.u32 v4, v45  }
0x242: {  	v41 =	vsel vm4, $0x20000000, v41;
	[tilespmem:v47+s16+$0x0] =	vst.idx.msk $0xffff, v28;
	v28 =	vor.u32 v12, v20;
	vm8 =	veq.s32 v43, $0x0  }
0x243: {  	v41 =	vsel vm1, $0x40000000, v41;
	v46 =	vld.idx.msk [tilespmem:v49+s10+$0x0], $0xffff;
	v23 =	vsel vm8, $0xCE6E6B28, v23  }
0x244: {  	v58 =	vmov v53;
	v53 =	vand.u32 v53, v18;
	[tilespmem:v63+s16+$0x0] =	vst.idx.msk $0xffff, v23;
	v23 =	vor.u32 v1, v16  }
0x245: {  	v38 =	vmovc v51;
	v51 =	vor.u32 v25, v0;
	v47 =	vadd.s32 v13, v19;
	vm8 =	veq.s32 v53, $0x0  }
0x246: {  	v43 =	vmovc v1;
	v63 =	vand.u32 v54, v8;
	v1 =	vcombine.low v41, v50;
	v53 =	vsel vm8, $0xCE6E6B28, v48;
	v21 =	vld.idx.msk [tilespmem:v21+s10+$0x0], $0xffff  }
0x247: {  	v49 =	vadd.s32 v7, v17;
	v4 =	vimm.s32 $0x1000000;
	vm8 =	veq.s32 v63, $0x0;
	[tilespmem:v28+s16+$0x0] =	vst.idx.msk $0xffff, v53  }
0x248: {  	v54 =	vsel vm15, $0x2000000, v4;
	[tilespmem:$0x1FB40] =	vst v1;
	v46 =	vsel vm8, $0xCE6E6B28, v46  }
0x249: {  	v48 =	vsel vm7, $0x4000000, v54;
	v63 =	vand.u32 v1, v45;
	[tilespmem:v23+s16+$0x0] =	vst.idx.msk $0xffff, v46  }
0x24a: {  	v28 =	vadd.s32 v29, v6;
	v50 =	vsel vm5, $0x8000000, v48;
	vm8 =	veq.s32 v63, $0x0;
	v4 =	vld [tilespmem:$0x1FB90]  }
0x24b: {  	v47 =	vld.idx.msk [tilespmem:v47+s10+$0x0], $0xffff;
	v41 =	vsel vm2, $0x10000000, v50;
	v21 =	vsel vm8, $0xCE6E6B28, v21  }
0x24c: {  	v41 =	vsel vm3, $0x20000000, v41;
	v46 =	vor.u32 v13, v20;
	v63 =	vld.idx.msk [tilespmem:v49+s10+$0x0], $0xffff;
	[tilespmem:v51+s16+$0x0] =	vst.idx.msk $0xffff, v21  }
0x24d: {  	v50 =	vor.u32 v7, v16;
	v41 =	vsel vm4, $0x40000000, v41;
	v21 =	vand.u32 v33, v18;
	v1 =	vld [tilespmem:$0x1FF00]  }
0x24e: {  	v49 =	vadd.s32 v55, v19;
	v33 =	vor.u32 v29, v0;
	vm8 =	veq.s32 v21, $0x0  }
0x24f: {  	v51 =	vld.idx.msk [tilespmem:v28+s10+$0x0], $0xffff;
	v21 =	vadd.s32 v56, v17;
	v28 =	vsel vm1, $0x80000000, v41;
	v23 =	vsel vm0, v4, v11  }
0x250: {  	[tilespmem:$0x1FB50] =	vst v29;
	v47 =	vsel vm8, $0xCE6E6B28, v47;
	v4 =	vcombine.low v28, v23;
	v23 =	vand.u32 v57, v8  }
0x251: {  	[tilespmem:v46+s16+$0x0] =	vst.idx.msk $0xffff, v47;
	vm8 =	veq.s32 v23, $0x0  }
0x252: {  	v40 =	vadd.s32 v1, v6;
	v23 =	vsel vm8, $0xCE6E6B28, v63;
	[tilespmem:$0x1FB60] =	vst v4;
	v63 =	vand.u32 v4, v45  }
0x253: {  	v48 =	vld.idx.msk [tilespmem:v49+s10+$0x0], $0xffff;
	[tilespmem:v50+s16+$0x0] =	vst.idx.msk $0xffff, v23;
	vm8 =	veq.s32 v63, $0x0  }
0x254: {  	s20 =	simm.s32 $0x198B0;
	v46 =	vld.idx.msk [tilespmem:v21+s10+$0x0], $0xffff;
	v21 =	vsel vm8, $0xCE6E6B28, v51  }
0x255: {  	v23 =	vld [tilespmem:s20+$0x0];
	[tilespmem:v33+s16+$0x0] =	vst.idx.msk $0xffff, v21  }
0x256: {  	v4 =	vld [tilespmem:$0x1FBB0]  }
0x257: {  	v41 =	vld.idx.msk [tilespmem:v40+s10+$0x0], $0xffff  }
0x258: {  	v54 =	vmov v7;
	v7 =	vld [tilespmem:$0x1FEB0]  }
0x259: {  	v14 =	vmov v15;
	v15 =	vmov v12;
	v30 =	vmov v52;
	v29 =	vld [tilespmem:$0x1FEA0]  }
0x25a: {  	v53 =	vmovc v13;
	v47 =	vor.u32 v56, v16;
	v11 =	vmovc v62;
	v57 =	vmov v55;
	v49 =	vor.u32 v55, v20;
	v28 =	vld [tilespmem:$0x1FE70]  }
0x25b: {  	s22 =	simm.s32 $0x40;
	s21 =	simm.s32 $0x30;
	v50 =	vadd.s32 v62, v19;
	v33 =	vmovc v56;
	[tilespmem:$0x1FB70] =	vst v60;
	v13 =	vld [tilespmem:$0x1FD00];
	v21 =	vmov v60;
	v51 =	vand.u32 v4, v18  }
.LBB2_4:
0x25c: {  	v4 =	vld [tilespmem:$0x1FE50]  }
0x25d: {  	v5 =	vld [tilespmem:$0x1FB00];
	_ =	sdelay $0x4  }
0x25e: {  	v52 =	vcombine.low v5, v4;
	v4 =	vld [tilespmem:$0x1FD60];
	_ =	sdelay $0x4  }
0x25f: {  	v55 =	vand.u32 v4, v8;
	v4 =	vld [tilespmem:$0x1FEC0];
	_ =	sdelay $0x4  }
0x260: {  	v63 =	vand.u32 v4, v45;
	v4 =	vld [tilespmem:$0x1FE60];
	_ =	sdelay $0x4  }
0x261: {  	v60 =	vcombine.low v21, v4;
	v4 =	vld [tilespmem:$0x1FB70];
	_ =	sdelay $0x1  }
0x262: {  	v12 =	vld [tilespmem:$0x1FF30];
	_ =	sdelay $0x2  }
0x263: {  	v21 =	vmov v4;
	v4 =	vld [tilespmem:$0x1FE20]  }
0x264: {  	vm8 =	veq.s32 v51, $0x0  }
0x265: {  	v48 =	vsel vm8, $0xCE6E6B28, v48;
	v62 =	vadd.s32 v12, v17;
	v5 =	vld [tilespmem:$0x1FED0]  }
0x266: {  	v56 =	vor.u32 v1, v0;
	[tilespmem:v49+s16+$0x0] =	vst.idx.msk $0xffff, v48;
	vm8 =	veq.s32 v55, $0x0  }
0x267: {  	v49 =	vld.idx.msk [tilespmem:v50+s10+$0x0], $0xffff;
	v48 =	vadd.s32 v52, v6;
	v46 =	vsel vm8, $0xCE6E6B28, v46  }
0x268: {  	v40 =	vlaneseq.u32;
	[tilespmem:v47+s16+$0x0] =	vst.idx.msk $0xffff, v46;
	v47 =	vcombine.low v31, v4;
	v4 =	vld [tilespmem:$0x1FD70]  }
0x269: {  	v50 =	vor.u32 v11, v20;
	v55 =	vadd.s32 v40, v23;
	vm8 =	veq.s32 v63, $0x0  }
0x26a: {  	v51 =	vld.idx.msk [tilespmem:v62+s10+$0x0], $0xffff;
	v62 =	vadd.s32 v5, v19;
	v41 =	vsel vm8, $0xCE6E6B28, v41  }
0x26b: {  	[tilespmem:v56+s16+$0x0] =	vst.idx.msk $0xffff, v41;
	v56 =	vand.u32 v61, v18;
	v61 =	vor.u32 v12, v16  }
0x26c: {  	s19 =	sadd.s32 $0x10, s19;
	v48 =	vld.idx.msk [tilespmem:v48+s10+$0x0], $0xffff;
	vm8 =	veq.s32 v56, $0x0  }
0x26d: {  	v41 =	vld [tilespmem:s19+$0x0];
	v49 =	vsel vm8, $0xCE6E6B28, v49;
	v63 =	vand.u32 v4, v8  }
0x26e: {  	v55 =	vld.idx.msk [tilespmem:v55+s10+$0x0], $0xffff;
	[tilespmem:v50+s16+$0x0] =	vst.idx.msk $0xffff, v49;
	vm8 =	veq.s32 v63, $0x0  }
0x26f: {  	v62 =	vld.idx.msk [tilespmem:v62+s10+$0x0], $0xffff;
	v51 =	vsel vm8, $0xCE6E6B28, v51  }
0x270: {  	[tilespmem:v61+s16+$0x0] =	vst.idx.msk $0xffff, v51;
	v61 =	vor.u32 v5, v20;
	v5 =	vld [tilespmem:$0x1FD90];
	_ =	sdelay $0x2  }
0x271: {  	v4 =	vld [tilespmem:$0x1FDB0];
	_ =	sdelay $0x1  }
0x272: {  	v39 =	vmov s21;
	v63 =	vcombine.low v5, v21;
	v5 =	vld [tilespmem:$0x1FEE0]  }
0x273: {  	v46 =	vshll.u32 v39, $0x7  }
0x274: {  	v46 =	vor.u32 v36, v46;
	v12 =	vld [tilespmem:$0x1FEF0];
	v56 =	vadd.s32 v24, v17  }
0x275: {  	v52 =	vor.u32 v52, v0;
	v50 =	vor.u32 v40, v46;
	v40 =	vand.u32 v4, v45  }
0x276: {  	v49 =	vadd.s32 v60, v6;
	v39 =	vand.u32 v27, v41;
	vm8 =	veq.s32 v40, $0x0  }
0x277: {  	v48 =	vsel vm8, $0xCE6E6B28, v48;
	vm8 =	veq.s32 v39, $0x0;
	v39 =	vand.u32 v5, v18;
	v5 =	vld [tilespmem:$0x1FD80]  }
0x278: {  	v4 =	vadd.s32 v9, v23  }
0x279: {  	v51 =	vadd.s32 v12, v19;
	v56 =	vld.idx.msk [tilespmem:v56+s10+$0x0], $0xffff  }
0x27a: {  	[tilespmem:v52+s16+$0x0] =	vst.idx.msk $0xffff, v48;
	v40 =	vsel vm8, $0xCE6E6B28, v55;
	v55 =	vor.u32 v24, v16  }
0x27b: {  	v49 =	vld.idx.msk [tilespmem:v49+s10+$0x0], $0xffff;
	vm8 =	veq.s32 v39, $0x0  }
0x27c: {  	[tilespmem:v50+s16+$0x0] =	vst.idx.msk $0xffff, v40;
	v40 =	vsel vm8, $0xCE6E6B28, v62;
	v39 =	vand.u32 v5, v8;
	v5 =	vld [tilespmem:$0x1FDC0]  }
0x27d: {  	v48 =	vadd.s32 v63, v17;
	v4 =	vld.idx.msk [tilespmem:v4+s10+$0x0], $0xffff;
	[tilespmem:v61+s16+$0x0] =	vst.idx.msk $0xffff, v40;
	vm8 =	veq.s32 v39, $0x0  }
0x27e: {  	v51 =	vld.idx.msk [tilespmem:v51+s10+$0x0], $0xffff;
	v56 =	vsel vm8, $0xCE6E6B28, v56  }
0x27f: {  	v60 =	vor.u32 v60, v0;
	[tilespmem:v55+s16+$0x0] =	vst.idx.msk $0xffff, v56;
	v56 =	vor.u32 v12, v20;
	v12 =	vld [tilespmem:$0x1FF10]  }
0x280: {  	v52 =	vadd.s32 v7, v6;
	v62 =	vld [tilespmem:$0x1FD20];
	v61 =	vor.u32 v9, v46  }
0x281: {  	v50 =	vor.u32 v63, v16;
	v63 =	vld [tilespmem:$0x1FB10];
	v39 =	vadd.s32 v22, v23;
	v40 =	vand.u32 v5, v45  }
0x282: {  	v48 =	vld.idx.msk [tilespmem:v48+s10+$0x0], $0xffff;
	vm8 =	veq.s32 v40, $0x0;
	v40 =	vand.u32 v44, v41  }
0x283: {  	v5 =	vld [tilespmem:$0x1FDD0];
	v49 =	vsel vm8, $0xCE6E6B28, v49;
	vm8 =	veq.s32 v40, $0x0  }
0x284: {  	v55 =	vadd.s32 v12, v19;
	[tilespmem:v60+s16+$0x0] =	vst.idx.msk $0xffff, v49;
	v4 =	vsel vm8, $0xCE6E6B28, v4  }
0x285: {  	v49 =	vand.u32 v62, v18;
	v52 =	vld.idx.msk [tilespmem:v52+s10+$0x0], $0xffff;
	[tilespmem:v61+s16+$0x0] =	vst.idx.msk $0xffff, v4;
	v4 =	vadd.s32 v59, v17  }
0x286: {  	v40 =	vand.u32 v63, v8;
	v62 =	vor.u32 v7, v0;
	vm8 =	veq.s32 v49, $0x0;
	v60 =	vld.idx.msk [tilespmem:v39+s10+$0x0], $0xffff  }
0x287: {  	v51 =	vsel vm8, $0xCE6E6B28, v51;
	vm8 =	veq.s32 v40, $0x0  }
0x288: {  	v39 =	vand.u32 v5, v45;
	[tilespmem:v56+s16+$0x0] =	vst.idx.msk $0xffff, v51;
	v48 =	vsel vm8, $0xCE6E6B28, v48  }
0x289: {  	v40 =	vand.u32 v34, v41;
	vm8 =	veq.s32 v39, $0x0;
	v55 =	vld.idx.msk [tilespmem:v55+s10+$0x0], $0xffff;
	[tilespmem:v50+s16+$0x0] =	vst.idx.msk $0xffff, v48  }
0x28a: {  	v4 =	vld.idx.msk [tilespmem:v4+s10+$0x0], $0xffff;
	v52 =	vsel vm8, $0xCE6E6B28, v52;
	vm8 =	veq.s32 v40, $0x0  }
0x28b: {  	[tilespmem:v62+s16+$0x0] =	vst.idx.msk $0xffff, v52;
	v52 =	vsel vm8, $0xCE6E6B28, v60;
	v60 =	vld [tilespmem:$0x1FD30]  }
0x28c: {  	v51 =	vadd.s32 v29, v6;
	v56 =	vor.u32 v22, v46  }
0x28d: {  	v63 =	vadd.s32 v10, v23;
	v61 =	vor.u32 v12, v20;
	v12 =	vld [tilespmem:$0x1FF20]  }
0x28e: {  	v40 =	vld [tilespmem:$0x1FE80]  }
0x28f: {  	v62 =	vld [tilespmem:$0x1FE10]  }
0x290: {  	v5 =	vld [tilespmem:$0x1FDE0];
	v60 =	vand.u32 v60, v18  }
0x291: {  	v49 =	vsel vm7, $0x40000000, v32;
	v51 =	vld.idx.msk [tilespmem:v51+s10+$0x0], $0xffff;
	[tilespmem:v56+s16+$0x0] =	vst.idx.msk $0xffff, v52;
	vm8 =	veq.s32 v60, $0x0  }
0x292: {  	v49 =	vsel vm5, $0x80000000, v49;
	v50 =	vadd.s32 v12, v19;
	v56 =	vld.idx.msk [tilespmem:v63+s10+$0x0], $0xffff;
	v55 =	vsel vm8, $0xCE6E6B28, v55  }
0x293: {  	v49 =	vsel vm0, v40, v49;
	[tilespmem:v61+s16+$0x0] =	vst.idx.msk $0xffff, v55;
	v61 =	vor.u32 v12, v20;
	v12 =	vld [tilespmem:$0x1FD40]  }
0x294: {  	v49 =	vcombine.low v62, v49  }
0x295: {  	v48 =	vor.u32 v59, v16  }
0x296: {  	v52 =	vadd.s32 v47, v17;
	v60 =	vor.u32 v29, v0;
	v49 =	vand.u32 v49, v8  }
0x297: {  	vm8 =	veq.s32 v49, $0x0;
	v49 =	vadd.s32 v28, v6  }
0x298: {  	v40 =	vand.u32 v5, v45;
	v55 =	vor.u32 v10, v46;
	v63 =	vand.u32 v12, v18;
	v12 =	vld [tilespmem:$0x1FE40]  }
0x299: {  	v4 =	vsel vm8, $0xCE6E6B28, v4;
	vm8 =	veq.s32 v40, $0x0  }
0x29a: {  	v39 =	vand.u32 v14, v41;
	v50 =	vld.idx.msk [tilespmem:v50+s10+$0x0], $0xffff;
	[tilespmem:v48+s16+$0x0] =	vst.idx.msk $0xffff, v4;
	v51 =	vsel vm8, $0xCE6E6B28, v51  }
0x29b: {  	vm8 =	veq.s32 v39, $0x0;
	v52 =	vld.idx.msk [tilespmem:v52+s10+$0x0], $0xffff;
	[tilespmem:v60+s16+$0x0] =	vst.idx.msk $0xffff, v51  }
0x29c: {  	v60 =	vsel vm8, $0xCE6E6B28, v56;
	v49 =	vld.idx.msk [tilespmem:v49+s10+$0x0], $0xffff  }
0x29d: {  	v62 =	vadd.s32 v38, v23;
	[tilespmem:v55+s16+$0x0] =	vst.idx.msk $0xffff, v60;
	v55 =	vcombine.low v35, v12;
	v12 =	vld [tilespmem:$0x1FB80];
	_ =	sdelay $0x1  }
0x29e: {  	v5 =	vld [tilespmem:$0x1FDF0];
	v40 =	vadd.s32 v30, v19  }
0x29f: {  	v47 =	vor.u32 v47, v16  }
0x2a0: {  	v51 =	vadd.s32 v26, v17;
	vm8 =	veq.s32 v63, $0x0  }
0x2a1: {  	v56 =	vld.idx.msk [tilespmem:v62+s10+$0x0], $0xffff;
	v62 =	vor.u32 v28, v0;
	v50 =	vsel vm8, $0xCE6E6B28, v50;
	v39 =	vand.u32 v12, v8  }
0x2a2: {  	[tilespmem:v61+s16+$0x0] =	vst.idx.msk $0xffff, v50;
	vm8 =	veq.s32 v39, $0x0  }
0x2a3: {  	v48 =	vld.idx.msk [tilespmem:v40+s10+$0x0], $0xffff;
	v40 =	vand.u32 v5, v45;
	v52 =	vsel vm8, $0xCE6E6B28, v52  }
0x2a4: {  	v63 =	vld [tilespmem:$0x1FBA0];
	vm8 =	veq.s32 v40, $0x0;
	[tilespmem:v47+s16+$0x0] =	vst.idx.msk $0xffff, v52  }
0x2a5: {  	v49 =	vsel vm8, $0xCE6E6B28, v49;
	v51 =	vld.idx.msk [tilespmem:v51+s10+$0x0], $0xffff  }
0x2a6: {  	[tilespmem:v62+s16+$0x0] =	vst.idx.msk $0xffff, v49;
	v62 =	vld [tilespmem:$0x1FD50];
	_ =	sdelay $0x3  }
0x2a7: {  	v60 =	vadd.s32 v13, v6;
	v50 =	vsel vm7, $0x2000000, v42;
	v39 =	vand.u32 v63, v41  }
0x2a8: {  	vm8 =	veq.s32 v39, $0x0;
	v47 =	vsel vm5, $0x4000000, v50;
	v50 =	vand.u32 v62, v18  }
0x2a9: {  	v40 =	vsel vm8, $0xCE6E6B28, v56;
	vm8 =	veq.s32 v50, $0x0;
	v50 =	vor.u32 v13, v0;
	v0 =	vld [tilespmem:$0x1FDA0]  }
0x2aa: {  	v61 =	vor.u32 v38, v46  }
0x2ab: {  	v6 =	vmovc v17;
	v17 =	vmov v19;
	v5 =	vadd.s32 v15, v23;
	v12 =	vld [tilespmem:$0x1FE00];
	v52 =	vor.u32 v30, v20  }
0x2ac: {  	v19 =	vmov v23;
	v23 =	vadd.s32 v43, v17;
	v56 =	vor.u32 v26, v16  }
0x2ad: {  	v49 =	vadd.s32 v25, v6;
	v60 =	vld.idx.msk [tilespmem:v60+s10+$0x0], $0xffff  }
0x2ae: {  	v39 =	vand.u32 v0, v8  }
0x2af: {  	v4 =	vld [tilespmem:$0x1FE30];
	[tilespmem:v61+s16+$0x0] =	vst.idx.msk $0xffff, v40;
	v48 =	vsel vm8, $0xCE6E6B28, v48;
	vm8 =	veq.s32 v39, $0x0  }
0x2b0: {  	v40 =	vand.u32 v12, v45;
	v5 =	vld.idx.msk [tilespmem:v5+s10+$0x0], $0xffff;
	[tilespmem:v52+s16+$0x0] =	vst.idx.msk $0xffff, v48;
	v39 =	vsel vm8, $0xCE6E6B28, v51  }
0x2b1: {  	v23 =	vld.idx.msk [tilespmem:v23+s10+$0x0], $0xffff;
	vm8 =	veq.s32 v40, $0x0;
	[tilespmem:v56+s16+$0x0] =	vst.idx.msk $0xffff, v39  }
0x2b2: {  	v56 =	vsel vm8, $0xCE6E6B28, v60;
	v49 =	vld.idx.msk [tilespmem:v49+s10+$0x0], $0xffff  }
0x2b3: {  	[tilespmem:v50+s16+$0x0] =	vst.idx.msk $0xffff, v56;
	v56 =	vld [tilespmem:$0x1FBD0]  }
0x2b4: {  	v4 =	vsel vm9, v4, v37;
	v47 =	vsel vm2, $0x8000000, v47  }
0x2b5: {  	v61 =	vadd.s32 v53, v19;
	v12 =	vsel vm3, $0x10000000, v47;
	v52 =	vor.u32 v15, v46  }
0x2b6: {  	v45 =	vmovc v8;
	v62 =	vor.u32 v25, v16;
	v48 =	vor.u32 v43, v20;
	v51 =	vsel vm4, $0x20000000, v12  }
0x2b7: {  	v8 =	vmovc v18;
	v18 =	vmovc v41;
	v39 =	vand.u32 v58, v41;
	v41 =	vadd.s32 v54, v17;
	v40 =	vsel vm1, $0x40000000, v51  }
0x2b8: {  	vm8 =	veq.s32 v39, $0x0;
	v4 =	vcombine.low v40, v4;
	v51 =	vand.u32 v56, v8  }
0x2b9: {  	v5 =	vsel vm8, $0xCE6E6B28, v5;
	vm8 =	veq.s32 v51, $0x0  }
0x2ba: {  	[tilespmem:v52+s16+$0x0] =	vst.idx.msk $0xffff, v5;
	v4 =	vand.u32 v4, v45;
	v23 =	vsel vm8, $0xCE6E6B28, v23  }
0x2bb: {  	v0 =	vmovc v16;
	v16 =	vmov v20;
	v20 =	vmov v46;
	v46 =	vld.idx.msk [tilespmem:v61+s10+$0x0], $0xffff;
	vm8 =	veq.s32 v4, $0x0;
	[tilespmem:v48+s16+$0x0] =	vst.idx.msk $0xffff, v23  }
0x2bc: {  	v52 =	vsel vm8, $0xCE6E6B28, v49;
	v23 =	vld.idx.msk [tilespmem:v41+s10+$0x0], $0xffff  }
0x2bd: {  	[tilespmem:v62+s16+$0x0] =	vst.idx.msk $0xffff, v52;
	v52 =	vld [tilespmem:$0x1FD10];
	_ =	sdelay $0x2  }
0x2be: {  	v5 =	vadd.s32 v55, v6  }
0x2bf: {  	v62 =	vld [tilespmem:$0x1FBE0]  }
0x2c0: {  	v4 =	vor.u32 v53, v20;
	v41 =	vor.u32 v55, v0;
	v55 =	vand.u32 v52, v18  }
0x2c1: {  	vm8 =	veq.s32 v55, $0x0;
	v55 =	vld [tilespmem:$0x1FB60]  }
0x2c2: {  	v47 =	vadd.s32 v57, v19;
	v49 =	vor.u32 v54, v16  }
0x2c3: {  	v5 =	vld.idx.msk [tilespmem:v5+s10+$0x0], $0xffff  }
0x2c4: {  	v39 =	vadd.s32 v33, v17;
	v40 =	vand.u32 v62, v8;
	v46 =	vsel vm8, $0xCE6E6B28, v46  }
0x2c5: {  	p0 =	sne.s32 s22, $0x1F0;
	v60 =	vld [tilespmem:$0x1FBB0];
	vm8 =	veq.s32 v40, $0x0;
	[tilespmem:v4+s16+$0x0] =	vst.idx.msk $0xffff, v46;
	v4 =	vadd.s32 v1, v6  }
.Ltmp1:
0x2c6: {  	v61 =	vld [tilespmem:$0x1FBC0];
	v23 =	vsel vm8, $0xCE6E6B28, v23;
	v46 =	vand.u32 v55, v45;
	(pc) =	sbr.rel @p0 .LBB2_4-.Ltmp1, $4  }
0x2c7: {  	s20 =	sadd.s32 $0x10, s20;
	v48 =	vld.idx.msk [tilespmem:v47+s10+$0x0], $0xffff;
	[tilespmem:v49+s16+$0x0] =	vst.idx.msk $0xffff, v23;
	vm8 =	veq.s32 v46, $0x0  }
0x2c8: {  	v23 =	vld [tilespmem:s20+$0x0];
	v5 =	vsel vm8, $0xCE6E6B28, v5  }
0x2c9: {  	v50 =	vadd.s32 v11, v19;
	v46 =	vld.idx.msk [tilespmem:v39+s10+$0x0], $0xffff;
	[tilespmem:v41+s16+$0x0] =	vst.idx.msk $0xffff, v5  }
0x2ca: {  	s21 =	smov.u32 s22;
	s22 =	sadd.s32 $0x10, s22;
	v51 =	vand.u32 v60, v18;
	v49 =	vor.u32 v57, v20;
	v47 =	vor.u32 v33, v16;
	v41 =	vld.idx.msk [tilespmem:v4+s10+$0x0], $0xffff  }
0x2cb: {  	_ = 	snop  }
0x2cc: {  	v12 =	vlaneseq.u32  }
0x2cd: {  	v4 =	vadd.s32 v12, v23;
	_ =	sdelay $0x1  }
0x2ce: {  	s19 =	sadd.s32 $0x10, s19  }
0x2cf: {  	v5 =	vmov s21;
	v35 =	vld [tilespmem:s19+$0x0]  }
0x2d0: {  	v5 =	vshll.u32 v5, $0x7  }
0x2d1: {  	v36 =	vor.u32 v36, v5;
	v4 =	vld.idx.msk [tilespmem:v4+s10+$0x0], $0xffff  }
0x2d2: {  	v5 =	vor.u32 v12, v36  }
0x2d3: {  	v31 =	vadd.s32 v9, v23  }
0x2d4: {  	v32 =	vand.u32 v27, v35  }
0x2d5: {  	vm8 =	veq.s32 v32, $0x0  }
0x2d6: {  	v4 =	vsel vm8, $0xCE6E6B28, v4  }
0x2d7: {  	[tilespmem:v5+s16+$0x0] =	vst.idx.msk $0xffff, v4  }
0x2d8: {  	v4 =	vld.idx.msk [tilespmem:v31+s10+$0x0], $0xffff  }
0x2d9: {  	v5 =	vor.u32 v9, v36  }
0x2da: {  	v31 =	vadd.s32 v22, v23  }
0x2db: {  	v37 =	vand.u32 v44, v35  }
0x2dc: {  	vm8 =	veq.s32 v37, $0x0  }
0x2dd: {  	v4 =	vsel vm8, $0xCE6E6B28, v4  }
0x2de: {  	[tilespmem:v5+s16+$0x0] =	vst.idx.msk $0xffff, v4  }
0x2df: {  	v4 =	vld.idx.msk [tilespmem:v31+s10+$0x0], $0xffff  }
0x2e0: {  	v5 =	vor.u32 v22, v36  }
0x2e1: {  	v31 =	vadd.s32 v10, v23  }
0x2e2: {  	v39 =	vand.u32 v34, v35  }
0x2e3: {  	vm8 =	veq.s32 v39, $0x0  }
0x2e4: {  	v4 =	vsel vm8, $0xCE6E6B28, v4  }
0x2e5: {  	[tilespmem:v5+s16+$0x0] =	vst.idx.msk $0xffff, v4  }
0x2e6: {  	v4 =	vld.idx.msk [tilespmem:v31+s10+$0x0], $0xffff  }
0x2e7: {  	v5 =	vor.u32 v10, v36  }
0x2e8: {  	v31 =	vadd.s32 v38, v23  }
0x2e9: {  	v40 =	vand.u32 v14, v35  }
0x2ea: {  	vm8 =	veq.s32 v40, $0x0  }
0x2eb: {  	v4 =	vsel vm8, $0xCE6E6B28, v4  }
0x2ec: {  	[tilespmem:v5+s16+$0x0] =	vst.idx.msk $0xffff, v4  }
0x2ed: {  	v4 =	vld.idx.msk [tilespmem:v31+s10+$0x0], $0xffff  }
0x2ee: {  	v5 =	vor.u32 v38, v36  }
0x2ef: {  	v31 =	vadd.s32 v15, v23  }
0x2f0: {  	v42 =	vand.u32 v63, v35  }
0x2f1: {  	vm8 =	veq.s32 v42, $0x0  }
0x2f2: {  	v4 =	vsel vm8, $0xCE6E6B28, v4  }
0x2f3: {  	[tilespmem:v5+s16+$0x0] =	vst.idx.msk $0xffff, v4  }
0x2f4: {  	v4 =	vld.idx.msk [tilespmem:v31+s10+$0x0], $0xffff  }
0x2f5: {  	v5 =	vor.u32 v15, v36  }
0x2f6: {  	v31 =	vadd.s32 v53, v23  }
0x2f7: {  	v44 =	vand.u32 v58, v35  }
0x2f8: {  	vm8 =	veq.s32 v44, $0x0  }
0x2f9: {  	v4 =	vsel vm8, $0xCE6E6B28, v4  }
0x2fa: {  	[tilespmem:v5+s16+$0x0] =	vst.idx.msk $0xffff, v4  }
0x2fb: {  	v4 =	vld.idx.msk [tilespmem:v31+s10+$0x0], $0xffff  }
0x2fc: {  	v5 =	vor.u32 v53, v36  }
0x2fd: {  	v31 =	vadd.s32 v57, v23  }
0x2fe: {  	v55 =	vand.u32 v52, v35  }
0x2ff: {  	vm8 =	veq.s32 v55, $0x0  }
0x300: {  	v4 =	vsel vm8, $0xCE6E6B28, v4  }
0x301: {  	[tilespmem:v5+s16+$0x0] =	vst.idx.msk $0xffff, v4  }
0x302: {  	v4 =	vld.idx.msk [tilespmem:v31+s10+$0x0], $0xffff  }
0x303: {  	v5 =	vor.u32 v57, v36;
	_ =	sdelay $0x1  }
0x304: {  	v9 =	vmovc v35;
	v35 =	vand.u32 v60, v35;
	vm8 =	veq.s32 v51, $0x0;
	v31 =	vadd.s32 v11, v23  }
0x305: {  	v58 =	vsel vm8, $0xCE6E6B28, v48;
	vm8 =	veq.s32 v35, $0x0  }
0x306: {  	[tilespmem:v49+s16+$0x0] =	vst.idx.msk $0xffff, v58;
	v4 =	vsel vm8, $0xCE6E6B28, v4  }
0x307: {  	v32 =	vld.idx.msk [tilespmem:v50+s10+$0x0], $0xffff;
	[tilespmem:v5+s16+$0x0] =	vst.idx.msk $0xffff, v4  }
0x308: {  	v39 =	vld [tilespmem:$0x1FED0]  }
0x309: {  	v22 =	vor.u32 v11, v20;
	v5 =	vld.idx.msk [tilespmem:v31+s10+$0x0], $0xffff  }
0x30a: {  	v37 =	vor.u32 v11, v36  }
0x30b: {  	v31 =	vand.u32 v61, v18  }
0x30c: {  	v42 =	vand.u32 v61, v9;
	vm8 =	veq.s32 v31, $0x0  }
0x30d: {  	v32 =	vsel vm8, $0xCE6E6B28, v32;
	vm8 =	veq.s32 v42, $0x0  }
0x30e: {  	[tilespmem:v22+s16+$0x0] =	vst.idx.msk $0xffff, v32;
	v4 =	vadd.s32 v39, v19;
	v5 =	vsel vm8, $0xCE6E6B28, v5  }
0x30f: {  	[tilespmem:v37+s16+$0x0] =	vst.idx.msk $0xffff, v5  }
0x310: {  	v31 =	vadd.s32 v39, v23;
	v50 =	vld [tilespmem:$0x1FEF0]  }
0x311: {  	v60 =	vmov v9;
	v9 =	vld [tilespmem:$0x1FEE0];
	_ =	sdelay $0x1  }
0x312: {  	v4 =	vld.idx.msk [tilespmem:v4+s10+$0x0], $0xffff  }
0x313: {  	v27 =	vor.u32 v39, v20  }
0x314: {  	v31 =	vld.idx.msk [tilespmem:v31+s10+$0x0], $0xffff;
	v5 =	vadd.s32 v50, v19  }
0x315: {  	v53 =	vor.u32 v39, v36;
	v52 =	vand.u32 v9, v18  }
0x316: {  	vm8 =	veq.s32 v52, $0x0  }
0x317: {  	v61 =	vand.u32 v9, v60;
	v4 =	vsel vm8, $0xCE6E6B28, v4  }
0x318: {  	vm8 =	veq.s32 v61, $0x0;
	[tilespmem:v27+s16+$0x0] =	vst.idx.msk $0xffff, v4  }
0x319: {  	v4 =	vld.idx.msk [tilespmem:v5+s10+$0x0], $0xffff;
	v5 =	vsel vm8, $0xCE6E6B28, v31  }
0x31a: {  	[tilespmem:v53+s16+$0x0] =	vst.idx.msk $0xffff, v5  }
0x31b: {  	v55 =	vadd.s32 v50, v23;
	v58 =	vld [tilespmem:$0x1FF10]  }
0x31c: {  	v9 =	vld [tilespmem:$0x1FD20];
	_ =	sdelay $0x2  }
0x31d: {  	v31 =	vor.u32 v50, v20  }
0x31e: {  	v63 =	vld.idx.msk [tilespmem:v55+s10+$0x0], $0xffff;
	v5 =	vadd.s32 v58, v19  }
0x31f: {  	v27 =	vor.u32 v50, v36;
	v22 =	vand.u32 v9, v18  }
0x320: {  	vm8 =	veq.s32 v22, $0x0  }
0x321: {  	v49 =	vand.u32 v9, v60;
	v4 =	vsel vm8, $0xCE6E6B28, v4  }
0x322: {  	vm8 =	veq.s32 v49, $0x0;
	[tilespmem:v31+s16+$0x0] =	vst.idx.msk $0xffff, v4  }
0x323: {  	v4 =	vld.idx.msk [tilespmem:v5+s10+$0x0], $0xffff;
	v5 =	vsel vm8, $0xCE6E6B28, v63  }
0x324: {  	[tilespmem:v27+s16+$0x0] =	vst.idx.msk $0xffff, v5  }
0x325: {  	v38 =	vadd.s32 v58, v23;
	v49 =	vld [tilespmem:$0x1FF20]  }
0x326: {  	v9 =	vld [tilespmem:$0x1FD30];
	_ =	sdelay $0x2  }
0x327: {  	v31 =	vor.u32 v58, v20  }
0x328: {  	v52 =	vld.idx.msk [tilespmem:v38+s10+$0x0], $0xffff;
	v5 =	vadd.s32 v49, v19  }
0x329: {  	v55 =	vor.u32 v58, v36;
	v53 =	vand.u32 v9, v18  }
0x32a: {  	vm8 =	veq.s32 v53, $0x0  }
0x32b: {  	v61 =	vand.u32 v9, v60;
	v4 =	vsel vm8, $0xCE6E6B28, v4  }
0x32c: {  	vm8 =	veq.s32 v61, $0x0;
	[tilespmem:v31+s16+$0x0] =	vst.idx.msk $0xffff, v4  }
0x32d: {  	v4 =	vld.idx.msk [tilespmem:v5+s10+$0x0], $0xffff;
	v5 =	vsel vm8, $0xCE6E6B28, v52  }
0x32e: {  	v57 =	vadd.s32 v49, v23;
	[tilespmem:v55+s16+$0x0] =	vst.idx.msk $0xffff, v5  }
0x32f: {  	v9 =	vld [tilespmem:$0x1FD40];
	_ =	sdelay $0x2  }
0x330: {  	v31 =	vor.u32 v49, v20  }
0x331: {  	v5 =	vadd.s32 v30, v19;
	v63 =	vld.idx.msk [tilespmem:v57+s10+$0x0], $0xffff  }
0x332: {  	v27 =	vor.u32 v49, v36;
	v22 =	vand.u32 v9, v18  }
0x333: {  	vm8 =	veq.s32 v22, $0x0  }
0x334: {  	v48 =	vand.u32 v9, v60;
	v4 =	vsel vm8, $0xCE6E6B28, v4  }
0x335: {  	vm8 =	veq.s32 v48, $0x0;
	[tilespmem:v31+s16+$0x0] =	vst.idx.msk $0xffff, v4  }
0x336: {  	v4 =	vld.idx.msk [tilespmem:v5+s10+$0x0], $0xffff;
	v5 =	vsel vm8, $0xCE6E6B28, v63  }
0x337: {  	[tilespmem:v27+s16+$0x0] =	vst.idx.msk $0xffff, v5  }
0x338: {  	v38 =	vadd.s32 v30, v23;
	v9 =	vld [tilespmem:$0x1FD50];
	_ =	sdelay $0x2  }
0x339: {  	v31 =	vor.u32 v30, v20  }
0x33a: {  	v5 =	vadd.s32 v43, v19  }
0x33b: {  	v52 =	vld.idx.msk [tilespmem:v38+s10+$0x0], $0xffff;
	v53 =	vand.u32 v9, v18  }
0x33c: {  	v55 =	vor.u32 v30, v36;
	vm8 =	veq.s32 v53, $0x0  }
0x33d: {  	v4 =	vsel vm8, $0xCE6E6B28, v4  }
0x33e: {  	v61 =	vand.u32 v9, v60;
	[tilespmem:v31+s16+$0x0] =	vst.idx.msk $0xffff, v4  }
0x33f: {  	vm8 =	veq.s32 v61, $0x0;
	v4 =	vld.idx.msk [tilespmem:v5+s10+$0x0], $0xffff  }
0x340: {  	v57 =	vadd.s32 v43, v23;
	v31 =	vor.u32 v43, v20;
	v5 =	vsel vm8, $0xCE6E6B28, v52  }
0x341: {  	[tilespmem:v55+s16+$0x0] =	vst.idx.msk $0xffff, v5;
	v5 =	vadd.s32 v54, v19  }
0x342: {  	v22 =	vand.u32 v56, v18  }
0x343: {  	vm8 =	veq.s32 v22, $0x0  }
0x344: {  	v4 =	vsel vm8, $0xCE6E6B28, v4  }
0x345: {  	v63 =	vld.idx.msk [tilespmem:v57+s10+$0x0], $0xffff;
	[tilespmem:v31+s16+$0x0] =	vst.idx.msk $0xffff, v4  }
0x346: {  	v27 =	vor.u32 v43, v36;
	v4 =	vld.idx.msk [tilespmem:v5+s10+$0x0], $0xffff  }
0x347: {  	v31 =	vor.u32 v54, v20  }
0x348: {  	v48 =	vand.u32 v56, v60  }
0x349: {  	v38 =	vadd.s32 v54, v23;
	v53 =	vand.u32 v62, v18;
	vm8 =	veq.s32 v48, $0x0  }
0x34a: {  	v5 =	vsel vm8, $0xCE6E6B28, v63;
	vm8 =	veq.s32 v53, $0x0  }
0x34b: {  	[tilespmem:v27+s16+$0x0] =	vst.idx.msk $0xffff, v5;
	v4 =	vsel vm8, $0xCE6E6B28, v4  }
0x34c: {  	v9 =	vld [tilespmem:$0x1FF30];
	[tilespmem:v31+s16+$0x0] =	vst.idx.msk $0xffff, v4  }
0x34d: {  	v57 =	vand.u32 v62, v60;
	v5 =	vadd.s32 v33, v19;
	v62 =	vld [tilespmem:$0x1FD60]  }
0x34e: {  	v52 =	vld.idx.msk [tilespmem:v38+s10+$0x0], $0xffff  }
0x34f: {  	v55 =	vor.u32 v54, v36;
	_ =	sdelay $0x2  }
0x350: {  	vm8 =	veq.s32 v57, $0x0;
	v5 =	vld.idx.msk [tilespmem:v5+s10+$0x0], $0xffff;
	v4 =	vand.u32 v62, v8  }
0x351: {  	v31 =	vsel vm8, $0xCE6E6B28, v52;
	vm8 =	veq.s32 v4, $0x0;
	v4 =	vor.u32 v33, v20  }
0x352: {  	[tilespmem:v55+s16+$0x0] =	vst.idx.msk $0xffff, v31;
	v31 =	vsel vm8, $0xCE6E6B28, v46  }
0x353: {  	v56 =	vadd.s32 v33, v23;
	[tilespmem:v47+s16+$0x0] =	vst.idx.msk $0xffff, v31;
	v31 =	vand.u32 v62, v18  }
0x354: {  	v61 =	vadd.s32 v9, v17;
	vm8 =	veq.s32 v31, $0x0  }
0x355: {  	v5 =	vsel vm8, $0xCE6E6B28, v5  }
0x356: {  	[tilespmem:v4+s16+$0x0] =	vst.idx.msk $0xffff, v5  }
0x357: {  	v40 =	vmov v30;
	v63 =	vadd.s32 v9, v19;
	v30 =	vld [tilespmem:$0x1FD70]  }
0x358: {  	v35 =	vld.idx.msk [tilespmem:v56+s10+$0x0], $0xffff  }
0x359: {  	v22 =	vor.u32 v33, v36;
	v27 =	vld.idx.msk [tilespmem:v61+s10+$0x0], $0xffff  }
0x35a: {  	v38 =	vor.u32 v9, v16;
	v31 =	vadd.s32 v9, v23  }
0x35b: {  	v53 =	vadd.s32 v24, v17;
	v52 =	vand.u32 v62, v60  }
0x35c: {  	vm8 =	veq.s32 v52, $0x0;
	v5 =	vld.idx.msk [tilespmem:v63+s10+$0x0], $0xffff;
	v4 =	vand.u32 v30, v8  }
0x35d: {  	v55 =	vsel vm8, $0xCE6E6B28, v35;
	vm8 =	veq.s32 v4, $0x0;
	v4 =	vor.u32 v9, v20  }
0x35e: {  	[tilespmem:v22+s16+$0x0] =	vst.idx.msk $0xffff, v55;
	v56 =	vsel vm8, $0xCE6E6B28, v27  }
0x35f: {  	v31 =	vld.idx.msk [tilespmem:v31+s10+$0x0], $0xffff;
	v61 =	vand.u32 v30, v18;
	[tilespmem:v38+s16+$0x0] =	vst.idx.msk $0xffff, v56  }
0x360: {  	vm8 =	veq.s32 v61, $0x0;
	v63 =	vld.idx.msk [tilespmem:v53+s10+$0x0], $0xffff  }
0x361: {  	v5 =	vsel vm8, $0xCE6E6B28, v5;
	v10 =	vld [tilespmem:$0x1FD90]  }
0x362: {  	v15 =	vld [tilespmem:$0x1FB70];
	[tilespmem:v4+s16+$0x0] =	vst.idx.msk $0xffff, v5  }
0x363: {  	v57 =	vadd.s32 v24, v19;
	v53 =	vld [tilespmem:$0x1FD80]  }
0x364: {  	v62 =	vor.u32 v9, v36;
	_ =	sdelay $0x1  }
0x365: {  	v52 =	vand.u32 v30, v60;
	v27 =	vor.u32 v24, v16  }
0x366: {  	vm8 =	veq.s32 v52, $0x0  }
0x367: {  	v5 =	vsel vm8, $0xCE6E6B28, v31;
	v35 =	vld.idx.msk [tilespmem:v57+s10+$0x0], $0xffff;
	v31 =	vand.u32 v53, v8  }
0x368: {  	[tilespmem:v62+s16+$0x0] =	vst.idx.msk $0xffff, v5;
	v5 =	vor.u32 v24, v20;
	vm8 =	veq.s32 v31, $0x0  }
0x369: {  	v46 =	vcombine.low v10, v15;
	v31 =	vsel vm8, $0xCE6E6B28, v63  }
0x36a: {  	v22 =	vadd.s32 v24, v23;
	[tilespmem:v27+s16+$0x0] =	vst.idx.msk $0xffff, v31;
	v31 =	vand.u32 v53, v18  }
0x36b: {  	v4 =	vadd.s32 v46, v17;
	vm8 =	veq.s32 v31, $0x0  }
0x36c: {  	v35 =	vsel vm8, $0xCE6E6B28, v35  }
0x36d: {  	v55 =	vadd.s32 v46, v19;
	[tilespmem:v5+s16+$0x0] =	vst.idx.msk $0xffff, v35  }
0x36e: {  	v10 =	vld [tilespmem:$0x1FB10]  }
0x36f: {  	v32 =	vld.idx.msk [tilespmem:v22+s10+$0x0], $0xffff  }
0x370: {  	v56 =	vor.u32 v24, v36;
	v4 =	vld.idx.msk [tilespmem:v4+s10+$0x0], $0xffff  }
0x371: {  	v61 =	vor.u32 v46, v16;
	v31 =	vadd.s32 v46, v23  }
0x372: {  	v57 =	vand.u32 v53, v60;
	v37 =	vld.idx.msk [tilespmem:v55+s10+$0x0], $0xffff  }
0x373: {  	v63 =	vor.u32 v46, v20;
	vm8 =	veq.s32 v57, $0x0;
	v62 =	vand.u32 v10, v8  }
0x374: {  	v32 =	vsel vm8, $0xCE6E6B28, v32;
	vm8 =	veq.s32 v62, $0x0  }
0x375: {  	[tilespmem:v56+s16+$0x0] =	vst.idx.msk $0xffff, v32;
	v33 =	vand.u32 v10, v18;
	v4 =	vsel vm8, $0xCE6E6B28, v4  }
0x376: {  	v31 =	vld.idx.msk [tilespmem:v31+s10+$0x0], $0xffff;
	vm8 =	veq.s32 v33, $0x0;
	[tilespmem:v61+s16+$0x0] =	vst.idx.msk $0xffff, v4  }
0x377: {  	v51 =	vmov v11;
	v46 =	vor.u32 v46, v36;
	v37 =	vsel vm8, $0xCE6E6B28, v37;
	v11 =	vld [tilespmem:$0x1FB20]  }
0x378: {  	v34 =	vand.u32 v10, v60;
	v10 =	vld [tilespmem:$0x1FB30];
	[tilespmem:v63+s16+$0x0] =	vst.idx.msk $0xffff, v37  }
0x379: {  	v5 =	vadd.s32 v59, v17;
	v32 =	vld [tilespmem:$0x1FBF0]  }
0x37a: {  	vm8 =	veq.s32 v34, $0x0;
	v37 =	vld [tilespmem:$0x1FC00]  }
0x37b: {  	v31 =	vsel vm8, $0xCE6E6B28, v31;
	v56 =	vld [tilespmem:$0x1FE80]  }
0x37c: {  	v22 =	vadd.s32 v59, v19;
	v53 =	vand.u32 v11, v8;
	v11 =	vld [tilespmem:$0x1FE20];
	[tilespmem:v46+s16+$0x0] =	vst.idx.msk $0xffff, v31  }
0x37d: {  	v47 =	vimm.s32 $0x10000000;
	v57 =	vld [tilespmem:$0x1FE10]  }
0x37e: {  	v48 =	vsel vm15, $0x20000000, v47;
	v5 =	vld.idx.msk [tilespmem:v5+s10+$0x0], $0xffff  }
0x37f: {  	v42 =	vsel vm7, $0x40000000, v48;
	v24 =	vor.u32 v59, v16  }
0x380: {  	v55 =	vsel vm5, $0x80000000, v42  }
0x381: {  	v35 =	vld.idx.msk [tilespmem:v22+s10+$0x0], $0xffff;
	v32 =	vsel vm0, v37, v32;
	v37 =	vsel vm0, v56, v55  }
0x382: {  	v31 =	vor.u32 v59, v20;
	vm8 =	veq.s32 v53, $0x0;
	v37 =	vcombine.low v57, v37  }
0x383: {  	v5 =	vsel vm8, $0xCE6E6B28, v5  }
0x384: {  	v4 =	vadd.s32 v59, v23;
	[tilespmem:v24+s16+$0x0] =	vst.idx.msk $0xffff, v5;
	v5 =	vand.u32 v37, v18  }
0x385: {  	v52 =	vadd.s32 v10, v17;
	vm8 =	veq.s32 v5, $0x0  }
0x386: {  	v35 =	vsel vm8, $0xCE6E6B28, v35  }
0x387: {  	[tilespmem:v31+s16+$0x0] =	vst.idx.msk $0xffff, v35  }
0x388: {  	v61 =	vld [tilespmem:$0x1FB80]  }
0x389: {  	v14 =	vmov v36;
	v4 =	vld.idx.msk [tilespmem:v4+s10+$0x0], $0xffff;
	v32 =	vcombine.low v32, v11  }
0x38a: {  	v48 =	vor.u32 v59, v14;
	v27 =	vld.idx.msk [tilespmem:v52+s10+$0x0], $0xffff  }
0x38b: {  	v57 =	vor.u32 v10, v16;
	v22 =	vadd.s32 v32, v19  }
0x38c: {  	v5 =	vand.u32 v37, v60  }
0x38d: {  	vm8 =	veq.s32 v5, $0x0;
	v31 =	vand.u32 v61, v8  }
0x38e: {  	v4 =	vsel vm8, $0xCE6E6B28, v4;
	vm8 =	veq.s32 v31, $0x0  }
0x38f: {  	v56 =	vadd.s32 v32, v23;
	[tilespmem:v48+s16+$0x0] =	vst.idx.msk $0xffff, v4;
	v27 =	vsel vm8, $0xCE6E6B28, v27  }
0x390: {  	v35 =	vld.idx.msk [tilespmem:v22+s10+$0x0], $0xffff;
	[tilespmem:v57+s16+$0x0] =	vst.idx.msk $0xffff, v27  }
0x391: {  	v4 =	vor.u32 v32, v20;
	v38 =	vld [tilespmem:$0x1FE50]  }
0x392: {  	v10 =	vld [tilespmem:$0x1FB00]  }
0x393: {  	v62 =	vand.u32 v61, v18  }
0x394: {  	v5 =	vadd.s32 v26, v17;
	v24 =	vld.idx.msk [tilespmem:v56+s10+$0x0], $0xffff;
	vm8 =	veq.s32 v62, $0x0  }
0x395: {  	v32 =	vor.u32 v32, v14;
	v31 =	vadd.s32 v26, v19;
	v35 =	vsel vm8, $0xCE6E6B28, v35  }
0x396: {  	v63 =	vadd.s32 v26, v23;
	v56 =	vld [tilespmem:$0x1FEC0];
	[tilespmem:v4+s16+$0x0] =	vst.idx.msk $0xffff, v35  }
0x397: {  	v48 =	vand.u32 v61, v60;
	v22 =	vcombine.low v10, v38;
	v10 =	vld [tilespmem:$0x1FDA0]  }
0x398: {  	vm8 =	veq.s32 v48, $0x0  }
0x399: {  	v5 =	vld.idx.msk [tilespmem:v5+s10+$0x0], $0xffff;
	v4 =	vsel vm8, $0xCE6E6B28, v24  }
0x39a: {  	v52 =	vor.u32 v26, v16;
	v31 =	vld.idx.msk [tilespmem:v31+s10+$0x0], $0xffff;
	[tilespmem:v32+s16+$0x0] =	vst.idx.msk $0xffff, v4  }
0x39b: {  	v53 =	vadd.s32 v25, v17;
	v57 =	vor.u32 v26, v20;
	v61 =	vld.idx.msk [tilespmem:v63+s10+$0x0], $0xffff  }
0x39c: {  	v62 =	vor.u32 v26, v14;
	v55 =	vand.u32 v10, v8  }
0x39d: {  	v63 =	vadd.s32 v25, v19;
	v36 =	vand.u32 v10, v18;
	vm8 =	veq.s32 v55, $0x0  }
0x39e: {  	v38 =	vand.u32 v10, v60;
	v5 =	vsel vm8, $0xCE6E6B28, v5;
	vm8 =	veq.s32 v36, $0x0  }
0x39f: {  	[tilespmem:v52+s16+$0x0] =	vst.idx.msk $0xffff, v5;
	v5 =	vsel vm8, $0xCE6E6B28, v31;
	vm8 =	veq.s32 v38, $0x0  }
0x3a0: {  	v4 =	vimm.s32 $0x800000;
	[tilespmem:v57+s16+$0x0] =	vst.idx.msk $0xffff, v5;
	v46 =	vsel vm8, $0xCE6E6B28, v61;
	v24 =	vld.idx.msk [tilespmem:v53+s10+$0x0], $0xffff  }
0x3a1: {  	v4 =	vsel vm15, $0x1000000, v4;
	v47 =	vld [tilespmem:$0x1FCF0];
	[tilespmem:v62+s16+$0x0] =	vst.idx.msk $0xffff, v46  }
0x3a2: {  	v4 =	vsel vm7, $0x2000000, v4;
	v52 =	vld [tilespmem:$0x1FE30]  }
0x3a3: {  	v4 =	vsel vm5, $0x4000000, v4;
	v61 =	vld.idx.msk [tilespmem:v63+s10+$0x0], $0xffff  }
0x3a4: {  	v4 =	vsel vm2, $0x8000000, v4;
	v31 =	vadd.s32 v25, v23;
	v11 =	vld [tilespmem:$0x1FB40]  }
0x3a5: {  	v4 =	vsel vm3, $0x10000000, v4;
	v26 =	vld [tilespmem:$0x1FC80]  }
0x3a6: {  	v4 =	vsel vm4, $0x20000000, v4;
	v32 =	vld [tilespmem:$0x1FC90];
	v48 =	vnsel vm6, $0x80000000, v47  }
0x3a7: {  	v4 =	vsel vm1, $0x40000000, v4;
	v5 =	vor.u32 v25, v16;
	v55 =	vld [tilespmem:$0x1FE40];
	v53 =	vsel vm9, v52, v48  }
0x3a8: {  	v44 =	vor.u32 v25, v14;
	v63 =	vor.u32 v25, v20;
	v12 =	vld [tilespmem:$0x1FB50];
	v4 =	vcombine.low v4, v53  }
0x3a9: {  	v42 =	vor.u32 v1, v0;
	v27 =	vand.u32 v56, v45;
	v31 =	vld.idx.msk [tilespmem:v31+s10+$0x0], $0xffff;
	v34 =	vand.u32 v11, v8  }
0x3aa: {  	vm8 =	veq.s32 v27, $0x0;
	vm10 =	veq.s32 v34, $0x0;
	v38 =	vand.u32 v4, v18  }
0x3ab: {  	v26 =	vsel vm0, v26, v32;
	v24 =	vsel vm10, $0xCE6E6B28, v24;
	vm10 =	veq.s32 v38, $0x0  }
0x3ac: {  	v26 =	vcombine.low v26, v55;
	[tilespmem:v5+s16+$0x0] =	vst.idx.msk $0xffff, v24;
	v4 =	vand.u32 v4, v60;
	v5 =	vsel vm10, $0xCE6E6B28, v61  }
0x3ad: {  	v62 =	vadd.s32 v12, v17;
	[tilespmem:v63+s16+$0x0] =	vst.idx.msk $0xffff, v5;
	v5 =	vsel vm8, $0xCE6E6B28, v41;
	vm8 =	veq.s32 v4, $0x0  }
0x3ae: {  	v36 =	vadd.s32 v26, v19;
	v11 =	vld [tilespmem:$0x1FE60];
	[tilespmem:v42+s16+$0x0] =	vst.idx.msk $0xffff, v5;
	v31 =	vsel vm8, $0xCE6E6B28, v31  }
0x3af: {  	[tilespmem:v44+s16+$0x0] =	vst.idx.msk $0xffff, v31  }
0x3b0: {  	v4 =	vor.u32 v12, v16;
	v12 =	vld [tilespmem:$0x1FB60];
	_ =	sdelay $0x1  }
0x3b1: {  	v52 =	vld.idx.msk [tilespmem:v62+s10+$0x0], $0xffff  }
0x3b2: {  	v5 =	vld.idx.msk [tilespmem:v36+s10+$0x0], $0xffff  }
0x3b3: {  	v47 =	vadd.s32 v26, v23;
	v55 =	vor.u32 v26, v20  }
0x3b4: {  	v31 =	vand.u32 v12, v8  }
0x3b5: {  	vm8 =	veq.s32 v31, $0x0;
	v31 =	vand.u32 v12, v18  }
0x3b6: {  	v53 =	vadd.s32 v1, v17;
	v32 =	vsel vm8, $0xCE6E6B28, v52;
	vm8 =	veq.s32 v31, $0x0  }
0x3b7: {  	v61 =	vadd.s32 v1, v19;
	[tilespmem:v4+s16+$0x0] =	vst.idx.msk $0xffff, v32;
	v4 =	vsel vm8, $0xCE6E6B28, v5  }
0x3b8: {  	v48 =	vadd.s32 v22, v6;
	v27 =	vld.idx.msk [tilespmem:v47+s10+$0x0], $0xffff;
	[tilespmem:v55+s16+$0x0] =	vst.idx.msk $0xffff, v4  }
0x3b9: {  	v46 =	vld [tilespmem:$0x1FDB0];
	_ =	sdelay $0x1  }
0x3ba: {  	v26 =	vor.u32 v26, v14;
	v12 =	vand.u32 v12, v60;
	v32 =	vld.idx.msk [tilespmem:v53+s10+$0x0], $0xffff  }
0x3bb: {  	vm8 =	veq.s32 v12, $0x0;
	v12 =	vld.idx.msk [tilespmem:v61+s10+$0x0], $0xffff  }
0x3bc: {  	v57 =	vor.u32 v22, v0;
	v63 =	vor.u32 v1, v20;
	v24 =	vld.idx.msk [tilespmem:v48+s10+$0x0], $0xffff;
	v44 =	vand.u32 v56, v8  }
0x3bd: {  	v48 =	vand.u32 v56, v18;
	v27 =	vsel vm8, $0xCE6E6B28, v27;
	v4 =	vand.u32 v46, v45  }
0x3be: {  	vm8 =	veq.s32 v44, $0x0;
	vm10 =	veq.s32 v4, $0x0;
	v4 =	vor.u32 v1, v16  }
0x3bf: {  	v21 =	vcombine.low v21, v11;
	[tilespmem:v26+s16+$0x0] =	vst.idx.msk $0xffff, v27;
	v26 =	vsel vm8, $0xCE6E6B28, v32;
	vm8 =	veq.s32 v48, $0x0  }
0x3c0: {  	v31 =	vadd.s32 v1, v23;
	v55 =	vsel vm8, $0xCE6E6B28, v12  }
0x3c1: {  	v5 =	vadd.s32 v21, v6;
	[tilespmem:v63+s16+$0x0] =	vst.idx.msk $0xffff, v55;
	v24 =	vsel vm10, $0xCE6E6B28, v24  }
0x3c2: {  	[tilespmem:v57+s16+$0x0] =	vst.idx.msk $0xffff, v24  }
0x3c3: {  	v62 =	vadd.s32 v22, v17;
	[tilespmem:v4+s16+$0x0] =	vst.idx.msk $0xffff, v26  }
0x3c4: {  	v47 =	vadd.s32 v22, v19;
	v37 =	vld [tilespmem:$0x1FDC0]  }
0x3c5: {  	v31 =	vld.idx.msk [tilespmem:v31+s10+$0x0], $0xffff  }
0x3c6: {  	v52 =	vor.u32 v1, v14;
	v5 =	vld.idx.msk [tilespmem:v5+s10+$0x0], $0xffff  }
0x3c7: {  	v21 =	vor.u32 v21, v0  }
0x3c8: {  	v53 =	vadd.s32 v22, v23;
	v12 =	vand.u32 v56, v60;
	v57 =	vld.idx.msk [tilespmem:v62+s10+$0x0], $0xffff  }
0x3c9: {  	vm8 =	veq.s32 v12, $0x0;
	v12 =	vor.u32 v22, v16;
	v27 =	vld.idx.msk [tilespmem:v47+s10+$0x0], $0xffff;
	v61 =	vand.u32 v37, v45  }
0x3ca: {  	v63 =	vor.u32 v22, v20;
	v31 =	vsel vm8, $0xCE6E6B28, v31;
	vm8 =	veq.s32 v61, $0x0  }
0x3cb: {  	[tilespmem:v52+s16+$0x0] =	vst.idx.msk $0xffff, v31;
	v31 =	vand.u32 v46, v8;
	v5 =	vsel vm8, $0xCE6E6B28, v5  }
0x3cc: {  	v41 =	vcombine.low v15, v11;
	vm8 =	veq.s32 v31, $0x0;
	[tilespmem:v21+s16+$0x0] =	vst.idx.msk $0xffff, v5;
	v5 =	vand.u32 v46, v18  }
0x3cd: {  	v4 =	vadd.s32 v7, v6;
	v42 =	vsel vm8, $0xCE6E6B28, v57;
	vm8 =	veq.s32 v5, $0x0  }
0x3ce: {  	v62 =	vadd.s32 v41, v17;
	v24 =	vld.idx.msk [tilespmem:v53+s10+$0x0], $0xffff;
	[tilespmem:v12+s16+$0x0] =	vst.idx.msk $0xffff, v42;
	v44 =	vsel vm8, $0xCE6E6B28, v27  }
0x3cf: {  	v38 =	vor.u32 v22, v14;
	v36 =	vadd.s32 v41, v19;
	[tilespmem:v63+s16+$0x0] =	vst.idx.msk $0xffff, v44  }
0x3d0: {  	v5 =	vadd.s32 v41, v23;
	v42 =	vld [tilespmem:$0x1FDD0]  }
0x3d1: {  	v46 =	vand.u32 v46, v60  }
0x3d2: {  	v4 =	vld.idx.msk [tilespmem:v4+s10+$0x0], $0xffff;
	vm8 =	veq.s32 v46, $0x0  }
0x3d3: {  	v31 =	vor.u32 v7, v0;
	v26 =	vld.idx.msk [tilespmem:v62+s10+$0x0], $0xffff;
	v24 =	vsel vm8, $0xCE6E6B28, v24  }
0x3d4: {  	v48 =	vor.u32 v41, v16;
	v55 =	vor.u32 v41, v20;
	v52 =	vld.idx.msk [tilespmem:v36+s10+$0x0], $0xffff;
	[tilespmem:v38+s16+$0x0] =	vst.idx.msk $0xffff, v24  }
0x3d5: {  	v53 =	vadd.s32 v7, v17;
	v56 =	vand.u32 v37, v8;
	v5 =	vld.idx.msk [tilespmem:v5+s10+$0x0], $0xffff;
	v47 =	vand.u32 v42, v45  }
0x3d6: {  	v61 =	vand.u32 v37, v18;
	v62 =	vor.u32 v41, v14;
	vm8 =	veq.s32 v47, $0x0  }
0x3d7: {  	v57 =	vadd.s32 v7, v19;
	v4 =	vsel vm8, $0xCE6E6B28, v4;
	vm8 =	veq.s32 v56, $0x0  }
0x3d8: {  	v36 =	vand.u32 v37, v60;
	[tilespmem:v31+s16+$0x0] =	vst.idx.msk $0xffff, v4;
	v4 =	vsel vm8, $0xCE6E6B28, v26;
	vm8 =	veq.s32 v61, $0x0  }
0x3d9: {  	v12 =	vadd.s32 v29, v6;
	[tilespmem:v48+s16+$0x0] =	vst.idx.msk $0xffff, v4;
	v4 =	vsel vm8, $0xCE6E6B28, v52;
	vm8 =	veq.s32 v36, $0x0  }
0x3da: {  	[tilespmem:v55+s16+$0x0] =	vst.idx.msk $0xffff, v4;
	v5 =	vsel vm8, $0xCE6E6B28, v5  }
0x3db: {  	v22 =	vld.idx.msk [tilespmem:v53+s10+$0x0], $0xffff;
	[tilespmem:v62+s16+$0x0] =	vst.idx.msk $0xffff, v5  }
0x3dc: {  	v55 =	vld [tilespmem:$0x1FDE0]  }
0x3dd: {  	v63 =	vadd.s32 v7, v23;
	v37 =	vor.u32 v7, v16;
	v24 =	vld.idx.msk [tilespmem:v57+s10+$0x0], $0xffff  }
0x3de: {  	v41 =	vadd.s32 v29, v17;
	v38 =	vld.idx.msk [tilespmem:v12+s10+$0x0], $0xffff;
	v12 =	vor.u32 v7, v20  }
0x3df: {  	v44 =	vand.u32 v42, v8;
	v31 =	vadd.s32 v29, v19;
	v4 =	vor.u32 v29, v0  }
0x3e0: {  	v46 =	vand.u32 v42, v18;
	vm8 =	veq.s32 v44, $0x0  }
0x3e1: {  	v22 =	vsel vm8, $0xCE6E6B28, v22;
	vm8 =	veq.s32 v46, $0x0;
	v5 =	vand.u32 v55, v45  }
0x3e2: {  	v21 =	vld.idx.msk [tilespmem:v63+s10+$0x0], $0xffff;
	[tilespmem:v37+s16+$0x0] =	vst.idx.msk $0xffff, v22;
	vm10 =	veq.s32 v5, $0x0;
	v5 =	vsel vm8, $0xCE6E6B28, v24  }
0x3e3: {  	v47 =	vor.u32 v7, v14;
	v57 =	vld.idx.msk [tilespmem:v41+s10+$0x0], $0xffff;
	v56 =	vsel vm10, $0xCE6E6B28, v38;
	[tilespmem:v12+s16+$0x0] =	vst.idx.msk $0xffff, v5  }
0x3e4: {  	v61 =	vor.u32 v29, v16;
	[tilespmem:v4+s16+$0x0] =	vst.idx.msk $0xffff, v56;
	v4 =	vld.idx.msk [tilespmem:v31+s10+$0x0], $0xffff  }
0x3e5: {  	v48 =	vadd.s32 v29, v23;
	v52 =	vand.u32 v42, v60;
	v63 =	vor.u32 v29, v20  }
0x3e6: {  	v62 =	vand.u32 v55, v8;
	vm8 =	veq.s32 v52, $0x0  }
0x3e7: {  	v37 =	vand.u32 v55, v18;
	v5 =	vsel vm8, $0xCE6E6B28, v21;
	vm8 =	veq.s32 v62, $0x0  }
0x3e8: {  	vm10 =	veq.s32 v37, $0x0;
	[tilespmem:v47+s16+$0x0] =	vst.idx.msk $0xffff, v5;
	v26 =	vsel vm8, $0xCE6E6B28, v57  }
0x3e9: {  	[tilespmem:v61+s16+$0x0] =	vst.idx.msk $0xffff, v26;
	v4 =	vsel vm10, $0xCE6E6B28, v4  }
0x3ea: {  	v53 =	vadd.s32 v28, v6;
	v36 =	vld.idx.msk [tilespmem:v48+s10+$0x0], $0xffff;
	[tilespmem:v63+s16+$0x0] =	vst.idx.msk $0xffff, v4  }
0x3eb: {  	v5 =	vadd.s32 v28, v17;
	v44 =	vld [tilespmem:$0x1FDF0]  }
0x3ec: {  	v12 =	vadd.s32 v28, v19;
	v31 =	vor.u32 v29, v14  }
0x3ed: {  	v38 =	vadd.s32 v28, v23  }
0x3ee: {  	v41 =	vand.u32 v55, v60  }
0x3ef: {  	v24 =	vld.idx.msk [tilespmem:v53+s10+$0x0], $0xffff;
	vm8 =	veq.s32 v41, $0x0  }
0x3f0: {  	v42 =	vor.u32 v28, v0;
	v5 =	vld.idx.msk [tilespmem:v5+s10+$0x0], $0xffff;
	v46 =	vsel vm8, $0xCE6E6B28, v36;
	v4 =	vand.u32 v44, v45  }
0x3f1: {  	v47 =	vld.idx.msk [tilespmem:v12+s10+$0x0], $0xffff;
	[tilespmem:v31+s16+$0x0] =	vst.idx.msk $0xffff, v46;
	vm8 =	veq.s32 v4, $0x0;
	v4 =	vor.u32 v28, v16  }
0x3f2: {  	v48 =	vor.u32 v28, v20;
	v22 =	vld.idx.msk [tilespmem:v38+s10+$0x0], $0xffff  }
0x3f3: {  	v12 =	vor.u32 v28, v14;
	v52 =	vand.u32 v44, v8  }
0x3f4: {  	v55 =	vand.u32 v44, v18;
	v24 =	vsel vm8, $0xCE6E6B28, v24;
	vm8 =	veq.s32 v52, $0x0  }
0x3f5: {  	v57 =	vand.u32 v44, v60;
	[tilespmem:v42+s16+$0x0] =	vst.idx.msk $0xffff, v24;
	v5 =	vsel vm8, $0xCE6E6B28, v5;
	vm8 =	veq.s32 v55, $0x0  }
0x3f6: {  	v6 =	vadd.s32 v13, v6;
	vm10 =	veq.s32 v57, $0x0;
	[tilespmem:v4+s16+$0x0] =	vst.idx.msk $0xffff, v5;
	v4 =	vsel vm8, $0xCE6E6B28, v47  }
0x3f7: {  	v17 =	vadd.s32 v13, v17;
	[tilespmem:v48+s16+$0x0] =	vst.idx.msk $0xffff, v4;
	v4 =	vsel vm10, $0xCE6E6B28, v22  }
0x3f8: {  	v53 =	vadd.s32 v13, v19;
	[tilespmem:v12+s16+$0x0] =	vst.idx.msk $0xffff, v4  }
0x3f9: {  	v56 =	vadd.s32 v13, v23;
	v61 =	vld [tilespmem:$0x1FE00];
	_ =	sdelay $0x1  }
0x3fa: {  	v5 =	vld.idx.msk [tilespmem:v6+s10+$0x0], $0xffff  }
0x3fb: {  	v0 =	vor.u32 v13, v0;
	v6 =	vld.idx.msk [tilespmem:v17+s10+$0x0], $0xffff  }
0x3fc: {  	v4 =	vor.u32 v13, v16;
	v16 =	vld.idx.msk [tilespmem:v53+s10+$0x0], $0xffff  }
0x3fd: {  	v62 =	vor.u32 v13, v20;
	v63 =	vld.idx.msk [tilespmem:v56+s10+$0x0], $0xffff;
	v17 =	vand.u32 v61, v45  }
0x3fe: {  	v8 =	vand.u32 v61, v8;
	vm8 =	veq.s32 v17, $0x0;
	v17 =	vor.u32 v13, v14  }
0x3ff: {  	vm10 =	veq.s32 v8, $0x0;
	v8 =	vand.u32 v61, v18;
	v5 =	vsel vm8, $0xCE6E6B28, v5  }
0x400: {  	vm8 =	veq.s32 v8, $0x0;
	[tilespmem:v0+s16+$0x0] =	vst.idx.msk $0xffff, v5;
	v0 =	vsel vm10, $0xCE6E6B28, v6;
	v5 =	vand.u32 v61, v60  }
0x401: {  	[tilespmem:v4+s16+$0x0] =	vst.idx.msk $0xffff, v0;
	vm10 =	veq.s32 v5, $0x0;
	v0 =	vsel vm8, $0xCE6E6B28, v16  }
0x402: {  	[tilespmem:v62+s16+$0x0] =	vst.idx.msk $0xffff, v0;
	v0 =	vsel vm10, $0xCE6E6B28, v63  }
0x403: {  	[tilespmem:v17+s16+$0x0] =	vst.idx.msk $0xffff, v0  }
0x404: {  	_ =	strace $0x9000004B  }
0x405: {  	_ =	strace $0x8000004C  }
0x406: {  	[hbm4b:s7+s2] =	stream.linear.scatter [tilespmem:s16], [sflag:$0x3], $0x10000, $0x200038;
	[tilespmem:$0x19A80] =	vst v63  }
0x407: {  	_ =	swait.ge [sflag:s12], $0x10000  }
0x408: {  	[sflag:s12] =	ssyncset.done $0x0  }
0x409: {  	[sflag:s12] =	ssyncadd.s32 $0xFFFF0000  }
0x40a: {  	[hbm4b:s8+s2] =	stream.linear.scatter [tilespmem:s17], [sflag:$0x3], $0x200, $0x200038;
	[tilespmem:$0x19A80] =	vst v63  }
0x40b: {  	_ =	swait.ge [sflag:s12], $0x200  }
0x40c: {  	[sflag:s12] =	ssyncset.done $0x0  }
0x40d: {  	[sflag:s12] =	ssyncadd.s32 $0xFFFFFE00  }
0x40e: {  	_ =	strace $0x9000004C  }
0x40f: {  	v15 =	vld [tilespmem:$0x1FF60]  }
0x410: {  	v31 =	vld [tilespmem:$0x1FF80]  }
0x411: {  	v60 =	vld [tilespmem:$0x1FFA0]  }
0x412: {  	v61 =	vld [tilespmem:$0x1FFC0]  }
0x413: {  	v62 =	vld [tilespmem:$0x1FFF0]  }
0x414: {  	v56 =	vld [tilespmem:$0x1FEE0]  }
0x415: {  	s18 =	sadd.s32 $0x1, s18;
	v63 =	vld [tilespmem:$0x1FF40]  }
0x416: {  	p0 =	sne.s32 s18, s9;
	v9 =	vld [tilespmem:$0x1FF50]  }
.Ltmp2:
0x417: {  	v10 =	vld [tilespmem:$0x1FF70];
	(pc) =	sbr.rel @p0 .LBB2_1-.Ltmp2, $4  }
0x418: {  	v38 =	vld [tilespmem:$0x1FF90]  }
0x419: {  	v44 =	vld [tilespmem:$0x1FFB0]  }
0x41a: {  	v45 =	vld [tilespmem:$0x1FFD0]  }
0x41b: {  	v30 =	vmovc v40;
	v11 =	vmov v58;
	v7 =	vmov v49;
	v46 =	vmov v51;
	v34 =	vld [tilespmem:$0x1FFE0]  }
0x41c: {  	_ =	sfence.sel $0x180000  }
0x41d: {  	[bflag:$0x0] =	sbarrier.arrive $0xFFFF  }
0x41e: {  	p0 =	sne.s32 s0, $0x0;
	_ =	strace $0x90000047  }
0x41f: {  	s0 =	sadd.s32 @!p0 $0x100000, s1;
	[bflag:$0x2] =	sbarrier.arrive $0xFFFF  }
0x420: {  	[sflag:s0] =	ssyncadd.tile.s32 @!p0 $0x1;
	_ =	shalt  }
.Lfunc_end2:
_tile_overlayer_lowered:
.L_overlay_start_2:
0x421: {  	(tag) =	ssettag $0x2  }
0x422: {  	s0 =	rddreg [dreg:$0x0];
	s2 =	stileid.u32  }
0x423: {  	s1 =	rddreg [dreg:$0x1];
	p0 =	sne.s32 s2, $0x0  }
0x424: {  	s3 =	rddreg [dreg:$0x2];
	[bflag:$0x3] =	sbarrier.arrive $0xFFFF;
	s2 =	simm.s32 @!p0 $0x1C03  }
0x425: {  	[timem:s3], [sflag:s2] =	dma.local @!p0 [hbm:s0], s1  }
0x426: {  	s0 =	simm.s32 @!p0 $0x3  }
0x427: {  	_ =	swait.ge @!p0 [sflag:s0], s1  }
0x428: {  	s1 =	ssub.s32 @!p0 $0x0, s1;
	[sflag:s0] =	ssyncset.done @!p0 $0x0  }
0x429: {  	[sflag:s0] =	ssyncadd.s32 @!p0 s1  }
0x42a: {  	[bflag:$0x3] =	sbarrier.arrive $0xFFFF  }
0x42b: {  	_ =	shalt  }

</sc_bundles>
